<compile_context>
chip_gen: v7x
topology: tpu7x:2x2x1
jax: 0.10.2.dev20260603
libtpu: 0.0.44.dev20260713+nightly
codegen_flags: <defaults>
</compile_context>

<pallas_src>
import functools

import jax
import jax.numpy as jnp
from jax import lax
from jax.experimental import pallas as pl
from jax.experimental.pallas import tpu as pltpu
from jax.experimental.pallas import tpu_sc as plsc

_VOCAB = 1000000
_DIM = 64
_B = 16384
_NC = 2
_NS = 16
_L = 16
_NW = _NC * _NS
_BPW = _B // _NW
_K = 16


def _rot(v, lane, sh):
    return lax.gather(
        v, ((lane + sh) & (_L - 1))[:, None],
        lax.GatherDimensionNumbers(
            offset_dims=(), collapsed_slice_dims=(0,), start_index_map=(0,)),
        (1,), mode=lax.GatherScatterMode.PROMISE_IN_BOUNDS)


def _body(word_hbm, ctx_hbm, w_hbm, c_hbm, out_hbm,
          widx_s, cidx_s, wrows, crows, outv, wsem, csem):
    wid = lax.axis_index("s") * _NC + lax.axis_index("c")
    base = wid * _BPW

    pltpu.sync_copy(word_hbm.at[pl.ds(base, _BPW)], widx_s)
    pltpu.sync_copy(ctx_hbm.at[pl.ds(base, _BPW)], cidx_s)

    lane = lax.iota(jnp.int32, _L)

    wvec = widx_s[pl.ds(0, _L)]
    cvec = cidx_s[pl.ds(0, _L)]
    for j in range(_K):
        pltpu.async_copy(w_hbm.at[pl.ds(wvec[j], 1)], wrows.at[pl.ds(j, 1)],
                         wsem)
        pltpu.async_copy(c_hbm.at[pl.ds(cvec[j], 1)], crows.at[pl.ds(j, 1)],
                         csem)

    nblk = _BPW // _K

    def blk_body(i, carry):
        b0 = i * _K
        slot0 = (i % 2) * _K
        nslot0 = ((i + 1) % 2) * _K
        pltpu.make_async_copy(
            w_hbm.at[pl.ds(0, _K)], wrows.at[pl.ds(slot0, _K)], wsem).wait()
        pltpu.make_async_copy(
            c_hbm.at[pl.ds(0, _K)], crows.at[pl.ds(slot0, _K)], csem).wait()

        @pl.when(i + 1 < nblk)
        def _prefetch():
            wv = widx_s[pl.ds(b0 + _K, _L)]
            cv = cidx_s[pl.ds(b0 + _K, _L)]
            for j in range(_K):
                pltpu.async_copy(w_hbm.at[pl.ds(wv[j], 1)],
                                 wrows.at[pl.ds(nslot0 + j, 1)], wsem)
                pltpu.async_copy(c_hbm.at[pl.ds(cv[j], 1)],
                                 crows.at[pl.ds(nslot0 + j, 1)], csem)

        out = jnp.zeros((_L,), jnp.float32)
        for j in range(_K):
            s = slot0 + j
            acc = wrows[s, pl.ds(0, _L)] * crows[s, pl.ds(0, _L)]
            for k in range(1, _DIM // _L):
                acc = acc + wrows[s, pl.ds(k * _L, _L)] * crows[s, pl.ds(k * _L, _L)]
            for sh in (8, 4, 2, 1):
                acc = acc + _rot(acc, lane, sh)
            out = jnp.where(lane == j, acc, out)
        outv[pl.ds(b0, _L)] = out
        return carry

    lax.fori_loop(0, nblk, blk_body, 0)

    pltpu.sync_copy(outv, out_hbm.at[pl.ds(base, _BPW)])


_mesh = plsc.VectorSubcoreMesh(core_axis_name="c", subcore_axis_name="s")

_sc_call = functools.partial(
    pl.kernel,
    out_type=jax.ShapeDtypeStruct((_B,), jnp.float32),
    mesh=_mesh,
    scratch_types=[
        pltpu.VMEM((_BPW,), jnp.int32),
        pltpu.VMEM((_BPW,), jnp.int32),
        pltpu.VMEM((2 * _K, _DIM), jnp.float32),
        pltpu.VMEM((2 * _K, _DIM), jnp.float32),
        pltpu.VMEM((_BPW,), jnp.float32),
        pltpu.SemaphoreType.DMA,
        pltpu.SemaphoreType.DMA,
    ],
)(_body)


@jax.jit
def kernel(word, context, W, C):
    word = word.astype(jnp.int32)
    context = context.astype(jnp.int32)
    return _sc_call(word, context, W, C)

# --- scband reference (transcript-rebuilt; emitter-appended) ---
"""Pipeline reference for scband-word2-vec-63771674411413 (READ-ONLY COPY).

The authoritative reference and input builder live on the scoring server;
editing this copy changes nothing except your own understanding.
"""

import jax, jax.numpy as jnp
import numpy as np

VOCAB = 1000000
DIM = 64
B = 16384

def setup_inputs(seed: int = 0) -> dict:
    key = jax.random.key(seed)
    k1, k2, k3, k4 = jax.random.split(key, 4)
    word = jax.random.randint(k1, (B,), 0, VOCAB, dtype=jnp.int64)
    context = jax.random.randint(k2, (B,), 0, VOCAB, dtype=jnp.int64)
    W = jax.random.normal(k3, (VOCAB, DIM), dtype=jnp.float32)
    C = jax.random.normal(k4, (VOCAB, DIM), dtype=jnp.float32)
    return {"word": word, "context": context, "W": W, "C": C}

def reference(word, context, W, C):
    # Embedding lookups (gather)
    w_emb = jnp.take(W, word, axis=0)      # [B, DIM]
    c_emb = jnp.take(C, context, axis=0)   # [B, DIM]
    # bmm of [B,1,D] x [B,D,1] == per-row dot product
    x = jnp.sum(w_emb * c_emb, axis=1)     # [B]
    return x.reshape(-1)

if __name__ == "__main__":
    import jax
    _d = setup_inputs()
    print(jax.jit(kernel)(*tuple(_d.values())))

</pallas_src>

<mosaic_0001>
#map = affine_map<(d0, d1) -> (0)>
#map1 = affine_map<(d0, d1) -> (0, 0)>
module attributes {stable_mosaic.version = 14 : i64} {
  func.func @_body(%arg0: i32, %arg1: i32, %arg2: memref<16384xi32, #tpu.memory_space<hbm>>, %arg3: memref<16384xi32, #tpu.memory_space<hbm>>, %arg4: memref<1000000x64xf32, #tpu.memory_space<hbm>>, %arg5: memref<1000000x64xf32, #tpu.memory_space<hbm>>, %arg6: memref<16384xf32, #tpu.memory_space<hbm>>, %arg7: memref<512xi32, #tpu.memory_space<vmem>>, %arg8: memref<512xi32, #tpu.memory_space<vmem>>, %arg9: memref<32x64xf32, #tpu.memory_space<vmem>>, %arg10: memref<32x64xf32, #tpu.memory_space<vmem>>, %arg11: memref<512xf32, #tpu.memory_space<vmem>>, %arg12: memref<!tpu.dma_semaphore, #tpu.memory_space<semaphore_mem>>, %arg13: memref<!tpu.dma_semaphore, #tpu.memory_space<semaphore_mem>>) attributes {dimension_semantics = [#tpu.dimension_semantics<core_parallel>, #tpu.dimension_semantics<subcore_parallel>], iteration_bounds = array<i64: 2, 16>, scalar_prefetch = 0 : i64, scratch_operands = 7 : i64, tpu.core_type = #tpu.core_type<sc_vector_subcore>, window_params = [{transform_indices = #map}, {transform_indices = #map}, {transform_indices = #map1}, {transform_indices = #map1}, {transform_indices = #map}]} {
    %mul3A = arith.constant 2 : i32
    %mul3A_0 = arith.muli %arg1, %mul3A : i32
    %add3A = arith.addi %mul3A_0, %arg0 : i32
    %mul3A_1 = arith.constant 512 : i32
    %mul3A_2 = arith.muli %add3A, %mul3A_1 : i32
    "tpu.region"() ({
      %run_scoped3A = tpu.sem_alloc : memref<!tpu.dma_semaphore, #tpu.memory_space<semaphore_mem>>
      %dma_start3A_394 = tpu.memref_slice %arg2[%mul3A_2] : memref<16384xi32, #tpu.memory_space<hbm>> -> memref<512xi32, #tpu.memory_space<hbm>>
      %dma_start3A_395 = tpu.memref_slice %arg2[%mul3A_2] : memref<16384xi32, #tpu.memory_space<hbm>> -> memref<512xi32, #tpu.memory_space<hbm>>
      tpu.enqueue_dma source(%dma_start3A_395 : memref<512xi32, #tpu.memory_space<hbm>>) target(%arg7 : memref<512xi32, #tpu.memory_space<vmem>>) target_semaphore(%run_scoped3A : memref<!tpu.dma_semaphore, #tpu.memory_space<semaphore_mem>>)
      %dma_wait3A = tpu.memref_slice %arg2[%mul3A_2] : memref<16384xi32, #tpu.memory_space<hbm>> -> memref<512xi32, #tpu.memory_space<hbm>>
      %dma_wait3A_396 = tpu.memref_slice %arg2[%mul3A_2] : memref<16384xi32, #tpu.memory_space<hbm>> -> memref<512xi32, #tpu.memory_space<hbm>>
      tpu.wait_dma2 semaphore(%run_scoped3A : memref<!tpu.dma_semaphore, #tpu.memory_space<semaphore_mem>>) src(%dma_wait3A_396 : memref<512xi32, #tpu.memory_space<hbm>>) dst(%arg7 : memref<512xi32, #tpu.memory_space<vmem>>)
      tpu.yield
    }) : () -> ()
    "tpu.region"() ({
      %run_scoped3A = tpu.sem_alloc : memref<!tpu.dma_semaphore, #tpu.memory_space<semaphore_mem>>
      %dma_start3A_394 = tpu.memref_slice %arg3[%mul3A_2] : memref<16384xi32, #tpu.memory_space<hbm>> -> memref<512xi32, #tpu.memory_space<hbm>>
      %dma_start3A_395 = tpu.memref_slice %arg3[%mul3A_2] : memref<16384xi32, #tpu.memory_space<hbm>> -> memref<512xi32, #tpu.memory_space<hbm>>
      tpu.enqueue_dma source(%dma_start3A_395 : memref<512xi32, #tpu.memory_space<hbm>>) target(%arg8 : memref<512xi32, #tpu.memory_space<vmem>>) target_semaphore(%run_scoped3A : memref<!tpu.dma_semaphore, #tpu.memory_space<semaphore_mem>>)
      %dma_wait3A = tpu.memref_slice %arg3[%mul3A_2] : memref<16384xi32, #tpu.memory_space<hbm>> -> memref<512xi32, #tpu.memory_space<hbm>>
      %dma_wait3A_396 = tpu.memref_slice %arg3[%mul3A_2] : memref<16384xi32, #tpu.memory_space<hbm>> -> memref<512xi32, #tpu.memory_space<hbm>>
      tpu.wait_dma2 semaphore(%run_scoped3A : memref<!tpu.dma_semaphore, #tpu.memory_space<semaphore_mem>>) src(%dma_wait3A_396 : memref<512xi32, #tpu.memory_space<hbm>>) dst(%arg8 : memref<512xi32, #tpu.memory_space<vmem>>)
      tpu.yield
    }) : () -> ()
    %iota3A = tpu.iota {dimensions = array<i32: 0>} : vector<16xi32>
    %get3A = arith.constant 0 : index
    %get3A_3 = tpu.vector_load %arg7[%get3A] {strides = array<i32>} : memref<512xi32, #tpu.memory_space<vmem>>, vector<16xi32>,
    %get3A_4 = vector.shape_cast %get3A_3 : vector<16xi32> to vector<16xi32>
    %get3A_5 = arith.constant 0 : index
    %get3A_6 = tpu.vector_load %arg8[%get3A_5] {strides = array<i32>} : memref<512xi32, #tpu.memory_space<vmem>>, vector<16xi32>,
    %get3A_7 = vector.shape_cast %get3A_6 : vector<16xi32> to vector<16xi32>
    %slice3A = vector.extract_strided_slice %get3A_4 {offsets = [0], sizes = [1], strides = [1]} : vector<16xi32> to vector<1xi32>
    %squeeze3A = vector.extract %slice3A[0] : i32 from vector<1xi32>
    %dma_start3A = arith.constant 0 : i32
    %dma_start3A_8 = arith.constant 0 : i32
    %dma_start3A_9 = tpu.memref_slice %arg9[%dma_start3A, %dma_start3A_8] : memref<32x64xf32, #tpu.memory_space<vmem>> -> memref<1x64xf32, #tpu.memory_space<vmem>>
    %dma_start3A_10 = arith.constant 0 : i32
    %dma_start3A_11 = tpu.memref_slice %arg4[%squeeze3A, %dma_start3A_10] : memref<1000000x64xf32, #tpu.memory_space<hbm>> -> memref<1x64xf32, #tpu.memory_space<hbm>>
    %dma_start3A_12 = arith.constant 0 : i32
    %dma_start3A_13 = arith.constant 0 : i32
    %dma_start3A_14 = tpu.memref_slice %arg9[%dma_start3A_12, %dma_start3A_13] : memref<32x64xf32, #tpu.memory_space<vmem>> -> memref<1x64xf32, #tpu.memory_space<vmem>>
    %dma_start3A_15 = arith.constant 0 : i32
    %dma_start3A_16 = tpu.memref_slice %arg4[%squeeze3A, %dma_start3A_15] : memref<1000000x64xf32, #tpu.memory_space<hbm>> -> memref<1x64xf32, #tpu.memory_space<hbm>>
    tpu.enqueue_dma source(%dma_start3A_16 : memref<1x64xf32, #tpu.memory_space<hbm>>) target(%dma_start3A_14 : memref<1x64xf32, #tpu.memory_space<vmem>>) target_semaphore(%arg12 : memref<!tpu.dma_semaphore, #tpu.memory_space<semaphore_mem>>)
    %slice3A_17 = vector.extract_strided_slice %get3A_7 {offsets = [0], sizes = [1], strides = [1]} : vector<16xi32> to vector<1xi32>
    %squeeze3A_18 = vector.extract %slice3A_17[0] : i32 from vector<1xi32>
    %dma_start3A_19 = arith.constant 0 : i32
    %dma_start3A_20 = arith.constant 0 : i32
    %dma_start3A_21 = tpu.memref_slice %arg10[%dma_start3A_19, %dma_start3A_20] : memref<32x64xf32, #tpu.memory_space<vmem>> -> memref<1x64xf32, #tpu.memory_space<vmem>>
    %dma_start3A_22 = arith.constant 0 : i32
    %dma_start3A_23 = tpu.memref_slice %arg5[%squeeze3A_18, %dma_start3A_22] : memref<1000000x64xf32, #tpu.memory_space<hbm>> -> memref<1x64xf32, #tpu.memory_space<hbm>>
    %dma_start3A_24 = arith.constant 0 : i32
    %dma_start3A_25 = arith.constant 0 : i32
    %dma_start3A_26 = tpu.memref_slice %arg10[%dma_start3A_24, %dma_start3A_25] : memref<32x64xf32, #tpu.memory_space<vmem>> -> memref<1x64xf32, #tpu.memory_space<vmem>>
    %dma_start3A_27 = arith.constant 0 : i32
    %dma_start3A_28 = tpu.memref_slice %arg5[%squeeze3A_18, %dma_start3A_27] : memref<1000000x64xf32, #tpu.memory_space<hbm>> -> memref<1x64xf32, #tpu.memory_space<hbm>>
    tpu.enqueue_dma source(%dma_start3A_28 : memref<1x64xf32, #tpu.memory_space<hbm>>) target(%dma_start3A_26 : memref<1x64xf32, #tpu.memory_space<vmem>>) target_semaphore(%arg13 : memref<!tpu.dma_semaphore, #tpu.memory_space<semaphore_mem>>)
    %slice3A_29 = vector.extract_strided_slice %get3A_4 {offsets = [1], sizes = [1], strides = [1]} : vector<16xi32> to vector<1xi32>
    %squeeze3A_30 = vector.extract %slice3A_29[0] : i32 from vector<1xi32>
    %dma_start3A_31 = arith.constant 1 : i32
    %dma_start3A_32 = arith.constant 0 : i32
    %dma_start3A_33 = tpu.memref_slice %arg9[%dma_start3A_31, %dma_start3A_32] : memref<32x64xf32, #tpu.memory_space<vmem>> -> memref<1x64xf32, #tpu.memory_space<vmem>>
    %dma_start3A_34 = arith.constant 0 : i32
    %dma_start3A_35 = tpu.memref_slice %arg4[%squeeze3A_30, %dma_start3A_34] : memref<1000000x64xf32, #tpu.memory_space<hbm>> -> memref<1x64xf32, #tpu.memory_space<hbm>>
    %dma_start3A_36 = arith.constant 1 : i32
    %dma_start3A_37 = arith.constant 0 : i32
    %dma_start3A_38 = tpu.memref_slice %arg9[%dma_start3A_36, %dma_start3A_37] : memref<32x64xf32, #tpu.memory_space<vmem>> -> memref<1x64xf32, #tpu.memory_space<vmem>>
    %dma_start3A_39 = arith.constant 0 : i32
    %dma_start3A_40 = tpu.memref_slice %arg4[%squeeze3A_30, %dma_start3A_39] : memref<1000000x64xf32, #tpu.memory_space<hbm>> -> memref<1x64xf32, #tpu.memory_space<hbm>>
    tpu.enqueue_dma source(%dma_start3A_40 : memref<1x64xf32, #tpu.memory_space<hbm>>) target(%dma_start3A_38 : memref<1x64xf32, #tpu.memory_space<vmem>>) target_semaphore(%arg12 : memref<!tpu.dma_semaphore, #tpu.memory_space<semaphore_mem>>)
    %slice3A_41 = vector.extract_strided_slice %get3A_7 {offsets = [1], sizes = [1], strides = [1]} : vector<16xi32> to vector<1xi32>
    %squeeze3A_42 = vector.extract %slice3A_41[0] : i32 from vector<1xi32>
    %dma_start3A_43 = arith.constant 1 : i32
    %dma_start3A_44 = arith.constant 0 : i32
    %dma_start3A_45 = tpu.memref_slice %arg10[%dma_start3A_43, %dma_start3A_44] : memref<32x64xf32, #tpu.memory_space<vmem>> -> memref<1x64xf32, #tpu.memory_space<vmem>>
    %dma_start3A_46 = arith.constant 0 : i32
    %dma_start3A_47 = tpu.memref_slice %arg5[%squeeze3A_42, %dma_start3A_46] : memref<1000000x64xf32, #tpu.memory_space<hbm>> -> memref<1x64xf32, #tpu.memory_space<hbm>>
    %dma_start3A_48 = arith.constant 1 : i32
    %dma_start3A_49 = arith.constant 0 : i32
    %dma_start3A_50 = tpu.memref_slice %arg10[%dma_start3A_48, %dma_start3A_49] : memref<32x64xf32, #tpu.memory_space<vmem>> -> memref<1x64xf32, #tpu.memory_space<vmem>>
    %dma_start3A_51 = arith.constant 0 : i32
    %dma_start3A_52 = tpu.memref_slice %arg5[%squeeze3A_42, %dma_start3A_51] : memref<1000000x64xf32, #tpu.memory_space<hbm>> -> memref<1x64xf32, #tpu.memory_space<hbm>>
    tpu.enqueue_dma source(%dma_start3A_52 : memref<1x64xf32, #tpu.memory_space<hbm>>) target(%dma_start3A_50 : memref<1x64xf32, #tpu.memory_space<vmem>>) target_semaphore(%arg13 : memref<!tpu.dma_semaphore, #tpu.memory_space<semaphore_mem>>)
    %slice3A_53 = vector.extract_strided_slice %get3A_4 {offsets = [2], sizes = [1], strides = [1]} : vector<16xi32> to vector<1xi32>
    %squeeze3A_54 = vector.extract %slice3A_53[0] : i32 from vector<1xi32>
    %dma_start3A_55 = arith.constant 2 : i32
    %dma_start3A_56 = arith.constant 0 : i32
    %dma_start3A_57 = tpu.memref_slice %arg9[%dma_start3A_55, %dma_start3A_56] : memref<32x64xf32, #tpu.memory_space<vmem>> -> memref<1x64xf32, #tpu.memory_space<vmem>>
    %dma_start3A_58 = arith.constant 0 : i32
    %dma_start3A_59 = tpu.memref_slice %arg4[%squeeze3A_54, %dma_start3A_58] : memref<1000000x64xf32, #tpu.memory_space<hbm>> -> memref<1x64xf32, #tpu.memory_space<hbm>>
    %dma_start3A_60 = arith.constant 2 : i32
    %dma_start3A_61 = arith.constant 0 : i32
    %dma_start3A_62 = tpu.memref_slice %arg9[%dma_start3A_60, %dma_start3A_61] : memref<32x64xf32, #tpu.memory_space<vmem>> -> memref<1x64xf32, #tpu.memory_space<vmem>>
    %dma_start3A_63 = arith.constant 0 : i32
    %dma_start3A_64 = tpu.memref_slice %arg4[%squeeze3A_54, %dma_start3A_63] : memref<1000000x64xf32, #tpu.memory_space<hbm>> -> memref<1x64xf32, #tpu.memory_space<hbm>>
    tpu.enqueue_dma source(%dma_start3A_64 : memref<1x64xf32, #tpu.memory_space<hbm>>) target(%dma_start3A_62 : memref<1x64xf32, #tpu.memory_space<vmem>>) target_semaphore(%arg12 : memref<!tpu.dma_semaphore, #tpu.memory_space<semaphore_mem>>)
    %slice3A_65 = vector.extract_strided_slice %get3A_7 {offsets = [2], sizes = [1], strides = [1]} : vector<16xi32> to vector<1xi32>
    %squeeze3A_66 = vector.extract %slice3A_65[0] : i32 from vector<1xi32>
    %dma_start3A_67 = arith.constant 2 : i32
    %dma_start3A_68 = arith.constant 0 : i32
    %dma_start3A_69 = tpu.memref_slice %arg10[%dma_start3A_67, %dma_start3A_68] : memref<32x64xf32, #tpu.memory_space<vmem>> -> memref<1x64xf32, #tpu.memory_space<vmem>>
    %dma_start3A_70 = arith.constant 0 : i32
    %dma_start3A_71 = tpu.memref_slice %arg5[%squeeze3A_66, %dma_start3A_70] : memref<1000000x64xf32, #tpu.memory_space<hbm>> -> memref<1x64xf32, #tpu.memory_space<hbm>>
    %dma_start3A_72 = arith.constant 2 : i32
    %dma_start3A_73 = arith.constant 0 : i32
    %dma_start3A_74 = tpu.memref_slice %arg10[%dma_start3A_72, %dma_start3A_73] : memref<32x64xf32, #tpu.memory_space<vmem>> -> memref<1x64xf32, #tpu.memory_space<vmem>>
    %dma_start3A_75 = arith.constant 0 : i32
    %dma_start3A_76 = tpu.memref_slice %arg5[%squeeze3A_66, %dma_start3A_75] : memref<1000000x64xf32, #tpu.memory_space<hbm>> -> memref<1x64xf32, #tpu.memory_space<hbm>>
    tpu.enqueue_dma source(%dma_start3A_76 : memref<1x64xf32, #tpu.memory_space<hbm>>) target(%dma_start3A_74 : memref<1x64xf32, #tpu.memory_space<vmem>>) target_semaphore(%arg13 : memref<!tpu.dma_semaphore, #tpu.memory_space<semaphore_mem>>)
    %slice3A_77 = vector.extract_strided_slice %get3A_4 {offsets = [3], sizes = [1], strides = [1]} : vector<16xi32> to vector<1xi32>
    %squeeze3A_78 = vector.extract %slice3A_77[0] : i32 from vector<1xi32>
    %dma_start3A_79 = arith.constant 3 : i32
    %dma_start3A_80 = arith.constant 0 : i32
    %dma_start3A_81 = tpu.memref_slice %arg9[%dma_start3A_79, %dma_start3A_80] : memref<32x64xf32, #tpu.memory_space<vmem>> -> memref<1x64xf32, #tpu.memory_space<vmem>>
    %dma_start3A_82 = arith.constant 0 : i32
    %dma_start3A_83 = tpu.memref_slice %arg4[%squeeze3A_78, %dma_start3A_82] : memref<1000000x64xf32, #tpu.memory_space<hbm>> -> memref<1x64xf32, #tpu.memory_space<hbm>>
    %dma_start3A_84 = arith.constant 3 : i32
    %dma_start3A_85 = arith.constant 0 : i32
    %dma_start3A_86 = tpu.memref_slice %arg9[%dma_start3A_84, %dma_start3A_85] : memref<32x64xf32, #tpu.memory_space<vmem>> -> memref<1x64xf32, #tpu.memory_space<vmem>>
    %dma_start3A_87 = arith.constant 0 : i32
    %dma_start3A_88 = tpu.memref_slice %arg4[%squeeze3A_78, %dma_start3A_87] : memref<1000000x64xf32, #tpu.memory_space<hbm>> -> memref<1x64xf32, #tpu.memory_space<hbm>>
    tpu.enqueue_dma source(%dma_start3A_88 : memref<1x64xf32, #tpu.memory_space<hbm>>) target(%dma_start3A_86 : memref<1x64xf32, #tpu.memory_space<vmem>>) target_semaphore(%arg12 : memref<!tpu.dma_semaphore, #tpu.memory_space<semaphore_mem>>)
    %slice3A_89 = vector.extract_strided_slice %get3A_7 {offsets = [3], sizes = [1], strides = [1]} : vector<16xi32> to vector<1xi32>
    %squeeze3A_90 = vector.extract %slice3A_89[0] : i32 from vector<1xi32>
    %dma_start3A_91 = arith.constant 3 : i32
    %dma_start3A_92 = arith.constant 0 : i32
    %dma_start3A_93 = tpu.memref_slice %arg10[%dma_start3A_91, %dma_start3A_92] : memref<32x64xf32, #tpu.memory_space<vmem>> -> memref<1x64xf32, #tpu.memory_space<vmem>>
    %dma_start3A_94 = arith.constant 0 : i32
    %dma_start3A_95 = tpu.memref_slice %arg5[%squeeze3A_90, %dma_start3A_94] : memref<1000000x64xf32, #tpu.memory_space<hbm>> -> memref<1x64xf32, #tpu.memory_space<hbm>>
    %dma_start3A_96 = arith.constant 3 : i32
    %dma_start3A_97 = arith.constant 0 : i32
    %dma_start3A_98 = tpu.memref_slice %arg10[%dma_start3A_96, %dma_start3A_97] : memref<32x64xf32, #tpu.memory_space<vmem>> -> memref<1x64xf32, #tpu.memory_space<vmem>>
    %dma_start3A_99 = arith.constant 0 : i32
    %dma_start3A_100 = tpu.memref_slice %arg5[%squeeze3A_90, %dma_start3A_99] : memref<1000000x64xf32, #tpu.memory_space<hbm>> -> memref<1x64xf32, #tpu.memory_space<hbm>>
    tpu.enqueue_dma source(%dma_start3A_100 : memref<1x64xf32, #tpu.memory_space<hbm>>) target(%dma_start3A_98 : memref<1x64xf32, #tpu.memory_space<vmem>>) target_semaphore(%arg13 : memref<!tpu.dma_semaphore, #tpu.memory_space<semaphore_mem>>)
    %slice3A_101 = vector.extract_strided_slice %get3A_4 {offsets = [4], sizes = [1], strides = [1]} : vector<16xi32> to vector<1xi32>
    %squeeze3A_102 = vector.extract %slice3A_101[0] : i32 from vector<1xi32>
    %dma_start3A_103 = arith.constant 4 : i32
    %dma_start3A_104 = arith.constant 0 : i32
    %dma_start3A_105 = tpu.memref_slice %arg9[%dma_start3A_103, %dma_start3A_104] : memref<32x64xf32, #tpu.memory_space<vmem>> -> memref<1x64xf32, #tpu.memory_space<vmem>>
    %dma_start3A_106 = arith.constant 0 : i32
    %dma_start3A_107 = tpu.memref_slice %arg4[%squeeze3A_102, %dma_start3A_106] : memref<1000000x64xf32, #tpu.memory_space<hbm>> -> memref<1x64xf32, #tpu.memory_space<hbm>>
    %dma_start3A_108 = arith.constant 4 : i32
    %dma_start3A_109 = arith.constant 0 : i32
    %dma_start3A_110 = tpu.memref_slice %arg9[%dma_start3A_108, %dma_start3A_109] : memref<32x64xf32, #tpu.memory_space<vmem>> -> memref<1x64xf32, #tpu.memory_space<vmem>>
    %dma_start3A_111 = arith.constant 0 : i32
    %dma_start3A_112 = tpu.memref_slice %arg4[%squeeze3A_102, %dma_start3A_111] : memref<1000000x64xf32, #tpu.memory_space<hbm>> -> memref<1x64xf32, #tpu.memory_space<hbm>>
    tpu.enqueue_dma source(%dma_start3A_112 : memref<1x64xf32, #tpu.memory_space<hbm>>) target(%dma_start3A_110 : memref<1x64xf32, #tpu.memory_space<vmem>>) target_semaphore(%arg12 : memref<!tpu.dma_semaphore, #tpu.memory_space<semaphore_mem>>)
    %slice3A_113 = vector.extract_strided_slice %get3A_7 {offsets = [4], sizes = [1], strides = [1]} : vector<16xi32> to vector<1xi32>
    %squeeze3A_114 = vector.extract %slice3A_113[0] : i32 from vector<1xi32>
    %dma_start3A_115 = arith.constant 4 : i32
    %dma_start3A_116 = arith.constant 0 : i32
    %dma_start3A_117 = tpu.memref_slice %arg10[%dma_start3A_115, %dma_start3A_116] : memref<32x64xf32, #tpu.memory_space<vmem>> -> memref<1x64xf32, #tpu.memory_space<vmem>>
    %dma_start3A_118 = arith.constant 0 : i32
    %dma_start3A_119 = tpu.memref_slice %arg5[%squeeze3A_114, %dma_start3A_118] : memref<1000000x64xf32, #tpu.memory_space<hbm>> -> memref<1x64xf32, #tpu.memory_space<hbm>>
    %dma_start3A_120 = arith.constant 4 : i32
    %dma_start3A_121 = arith.constant 0 : i32
    %dma_start3A_122 = tpu.memref_slice %arg10[%dma_start3A_120, %dma_start3A_121] : memref<32x64xf32, #tpu.memory_space<vmem>> -> memref<1x64xf32, #tpu.memory_space<vmem>>
    %dma_start3A_123 = arith.constant 0 : i32
    %dma_start3A_124 = tpu.memref_slice %arg5[%squeeze3A_114, %dma_start3A_123] : memref<1000000x64xf32, #tpu.memory_space<hbm>> -> memref<1x64xf32, #tpu.memory_space<hbm>>
    tpu.enqueue_dma source(%dma_start3A_124 : memref<1x64xf32, #tpu.memory_space<hbm>>) target(%dma_start3A_122 : memref<1x64xf32, #tpu.memory_space<vmem>>) target_semaphore(%arg13 : memref<!tpu.dma_semaphore, #tpu.memory_space<semaphore_mem>>)
    %slice3A_125 = vector.extract_strided_slice %get3A_4 {offsets = [5], sizes = [1], strides = [1]} : vector<16xi32> to vector<1xi32>
    %squeeze3A_126 = vector.extract %slice3A_125[0] : i32 from vector<1xi32>
    %dma_start3A_127 = arith.constant 5 : i32
    %dma_start3A_128 = arith.constant 0 : i32
    %dma_start3A_129 = tpu.memref_slice %arg9[%dma_start3A_127, %dma_start3A_128] : memref<32x64xf32, #tpu.memory_space<vmem>> -> memref<1x64xf32, #tpu.memory_space<vmem>>
    %dma_start3A_130 = arith.constant 0 : i32
    %dma_start3A_131 = tpu.memref_slice %arg4[%squeeze3A_126, %dma_start3A_130] : memref<1000000x64xf32, #tpu.memory_space<hbm>> -> memref<1x64xf32, #tpu.memory_space<hbm>>
    %dma_start3A_132 = arith.constant 5 : i32
    %dma_start3A_133 = arith.constant 0 : i32
    %dma_start3A_134 = tpu.memref_slice %arg9[%dma_start3A_132, %dma_start3A_133] : memref<32x64xf32, #tpu.memory_space<vmem>> -> memref<1x64xf32, #tpu.memory_space<vmem>>
    %dma_start3A_135 = arith.constant 0 : i32
    %dma_start3A_136 = tpu.memref_slice %arg4[%squeeze3A_126, %dma_start3A_135] : memref<1000000x64xf32, #tpu.memory_space<hbm>> -> memref<1x64xf32, #tpu.memory_space<hbm>>
    tpu.enqueue_dma source(%dma_start3A_136 : memref<1x64xf32, #tpu.memory_space<hbm>>) target(%dma_start3A_134 : memref<1x64xf32, #tpu.memory_space<vmem>>) target_semaphore(%arg12 : memref<!tpu.dma_semaphore, #tpu.memory_space<semaphore_mem>>)
    %slice3A_137 = vector.extract_strided_slice %get3A_7 {offsets = [5], sizes = [1], strides = [1]} : vector<16xi32> to vector<1xi32>
    %squeeze3A_138 = vector.extract %slice3A_137[0] : i32 from vector<1xi32>
    %dma_start3A_139 = arith.constant 5 : i32
    %dma_start3A_140 = arith.constant 0 : i32
    %dma_start3A_141 = tpu.memref_slice %arg10[%dma_start3A_139, %dma_start3A_140] : memref<32x64xf32, #tpu.memory_space<vmem>> -> memref<1x64xf32, #tpu.memory_space<vmem>>
    %dma_start3A_142 = arith.constant 0 : i32
    %dma_start3A_143 = tpu.memref_slice %arg5[%squeeze3A_138, %dma_start3A_142] : memref<1000000x64xf32, #tpu.memory_space<hbm>> -> memref<1x64xf32, #tpu.memory_space<hbm>>
    %dma_start3A_144 = arith.constant 5 : i32
    %dma_start3A_145 = arith.constant 0 : i32
    %dma_start3A_146 = tpu.memref_slice %arg10[%dma_start3A_144, %dma_start3A_145] : memref<32x64xf32, #tpu.memory_space<vmem>> -> memref<1x64xf32, #tpu.memory_space<vmem>>
    %dma_start3A_147 = arith.constant 0 : i32
    %dma_start3A_148 = tpu.memref_slice %arg5[%squeeze3A_138, %dma_start3A_147] : memref<1000000x64xf32, #tpu.memory_space<hbm>> -> memref<1x64xf32, #tpu.memory_space<hbm>>
    tpu.enqueue_dma source(%dma_start3A_148 : memref<1x64xf32, #tpu.memory_space<hbm>>) target(%dma_start3A_146 : memref<1x64xf32, #tpu.memory_space<vmem>>) target_semaphore(%arg13 : memref<!tpu.dma_semaphore, #tpu.memory_space<semaphore_mem>>)
    %slice3A_149 = vector.extract_strided_slice %get3A_4 {offsets = [6], sizes = [1], strides = [1]} : vector<16xi32> to vector<1xi32>
    %squeeze3A_150 = vector.extract %slice3A_149[0] : i32 from vector<1xi32>
    %dma_start3A_151 = arith.constant 6 : i32
    %dma_start3A_152 = arith.constant 0 : i32
    %dma_start3A_153 = tpu.memref_slice %arg9[%dma_start3A_151, %dma_start3A_152] : memref<32x64xf32, #tpu.memory_space<vmem>> -> memref<1x64xf32, #tpu.memory_space<vmem>>
    %dma_start3A_154 = arith.constant 0 : i32
    %dma_start3A_155 = tpu.memref_slice %arg4[%squeeze3A_150, %dma_start3A_154] : memref<1000000x64xf32, #tpu.memory_space<hbm>> -> memref<1x64xf32, #tpu.memory_space<hbm>>
    %dma_start3A_156 = arith.constant 6 : i32
    %dma_start3A_157 = arith.constant 0 : i32
    %dma_start3A_158 = tpu.memref_slice %arg9[%dma_start3A_156, %dma_start3A_157] : memref<32x64xf32, #tpu.memory_space<vmem>> -> memref<1x64xf32, #tpu.memory_space<vmem>>
    %dma_start3A_159 = arith.constant 0 : i32
    %dma_start3A_160 = tpu.memref_slice %arg4[%squeeze3A_150, %dma_start3A_159] : memref<1000000x64xf32, #tpu.memory_space<hbm>> -> memref<1x64xf32, #tpu.memory_space<hbm>>
    tpu.enqueue_dma source(%dma_start3A_160 : memref<1x64xf32, #tpu.memory_space<hbm>>) target(%dma_start3A_158 : memref<1x64xf32, #tpu.memory_space<vmem>>) target_semaphore(%arg12 : memref<!tpu.dma_semaphore, #tpu.memory_space<semaphore_mem>>)
    %slice3A_161 = vector.extract_strided_slice %get3A_7 {offsets = [6], sizes = [1], strides = [1]} : vector<16xi32> to vector<1xi32>
    %squeeze3A_162 = vector.extract %slice3A_161[0] : i32 from vector<1xi32>
    %dma_start3A_163 = arith.constant 6 : i32
    %dma_start3A_164 = arith.constant 0 : i32
    %dma_start3A_165 = tpu.memref_slice %arg10[%dma_start3A_163, %dma_start3A_164] : memref<32x64xf32, #tpu.memory_space<vmem>> -> memref<1x64xf32, #tpu.memory_space<vmem>>
    %dma_start3A_166 = arith.constant 0 : i32
    %dma_start3A_167 = tpu.memref_slice %arg5[%squeeze3A_162, %dma_start3A_166] : memref<1000000x64xf32, #tpu.memory_space<hbm>> -> memref<1x64xf32, #tpu.memory_space<hbm>>
    %dma_start3A_168 = arith.constant 6 : i32
    %dma_start3A_169 = arith.constant 0 : i32
    %dma_start3A_170 = tpu.memref_slice %arg10[%dma_start3A_168, %dma_start3A_169] : memref<32x64xf32, #tpu.memory_space<vmem>> -> memref<1x64xf32, #tpu.memory_space<vmem>>
    %dma_start3A_171 = arith.constant 0 : i32
    %dma_start3A_172 = tpu.memref_slice %arg5[%squeeze3A_162, %dma_start3A_171] : memref<1000000x64xf32, #tpu.memory_space<hbm>> -> memref<1x64xf32, #tpu.memory_space<hbm>>
    tpu.enqueue_dma source(%dma_start3A_172 : memref<1x64xf32, #tpu.memory_space<hbm>>) target(%dma_start3A_170 : memref<1x64xf32, #tpu.memory_space<vmem>>) target_semaphore(%arg13 : memref<!tpu.dma_semaphore, #tpu.memory_space<semaphore_mem>>)
    %slice3A_173 = vector.extract_strided_slice %get3A_4 {offsets = [7], sizes = [1], strides = [1]} : vector<16xi32> to vector<1xi32>
    %squeeze3A_174 = vector.extract %slice3A_173[0] : i32 from vector<1xi32>
    %dma_start3A_175 = arith.constant 7 : i32
    %dma_start3A_176 = arith.constant 0 : i32
    %dma_start3A_177 = tpu.memref_slice %arg9[%dma_start3A_175, %dma_start3A_176] : memref<32x64xf32, #tpu.memory_space<vmem>> -> memref<1x64xf32, #tpu.memory_space<vmem>>
    %dma_start3A_178 = arith.constant 0 : i32
    %dma_start3A_179 = tpu.memref_slice %arg4[%squeeze3A_174, %dma_start3A_178] : memref<1000000x64xf32, #tpu.memory_space<hbm>> -> memref<1x64xf32, #tpu.memory_space<hbm>>
    %dma_start3A_180 = arith.constant 7 : i32
    %dma_start3A_181 = arith.constant 0 : i32
    %dma_start3A_182 = tpu.memref_slice %arg9[%dma_start3A_180, %dma_start3A_181] : memref<32x64xf32, #tpu.memory_space<vmem>> -> memref<1x64xf32, #tpu.memory_space<vmem>>
    %dma_start3A_183 = arith.constant 0 : i32
    %dma_start3A_184 = tpu.memref_slice %arg4[%squeeze3A_174, %dma_start3A_183] : memref<1000000x64xf32, #tpu.memory_space<hbm>> -> memref<1x64xf32, #tpu.memory_space<hbm>>
    tpu.enqueue_dma source(%dma_start3A_184 : memref<1x64xf32, #tpu.memory_space<hbm>>) target(%dma_start3A_182 : memref<1x64xf32, #tpu.memory_space<vmem>>) target_semaphore(%arg12 : memref<!tpu.dma_semaphore, #tpu.memory_space<semaphore_mem>>)
    %slice3A_185 = vector.extract_strided_slice %get3A_7 {offsets = [7], sizes = [1], strides = [1]} : vector<16xi32> to vector<1xi32>
    %squeeze3A_186 = vector.extract %slice3A_185[0] : i32 from vector<1xi32>
    %dma_start3A_187 = arith.constant 7 : i32
    %dma_start3A_188 = arith.constant 0 : i32
    %dma_start3A_189 = tpu.memref_slice %arg10[%dma_start3A_187, %dma_start3A_188] : memref<32x64xf32, #tpu.memory_space<vmem>> -> memref<1x64xf32, #tpu.memory_space<vmem>>
    %dma_start3A_190 = arith.constant 0 : i32
    %dma_start3A_191 = tpu.memref_slice %arg5[%squeeze3A_186, %dma_start3A_190] : memref<1000000x64xf32, #tpu.memory_space<hbm>> -> memref<1x64xf32, #tpu.memory_space<hbm>>
    %dma_start3A_192 = arith.constant 7 : i32
    %dma_start3A_193 = arith.constant 0 : i32
    %dma_start3A_194 = tpu.memref_slice %arg10[%dma_start3A_192, %dma_start3A_193] : memref<32x64xf32, #tpu.memory_space<vmem>> -> memref<1x64xf32, #tpu.memory_space<vmem>>
    %dma_start3A_195 = arith.constant 0 : i32
    %dma_start3A_196 = tpu.memref_slice %arg5[%squeeze3A_186, %dma_start3A_195] : memref<1000000x64xf32, #tpu.memory_space<hbm>> -> memref<1x64xf32, #tpu.memory_space<hbm>>
    tpu.enqueue_dma source(%dma_start3A_196 : memref<1x64xf32, #tpu.memory_space<hbm>>) target(%dma_start3A_194 : memref<1x64xf32, #tpu.memory_space<vmem>>) target_semaphore(%arg13 : memref<!tpu.dma_semaphore, #tpu.memory_space<semaphore_mem>>)
    %slice3A_197 = vector.extract_strided_slice %get3A_4 {offsets = [8], sizes = [1], strides = [1]} : vector<16xi32> to vector<1xi32>
    %squeeze3A_198 = vector.extract %slice3A_197[0] : i32 from vector<1xi32>
    %dma_start3A_199 = arith.constant 8 : i32
    %dma_start3A_200 = arith.constant 0 : i32
    %dma_start3A_201 = tpu.memref_slice %arg9[%dma_start3A_199, %dma_start3A_200] : memref<32x64xf32, #tpu.memory_space<vmem>> -> memref<1x64xf32, #tpu.memory_space<vmem>>
    %dma_start3A_202 = arith.constant 0 : i32
    %dma_start3A_203 = tpu.memref_slice %arg4[%squeeze3A_198, %dma_start3A_202] : memref<1000000x64xf32, #tpu.memory_space<hbm>> -> memref<1x64xf32, #tpu.memory_space<hbm>>
    %dma_start3A_204 = arith.constant 8 : i32
    %dma_start3A_205 = arith.constant 0 : i32
    %dma_start3A_206 = tpu.memref_slice %arg9[%dma_start3A_204, %dma_start3A_205] : memref<32x64xf32, #tpu.memory_space<vmem>> -> memref<1x64xf32, #tpu.memory_space<vmem>>
    %dma_start3A_207 = arith.constant 0 : i32
    %dma_start3A_208 = tpu.memref_slice %arg4[%squeeze3A_198, %dma_start3A_207] : memref<1000000x64xf32, #tpu.memory_space<hbm>> -> memref<1x64xf32, #tpu.memory_space<hbm>>
    tpu.enqueue_dma source(%dma_start3A_208 : memref<1x64xf32, #tpu.memory_space<hbm>>) target(%dma_start3A_206 : memref<1x64xf32, #tpu.memory_space<vmem>>) target_semaphore(%arg12 : memref<!tpu.dma_semaphore, #tpu.memory_space<semaphore_mem>>)
    %slice3A_209 = vector.extract_strided_slice %get3A_7 {offsets = [8], sizes = [1], strides = [1]} : vector<16xi32> to vector<1xi32>
    %squeeze3A_210 = vector.extract %slice3A_209[0] : i32 from vector<1xi32>
    %dma_start3A_211 = arith.constant 8 : i32
    %dma_start3A_212 = arith.constant 0 : i32
    %dma_start3A_213 = tpu.memref_slice %arg10[%dma_start3A_211, %dma_start3A_212] : memref<32x64xf32, #tpu.memory_space<vmem>> -> memref<1x64xf32, #tpu.memory_space<vmem>>
    %dma_start3A_214 = arith.constant 0 : i32
    %dma_start3A_215 = tpu.memref_slice %arg5[%squeeze3A_210, %dma_start3A_214] : memref<1000000x64xf32, #tpu.memory_space<hbm>> -> memref<1x64xf32, #tpu.memory_space<hbm>>
    %dma_start3A_216 = arith.constant 8 : i32
    %dma_start3A_217 = arith.constant 0 : i32
    %dma_start3A_218 = tpu.memref_slice %arg10[%dma_start3A_216, %dma_start3A_217] : memref<32x64xf32, #tpu.memory_space<vmem>> -> memref<1x64xf32, #tpu.memory_space<vmem>>
    %dma_start3A_219 = arith.constant 0 : i32
    %dma_start3A_220 = tpu.memref_slice %arg5[%squeeze3A_210, %dma_start3A_219] : memref<1000000x64xf32, #tpu.memory_space<hbm>> -> memref<1x64xf32, #tpu.memory_space<hbm>>
    tpu.enqueue_dma source(%dma_start3A_220 : memref<1x64xf32, #tpu.memory_space<hbm>>) target(%dma_start3A_218 : memref<1x64xf32, #tpu.memory_space<vmem>>) target_semaphore(%arg13 : memref<!tpu.dma_semaphore, #tpu.memory_space<semaphore_mem>>)
    %slice3A_221 = vector.extract_strided_slice %get3A_4 {offsets = [9], sizes = [1], strides = [1]} : vector<16xi32> to vector<1xi32>
    %squeeze3A_222 = vector.extract %slice3A_221[0] : i32 from vector<1xi32>
    %dma_start3A_223 = arith.constant 9 : i32
    %dma_start3A_224 = arith.constant 0 : i32
    %dma_start3A_225 = tpu.memref_slice %arg9[%dma_start3A_223, %dma_start3A_224] : memref<32x64xf32, #tpu.memory_space<vmem>> -> memref<1x64xf32, #tpu.memory_space<vmem>>
    %dma_start3A_226 = arith.constant 0 : i32
    %dma_start3A_227 = tpu.memref_slice %arg4[%squeeze3A_222, %dma_start3A_226] : memref<1000000x64xf32, #tpu.memory_space<hbm>> -> memref<1x64xf32, #tpu.memory_space<hbm>>
    %dma_start3A_228 = arith.constant 9 : i32
    %dma_start3A_229 = arith.constant 0 : i32
    %dma_start3A_230 = tpu.memref_slice %arg9[%dma_start3A_228, %dma_start3A_229] : memref<32x64xf32, #tpu.memory_space<vmem>> -> memref<1x64xf32, #tpu.memory_space<vmem>>
    %dma_start3A_231 = arith.constant 0 : i32
    %dma_start3A_232 = tpu.memref_slice %arg4[%squeeze3A_222, %dma_start3A_231] : memref<1000000x64xf32, #tpu.memory_space<hbm>> -> memref<1x64xf32, #tpu.memory_space<hbm>>
    tpu.enqueue_dma source(%dma_start3A_232 : memref<1x64xf32, #tpu.memory_space<hbm>>) target(%dma_start3A_230 : memref<1x64xf32, #tpu.memory_space<vmem>>) target_semaphore(%arg12 : memref<!tpu.dma_semaphore, #tpu.memory_space<semaphore_mem>>)
    %slice3A_233 = vector.extract_strided_slice %get3A_7 {offsets = [9], sizes = [1], strides = [1]} : vector<16xi32> to vector<1xi32>
    %squeeze3A_234 = vector.extract %slice3A_233[0] : i32 from vector<1xi32>
    %dma_start3A_235 = arith.constant 9 : i32
    %dma_start3A_236 = arith.constant 0 : i32
    %dma_start3A_237 = tpu.memref_slice %arg10[%dma_start3A_235, %dma_start3A_236] : memref<32x64xf32, #tpu.memory_space<vmem>> -> memref<1x64xf32, #tpu.memory_space<vmem>>
    %dma_start3A_238 = arith.constant 0 : i32
    %dma_start3A_239 = tpu.memref_slice %arg5[%squeeze3A_234, %dma_start3A_238] : memref<1000000x64xf32, #tpu.memory_space<hbm>> -> memref<1x64xf32, #tpu.memory_space<hbm>>
    %dma_start3A_240 = arith.constant 9 : i32
    %dma_start3A_241 = arith.constant 0 : i32
    %dma_start3A_242 = tpu.memref_slice %arg10[%dma_start3A_240, %dma_start3A_241] : memref<32x64xf32, #tpu.memory_space<vmem>> -> memref<1x64xf32, #tpu.memory_space<vmem>>
    %dma_start3A_243 = arith.constant 0 : i32
    %dma_start3A_244 = tpu.memref_slice %arg5[%squeeze3A_234, %dma_start3A_243] : memref<1000000x64xf32, #tpu.memory_space<hbm>> -> memref<1x64xf32, #tpu.memory_space<hbm>>
    tpu.enqueue_dma source(%dma_start3A_244 : memref<1x64xf32, #tpu.memory_space<hbm>>) target(%dma_start3A_242 : memref<1x64xf32, #tpu.memory_space<vmem>>) target_semaphore(%arg13 : memref<!tpu.dma_semaphore, #tpu.memory_space<semaphore_mem>>)
    %slice3A_245 = vector.extract_strided_slice %get3A_4 {offsets = [10], sizes = [1], strides = [1]} : vector<16xi32> to vector<1xi32>
    %squeeze3A_246 = vector.extract %slice3A_245[0] : i32 from vector<1xi32>
    %dma_start3A_247 = arith.constant 10 : i32
    %dma_start3A_248 = arith.constant 0 : i32
    %dma_start3A_249 = tpu.memref_slice %arg9[%dma_start3A_247, %dma_start3A_248] : memref<32x64xf32, #tpu.memory_space<vmem>> -> memref<1x64xf32, #tpu.memory_space<vmem>>
    %dma_start3A_250 = arith.constant 0 : i32
    %dma_start3A_251 = tpu.memref_slice %arg4[%squeeze3A_246, %dma_start3A_250] : memref<1000000x64xf32, #tpu.memory_space<hbm>> -> memref<1x64xf32, #tpu.memory_space<hbm>>
    %dma_start3A_252 = arith.constant 10 : i32
    %dma_start3A_253 = arith.constant 0 : i32
    %dma_start3A_254 = tpu.memref_slice %arg9[%dma_start3A_252, %dma_start3A_253] : memref<32x64xf32, #tpu.memory_space<vmem>> -> memref<1x64xf32, #tpu.memory_space<vmem>>
    %dma_start3A_255 = arith.constant 0 : i32
    %dma_start3A_256 = tpu.memref_slice %arg4[%squeeze3A_246, %dma_start3A_255] : memref<1000000x64xf32, #tpu.memory_space<hbm>> -> memref<1x64xf32, #tpu.memory_space<hbm>>
    tpu.enqueue_dma source(%dma_start3A_256 : memref<1x64xf32, #tpu.memory_space<hbm>>) target(%dma_start3A_254 : memref<1x64xf32, #tpu.memory_space<vmem>>) target_semaphore(%arg12 : memref<!tpu.dma_semaphore, #tpu.memory_space<semaphore_mem>>)
    %slice3A_257 = vector.extract_strided_slice %get3A_7 {offsets = [10], sizes = [1], strides = [1]} : vector<16xi32> to vector<1xi32>
    %squeeze3A_258 = vector.extract %slice3A_257[0] : i32 from vector<1xi32>
    %dma_start3A_259 = arith.constant 10 : i32
    %dma_start3A_260 = arith.constant 0 : i32
    %dma_start3A_261 = tpu.memref_slice %arg10[%dma_start3A_259, %dma_start3A_260] : memref<32x64xf32, #tpu.memory_space<vmem>> -> memref<1x64xf32, #tpu.memory_space<vmem>>
    %dma_start3A_262 = arith.constant 0 : i32
    %dma_start3A_263 = tpu.memref_slice %arg5[%squeeze3A_258, %dma_start3A_262] : memref<1000000x64xf32, #tpu.memory_space<hbm>> -> memref<1x64xf32, #tpu.memory_space<hbm>>
    %dma_start3A_264 = arith.constant 10 : i32
    %dma_start3A_265 = arith.constant 0 : i32
    %dma_start3A_266 = tpu.memref_slice %arg10[%dma_start3A_264, %dma_start3A_265] : memref<32x64xf32, #tpu.memory_space<vmem>> -> memref<1x64xf32, #tpu.memory_space<vmem>>
    %dma_start3A_267 = arith.constant 0 : i32
    %dma_start3A_268 = tpu.memref_slice %arg5[%squeeze3A_258, %dma_start3A_267] : memref<1000000x64xf32, #tpu.memory_space<hbm>> -> memref<1x64xf32, #tpu.memory_space<hbm>>
    tpu.enqueue_dma source(%dma_start3A_268 : memref<1x64xf32, #tpu.memory_space<hbm>>) target(%dma_start3A_266 : memref<1x64xf32, #tpu.memory_space<vmem>>) target_semaphore(%arg13 : memref<!tpu.dma_semaphore, #tpu.memory_space<semaphore_mem>>)
    %slice3A_269 = vector.extract_strided_slice %get3A_4 {offsets = [11], sizes = [1], strides = [1]} : vector<16xi32> to vector<1xi32>
    %squeeze3A_270 = vector.extract %slice3A_269[0] : i32 from vector<1xi32>
    %dma_start3A_271 = arith.constant 11 : i32
    %dma_start3A_272 = arith.constant 0 : i32
    %dma_start3A_273 = tpu.memref_slice %arg9[%dma_start3A_271, %dma_start3A_272] : memref<32x64xf32, #tpu.memory_space<vmem>> -> memref<1x64xf32, #tpu.memory_space<vmem>>
    %dma_start3A_274 = arith.constant 0 : i32
    %dma_start3A_275 = tpu.memref_slice %arg4[%squeeze3A_270, %dma_start3A_274] : memref<1000000x64xf32, #tpu.memory_space<hbm>> -> memref<1x64xf32, #tpu.memory_space<hbm>>
    %dma_start3A_276 = arith.constant 11 : i32
    %dma_start3A_277 = arith.constant 0 : i32
    %dma_start3A_278 = tpu.memref_slice %arg9[%dma_start3A_276, %dma_start3A_277] : memref<32x64xf32, #tpu.memory_space<vmem>> -> memref<1x64xf32, #tpu.memory_space<vmem>>
    %dma_start3A_279 = arith.constant 0 : i32
    %dma_start3A_280 = tpu.memref_slice %arg4[%squeeze3A_270, %dma_start3A_279] : memref<1000000x64xf32, #tpu.memory_space<hbm>> -> memref<1x64xf32, #tpu.memory_space<hbm>>
    tpu.enqueue_dma source(%dma_start3A_280 : memref<1x64xf32, #tpu.memory_space<hbm>>) target(%dma_start3A_278 : memref<1x64xf32, #tpu.memory_space<vmem>>) target_semaphore(%arg12 : memref<!tpu.dma_semaphore, #tpu.memory_space<semaphore_mem>>)
    %slice3A_281 = vector.extract_strided_slice %get3A_7 {offsets = [11], sizes = [1], strides = [1]} : vector<16xi32> to vector<1xi32>
    %squeeze3A_282 = vector.extract %slice3A_281[0] : i32 from vector<1xi32>
    %dma_start3A_283 = arith.constant 11 : i32
    %dma_start3A_284 = arith.constant 0 : i32
    %dma_start3A_285 = tpu.memref_slice %arg10[%dma_start3A_283, %dma_start3A_284] : memref<32x64xf32, #tpu.memory_space<vmem>> -> memref<1x64xf32, #tpu.memory_space<vmem>>
    %dma_start3A_286 = arith.constant 0 : i32
    %dma_start3A_287 = tpu.memref_slice %arg5[%squeeze3A_282, %dma_start3A_286] : memref<1000000x64xf32, #tpu.memory_space<hbm>> -> memref<1x64xf32, #tpu.memory_space<hbm>>
    %dma_start3A_288 = arith.constant 11 : i32
    %dma_start3A_289 = arith.constant 0 : i32
    %dma_start3A_290 = tpu.memref_slice %arg10[%dma_start3A_288, %dma_start3A_289] : memref<32x64xf32, #tpu.memory_space<vmem>> -> memref<1x64xf32, #tpu.memory_space<vmem>>
    %dma_start3A_291 = arith.constant 0 : i32
    %dma_start3A_292 = tpu.memref_slice %arg5[%squeeze3A_282, %dma_start3A_291] : memref<1000000x64xf32, #tpu.memory_space<hbm>> -> memref<1x64xf32, #tpu.memory_space<hbm>>
    tpu.enqueue_dma source(%dma_start3A_292 : memref<1x64xf32, #tpu.memory_space<hbm>>) target(%dma_start3A_290 : memref<1x64xf32, #tpu.memory_space<vmem>>) target_semaphore(%arg13 : memref<!tpu.dma_semaphore, #tpu.memory_space<semaphore_mem>>)
    %slice3A_293 = vector.extract_strided_slice %get3A_4 {offsets = [12], sizes = [1], strides = [1]} : vector<16xi32> to vector<1xi32>
    %squeeze3A_294 = vector.extract %slice3A_293[0] : i32 from vector<1xi32>
    %dma_start3A_295 = arith.constant 12 : i32
    %dma_start3A_296 = arith.constant 0 : i32
    %dma_start3A_297 = tpu.memref_slice %arg9[%dma_start3A_295, %dma_start3A_296] : memref<32x64xf32, #tpu.memory_space<vmem>> -> memref<1x64xf32, #tpu.memory_space<vmem>>
    %dma_start3A_298 = arith.constant 0 : i32
    %dma_start3A_299 = tpu.memref_slice %arg4[%squeeze3A_294, %dma_start3A_298] : memref<1000000x64xf32, #tpu.memory_space<hbm>> -> memref<1x64xf32, #tpu.memory_space<hbm>>
    %dma_start3A_300 = arith.constant 12 : i32
    %dma_start3A_301 = arith.constant 0 : i32
    %dma_start3A_302 = tpu.memref_slice %arg9[%dma_start3A_300, %dma_start3A_301] : memref<32x64xf32, #tpu.memory_space<vmem>> -> memref<1x64xf32, #tpu.memory_space<vmem>>
    %dma_start3A_303 = arith.constant 0 : i32
    %dma_start3A_304 = tpu.memref_slice %arg4[%squeeze3A_294, %dma_start3A_303] : memref<1000000x64xf32, #tpu.memory_space<hbm>> -> memref<1x64xf32, #tpu.memory_space<hbm>>
    tpu.enqueue_dma source(%dma_start3A_304 : memref<1x64xf32, #tpu.memory_space<hbm>>) target(%dma_start3A_302 : memref<1x64xf32, #tpu.memory_space<vmem>>) target_semaphore(%arg12 : memref<!tpu.dma_semaphore, #tpu.memory_space<semaphore_mem>>)
    %slice3A_305 = vector.extract_strided_slice %get3A_7 {offsets = [12], sizes = [1], strides = [1]} : vector<16xi32> to vector<1xi32>
    %squeeze3A_306 = vector.extract %slice3A_305[0] : i32 from vector<1xi32>
    %dma_start3A_307 = arith.constant 12 : i32
    %dma_start3A_308 = arith.constant 0 : i32
    %dma_start3A_309 = tpu.memref_slice %arg10[%dma_start3A_307, %dma_start3A_308] : memref<32x64xf32, #tpu.memory_space<vmem>> -> memref<1x64xf32, #tpu.memory_space<vmem>>
    %dma_start3A_310 = arith.constant 0 : i32
    %dma_start3A_311 = tpu.memref_slice %arg5[%squeeze3A_306, %dma_start3A_310] : memref<1000000x64xf32, #tpu.memory_space<hbm>> -> memref<1x64xf32, #tpu.memory_space<hbm>>
    %dma_start3A_312 = arith.constant 12 : i32
    %dma_start3A_313 = arith.constant 0 : i32
    %dma_start3A_314 = tpu.memref_slice %arg10[%dma_start3A_312, %dma_start3A_313] : memref<32x64xf32, #tpu.memory_space<vmem>> -> memref<1x64xf32, #tpu.memory_space<vmem>>
    %dma_start3A_315 = arith.constant 0 : i32
    %dma_start3A_316 = tpu.memref_slice %arg5[%squeeze3A_306, %dma_start3A_315] : memref<1000000x64xf32, #tpu.memory_space<hbm>> -> memref<1x64xf32, #tpu.memory_space<hbm>>
    tpu.enqueue_dma source(%dma_start3A_316 : memref<1x64xf32, #tpu.memory_space<hbm>>) target(%dma_start3A_314 : memref<1x64xf32, #tpu.memory_space<vmem>>) target_semaphore(%arg13 : memref<!tpu.dma_semaphore, #tpu.memory_space<semaphore_mem>>)
    %slice3A_317 = vector.extract_strided_slice %get3A_4 {offsets = [13], sizes = [1], strides = [1]} : vector<16xi32> to vector<1xi32>
    %squeeze3A_318 = vector.extract %slice3A_317[0] : i32 from vector<1xi32>
    %dma_start3A_319 = arith.constant 13 : i32
    %dma_start3A_320 = arith.constant 0 : i32
    %dma_start3A_321 = tpu.memref_slice %arg9[%dma_start3A_319, %dma_start3A_320] : memref<32x64xf32, #tpu.memory_space<vmem>> -> memref<1x64xf32, #tpu.memory_space<vmem>>
    %dma_start3A_322 = arith.constant 0 : i32
    %dma_start3A_323 = tpu.memref_slice %arg4[%squeeze3A_318, %dma_start3A_322] : memref<1000000x64xf32, #tpu.memory_space<hbm>> -> memref<1x64xf32, #tpu.memory_space<hbm>>
    %dma_start3A_324 = arith.constant 13 : i32
    %dma_start3A_325 = arith.constant 0 : i32
    %dma_start3A_326 = tpu.memref_slice %arg9[%dma_start3A_324, %dma_start3A_325] : memref<32x64xf32, #tpu.memory_space<vmem>> -> memref<1x64xf32, #tpu.memory_space<vmem>>
    %dma_start3A_327 = arith.constant 0 : i32
    %dma_start3A_328 = tpu.memref_slice %arg4[%squeeze3A_318, %dma_start3A_327] : memref<1000000x64xf32, #tpu.memory_space<hbm>> -> memref<1x64xf32, #tpu.memory_space<hbm>>
    tpu.enqueue_dma source(%dma_start3A_328 : memref<1x64xf32, #tpu.memory_space<hbm>>) target(%dma_start3A_326 : memref<1x64xf32, #tpu.memory_space<vmem>>) target_semaphore(%arg12 : memref<!tpu.dma_semaphore, #tpu.memory_space<semaphore_mem>>)
    %slice3A_329 = vector.extract_strided_slice %get3A_7 {offsets = [13], sizes = [1], strides = [1]} : vector<16xi32> to vector<1xi32>
    %squeeze3A_330 = vector.extract %slice3A_329[0] : i32 from vector<1xi32>
    %dma_start3A_331 = arith.constant 13 : i32
    %dma_start3A_332 = arith.constant 0 : i32
    %dma_start3A_333 = tpu.memref_slice %arg10[%dma_start3A_331, %dma_start3A_332] : memref<32x64xf32, #tpu.memory_space<vmem>> -> memref<1x64xf32, #tpu.memory_space<vmem>>
    %dma_start3A_334 = arith.constant 0 : i32
    %dma_start3A_335 = tpu.memref_slice %arg5[%squeeze3A_330, %dma_start3A_334] : memref<1000000x64xf32, #tpu.memory_space<hbm>> -> memref<1x64xf32, #tpu.memory_space<hbm>>
    %dma_start3A_336 = arith.constant 13 : i32
    %dma_start3A_337 = arith.constant 0 : i32
    %dma_start3A_338 = tpu.memref_slice %arg10[%dma_start3A_336, %dma_start3A_337] : memref<32x64xf32, #tpu.memory_space<vmem>> -> memref<1x64xf32, #tpu.memory_space<vmem>>
    %dma_start3A_339 = arith.constant 0 : i32
    %dma_start3A_340 = tpu.memref_slice %arg5[%squeeze3A_330, %dma_start3A_339] : memref<1000000x64xf32, #tpu.memory_space<hbm>> -> memref<1x64xf32, #tpu.memory_space<hbm>>
    tpu.enqueue_dma source(%dma_start3A_340 : memref<1x64xf32, #tpu.memory_space<hbm>>) target(%dma_start3A_338 : memref<1x64xf32, #tpu.memory_space<vmem>>) target_semaphore(%arg13 : memref<!tpu.dma_semaphore, #tpu.memory_space<semaphore_mem>>)
    %slice3A_341 = vector.extract_strided_slice %get3A_4 {offsets = [14], sizes = [1], strides = [1]} : vector<16xi32> to vector<1xi32>
    %squeeze3A_342 = vector.extract %slice3A_341[0] : i32 from vector<1xi32>
    %dma_start3A_343 = arith.constant 14 : i32
    %dma_start3A_344 = arith.constant 0 : i32
    %dma_start3A_345 = tpu.memref_slice %arg9[%dma_start3A_343, %dma_start3A_344] : memref<32x64xf32, #tpu.memory_space<vmem>> -> memref<1x64xf32, #tpu.memory_space<vmem>>
    %dma_start3A_346 = arith.constant 0 : i32
    %dma_start3A_347 = tpu.memref_slice %arg4[%squeeze3A_342, %dma_start3A_346] : memref<1000000x64xf32, #tpu.memory_space<hbm>> -> memref<1x64xf32, #tpu.memory_space<hbm>>
    %dma_start3A_348 = arith.constant 14 : i32
    %dma_start3A_349 = arith.constant 0 : i32
    %dma_start3A_350 = tpu.memref_slice %arg9[%dma_start3A_348, %dma_start3A_349] : memref<32x64xf32, #tpu.memory_space<vmem>> -> memref<1x64xf32, #tpu.memory_space<vmem>>
    %dma_start3A_351 = arith.constant 0 : i32
    %dma_start3A_352 = tpu.memref_slice %arg4[%squeeze3A_342, %dma_start3A_351] : memref<1000000x64xf32, #tpu.memory_space<hbm>> -> memref<1x64xf32, #tpu.memory_space<hbm>>
    tpu.enqueue_dma source(%dma_start3A_352 : memref<1x64xf32, #tpu.memory_space<hbm>>) target(%dma_start3A_350 : memref<1x64xf32, #tpu.memory_space<vmem>>) target_semaphore(%arg12 : memref<!tpu.dma_semaphore, #tpu.memory_space<semaphore_mem>>)
    %slice3A_353 = vector.extract_strided_slice %get3A_7 {offsets = [14], sizes = [1], strides = [1]} : vector<16xi32> to vector<1xi32>
    %squeeze3A_354 = vector.extract %slice3A_353[0] : i32 from vector<1xi32>
    %dma_start3A_355 = arith.constant 14 : i32
    %dma_start3A_356 = arith.constant 0 : i32
    %dma_start3A_357 = tpu.memref_slice %arg10[%dma_start3A_355, %dma_start3A_356] : memref<32x64xf32, #tpu.memory_space<vmem>> -> memref<1x64xf32, #tpu.memory_space<vmem>>
    %dma_start3A_358 = arith.constant 0 : i32
    %dma_start3A_359 = tpu.memref_slice %arg5[%squeeze3A_354, %dma_start3A_358] : memref<1000000x64xf32, #tpu.memory_space<hbm>> -> memref<1x64xf32, #tpu.memory_space<hbm>>
    %dma_start3A_360 = arith.constant 14 : i32
    %dma_start3A_361 = arith.constant 0 : i32
    %dma_start3A_362 = tpu.memref_slice %arg10[%dma_start3A_360, %dma_start3A_361] : memref<32x64xf32, #tpu.memory_space<vmem>> -> memref<1x64xf32, #tpu.memory_space<vmem>>
    %dma_start3A_363 = arith.constant 0 : i32
    %dma_start3A_364 = tpu.memref_slice %arg5[%squeeze3A_354, %dma_start3A_363] : memref<1000000x64xf32, #tpu.memory_space<hbm>> -> memref<1x64xf32, #tpu.memory_space<hbm>>
    tpu.enqueue_dma source(%dma_start3A_364 : memref<1x64xf32, #tpu.memory_space<hbm>>) target(%dma_start3A_362 : memref<1x64xf32, #tpu.memory_space<vmem>>) target_semaphore(%arg13 : memref<!tpu.dma_semaphore, #tpu.memory_space<semaphore_mem>>)
    %slice3A_365 = vector.extract_strided_slice %get3A_4 {offsets = [15], sizes = [1], strides = [1]} : vector<16xi32> to vector<1xi32>
    %squeeze3A_366 = vector.extract %slice3A_365[0] : i32 from vector<1xi32>
    %dma_start3A_367 = arith.constant 15 : i32
    %dma_start3A_368 = arith.constant 0 : i32
    %dma_start3A_369 = tpu.memref_slice %arg9[%dma_start3A_367, %dma_start3A_368] : memref<32x64xf32, #tpu.memory_space<vmem>> -> memref<1x64xf32, #tpu.memory_space<vmem>>
    %dma_start3A_370 = arith.constant 0 : i32
    %dma_start3A_371 = tpu.memref_slice %arg4[%squeeze3A_366, %dma_start3A_370] : memref<1000000x64xf32, #tpu.memory_space<hbm>> -> memref<1x64xf32, #tpu.memory_space<hbm>>
    %dma_start3A_372 = arith.constant 15 : i32
    %dma_start3A_373 = arith.constant 0 : i32
    %dma_start3A_374 = tpu.memref_slice %arg9[%dma_start3A_372, %dma_start3A_373] : memref<32x64xf32, #tpu.memory_space<vmem>> -> memref<1x64xf32, #tpu.memory_space<vmem>>
    %dma_start3A_375 = arith.constant 0 : i32
    %dma_start3A_376 = tpu.memref_slice %arg4[%squeeze3A_366, %dma_start3A_375] : memref<1000000x64xf32, #tpu.memory_space<hbm>> -> memref<1x64xf32, #tpu.memory_space<hbm>>
    tpu.enqueue_dma source(%dma_start3A_376 : memref<1x64xf32, #tpu.memory_space<hbm>>) target(%dma_start3A_374 : memref<1x64xf32, #tpu.memory_space<vmem>>) target_semaphore(%arg12 : memref<!tpu.dma_semaphore, #tpu.memory_space<semaphore_mem>>)
    %slice3A_377 = vector.extract_strided_slice %get3A_7 {offsets = [15], sizes = [1], strides = [1]} : vector<16xi32> to vector<1xi32>
    %squeeze3A_378 = vector.extract %slice3A_377[0] : i32 from vector<1xi32>
    %dma_start3A_379 = arith.constant 15 : i32
    %dma_start3A_380 = arith.constant 0 : i32
    %dma_start3A_381 = tpu.memref_slice %arg10[%dma_start3A_379, %dma_start3A_380] : memref<32x64xf32, #tpu.memory_space<vmem>> -> memref<1x64xf32, #tpu.memory_space<vmem>>
    %dma_start3A_382 = arith.constant 0 : i32
    %dma_start3A_383 = tpu.memref_slice %arg5[%squeeze3A_378, %dma_start3A_382] : memref<1000000x64xf32, #tpu.memory_space<hbm>> -> memref<1x64xf32, #tpu.memory_space<hbm>>
    %dma_start3A_384 = arith.constant 15 : i32
    %dma_start3A_385 = arith.constant 0 : i32
    %dma_start3A_386 = tpu.memref_slice %arg10[%dma_start3A_384, %dma_start3A_385] : memref<32x64xf32, #tpu.memory_space<vmem>> -> memref<1x64xf32, #tpu.memory_space<vmem>>
    %dma_start3A_387 = arith.constant 0 : i32
    %dma_start3A_388 = tpu.memref_slice %arg5[%squeeze3A_378, %dma_start3A_387] : memref<1000000x64xf32, #tpu.memory_space<hbm>> -> memref<1x64xf32, #tpu.memory_space<hbm>>
    tpu.enqueue_dma source(%dma_start3A_388 : memref<1x64xf32, #tpu.memory_space<hbm>>) target(%dma_start3A_386 : memref<1x64xf32, #tpu.memory_space<vmem>>) target_semaphore(%arg13 : memref<!tpu.dma_semaphore, #tpu.memory_space<semaphore_mem>>)
    %scan3A = arith.constant 0 : i32
    %scan3A_389 = arith.constant 0 : i32
    %scan3A_390 = arith.constant 32 : i32
    %scan3A_391 = arith.addi %scan3A_389, %scan3A_390 : i32
    %scan3A_392 = arith.constant 1 : i32
    scf.for %scan3A_394 = %scan3A_389 to %scan3A_391 step %scan3A_392  : i32 {
      %mul3A_395 = arith.constant 16 : i32
      %mul3A_396 = arith.muli %scan3A_394, %mul3A_395 : i32
      %jit3A = arith.constant 2 : i32
      %eq3A = arith.constant 0 : i32
      %eq3A_397 = arith.cmpi eq, %jit3A, %eq3A : i32
      %jit3A_398 = arith.constant 1 : i32
      %select_n3A = arith.select %eq3A_397, %jit3A_398, %jit3A : i32
      %rem3A = arith.remsi %scan3A_394, %select_n3A : i32
      %ne3A = arith.constant 0 : i32
      %ne3A_399 = arith.cmpi ne, %rem3A, %ne3A : i32
      %lt3A = arith.constant 0 : i32
      %lt3A_400 = arith.cmpi slt, %rem3A, %lt3A : i32
      %lt3A_401 = arith.constant 0 : i32
      %lt3A_402 = arith.cmpi slt, %select_n3A, %lt3A_401 : i32
      %ne3A_403 = arith.xori %lt3A_400, %lt3A_402 : i1
      %and3A = arith.andi %ne3A_403, %ne3A_399 : i1
      %add3A_404 = arith.addi %rem3A, %select_n3A : i32
      %select_n3A_405 = arith.select %and3A, %add3A_404, %rem3A : i32
      %mul3A_406 = arith.constant 16 : i32
      %mul3A_407 = arith.muli %select_n3A_405, %mul3A_406 : i32
      %add3A_408 = arith.constant 1 : i32
      %add3A_409 = arith.addi %scan3A_394, %add3A_408 : i32
      %jit3A_410 = arith.constant 2 : i32
      %eq3A_411 = arith.constant 0 : i32
      %eq3A_412 = arith.cmpi eq, %jit3A_410, %eq3A_411 : i32
      %jit3A_413 = arith.constant 1 : i32
      %select_n3A_414 = arith.select %eq3A_412, %jit3A_413, %jit3A_410 : i32
      %rem3A_415 = arith.remsi %add3A_409, %select_n3A_414 : i32
      %ne3A_416 = arith.constant 0 : i32
      %ne3A_417 = arith.cmpi ne, %rem3A_415, %ne3A_416 : i32
      %lt3A_418 = arith.constant 0 : i32
      %lt3A_419 = arith.cmpi slt, %rem3A_415, %lt3A_418 : i32
      %lt3A_420 = arith.constant 0 : i32
      %lt3A_421 = arith.cmpi slt, %select_n3A_414, %lt3A_420 : i32
      %ne3A_422 = arith.xori %lt3A_419, %lt3A_421 : i1
      %and3A_423 = arith.andi %ne3A_422, %ne3A_417 : i1
      %add3A_424 = arith.addi %rem3A_415, %select_n3A_414 : i32
      %select_n3A_425 = arith.select %and3A_423, %add3A_424, %rem3A_415 : i32
      %mul3A_426 = arith.constant 16 : i32
      %mul3A_427 = arith.muli %select_n3A_425, %mul3A_426 : i32
      %dma_wait3A = arith.constant 0 : i32
      %dma_wait3A_428 = tpu.memref_slice %arg9[%mul3A_407, %dma_wait3A] : memref<32x64xf32, #tpu.memory_space<vmem>> -> memref<16x64xf32, #tpu.memory_space<vmem>>
      %dma_wait3A_429 = arith.constant 0 : i32
      %dma_wait3A_430 = arith.constant 0 : i32
      %dma_wait3A_431 = tpu.memref_slice %arg4[%dma_wait3A_429, %dma_wait3A_430] : memref<1000000x64xf32, #tpu.memory_space<hbm>> -> memref<16x64xf32, #tpu.memory_space<hbm>>
      %dma_wait3A_432 = arith.constant 0 : i32
      %dma_wait3A_433 = tpu.memref_slice %arg9[%mul3A_407, %dma_wait3A_432] : memref<32x64xf32, #tpu.memory_space<vmem>> -> memref<16x64xf32, #tpu.memory_space<vmem>>
      %dma_wait3A_434 = arith.constant 0 : i32
      %dma_wait3A_435 = arith.constant 0 : i32
      %dma_wait3A_436 = tpu.memref_slice %arg4[%dma_wait3A_434, %dma_wait3A_435] : memref<1000000x64xf32, #tpu.memory_space<hbm>> -> memref<16x64xf32, #tpu.memory_space<hbm>>
      tpu.wait_dma2 semaphore(%arg12 : memref<!tpu.dma_semaphore, #tpu.memory_space<semaphore_mem>>) src(%dma_wait3A_436 : memref<16x64xf32, #tpu.memory_space<hbm>>) dst(%dma_wait3A_433 : memref<16x64xf32, #tpu.memory_space<vmem>>)
      %dma_wait3A_437 = arith.constant 0 : i32
      %dma_wait3A_438 = tpu.memref_slice %arg10[%mul3A_407, %dma_wait3A_437] : memref<32x64xf32, #tpu.memory_space<vmem>> -> memref<16x64xf32, #tpu.memory_space<vmem>>
      %dma_wait3A_439 = arith.constant 0 : i32
      %dma_wait3A_440 = arith.constant 0 : i32
      %dma_wait3A_441 = tpu.memref_slice %arg5[%dma_wait3A_439, %dma_wait3A_440] : memref<1000000x64xf32, #tpu.memory_space<hbm>> -> memref<16x64xf32, #tpu.memory_space<hbm>>
      %dma_wait3A_442 = arith.constant 0 : i32
      %dma_wait3A_443 = tpu.memref_slice %arg10[%mul3A_407, %dma_wait3A_442] : memref<32x64xf32, #tpu.memory_space<vmem>> -> memref<16x64xf32, #tpu.memory_space<vmem>>
      %dma_wait3A_444 = arith.constant 0 : i32
      %dma_wait3A_445 = arith.constant 0 : i32
      %dma_wait3A_446 = tpu.memref_slice %arg5[%dma_wait3A_444, %dma_wait3A_445] : memref<1000000x64xf32, #tpu.memory_space<hbm>> -> memref<16x64xf32, #tpu.memory_space<hbm>>
      tpu.wait_dma2 semaphore(%arg13 : memref<!tpu.dma_semaphore, #tpu.memory_space<semaphore_mem>>) src(%dma_wait3A_446 : memref<16x64xf32, #tpu.memory_space<hbm>>) dst(%dma_wait3A_443 : memref<16x64xf32, #tpu.memory_space<vmem>>)
      %add3A_447 = arith.constant 1 : i32
      %add3A_448 = arith.addi %scan3A_394, %add3A_447 : i32
      %lt3A_449 = arith.constant 32 : i32
      %lt3A_450 = arith.cmpi slt, %add3A_448, %lt3A_449 : i32
      %convert_element_type3A = arith.extui %lt3A_450 : i1 to i32
      %cond3A = arith.constant 0 : i32
      %cond3A_451 = arith.cmpi ne, %convert_element_type3A, %cond3A : i32
      scf.if %cond3A_451 {
        %add3A_1815 = arith.constant 16 : i32
        %add3A_1816 = arith.addi %mul3A_396, %add3A_1815 : i32
        %get3A_1817 = arith.index_cast %add3A_1816 : i32 to index
        %get3A_1818 = tpu.vector_load %arg7[%get3A_1817] {strides = array<i32>} : memref<512xi32, #tpu.memory_space<vmem>>, vector<16xi32>,
        %get3A_1819 = vector.shape_cast %get3A_1818 : vector<16xi32> to vector<16xi32>
        %add3A_1820 = arith.constant 16 : i32
        %add3A_1821 = arith.addi %mul3A_396, %add3A_1820 : i32
        %get3A_1822 = arith.index_cast %add3A_1821 : i32 to index
        %get3A_1823 = tpu.vector_load %arg8[%get3A_1822] {strides = array<i32>} : memref<512xi32, #tpu.memory_space<vmem>>, vector<16xi32>,
        %get3A_1824 = vector.shape_cast %get3A_1823 : vector<16xi32> to vector<16xi32>
        %slice3A_1825 = vector.extract_strided_slice %get3A_1819 {offsets = [0], sizes = [1], strides = [1]} : vector<16xi32> to vector<1xi32>
        %squeeze3A_1826 = vector.extract %slice3A_1825[0] : i32 from vector<1xi32>
        %add3A_1827 = arith.constant 0 : i32
        %add3A_1828 = arith.addi %mul3A_427, %add3A_1827 : i32
        %dma_start3A_1829 = arith.constant 0 : i32
        %dma_start3A_1830 = tpu.memref_slice %arg9[%add3A_1828, %dma_start3A_1829] : memref<32x64xf32, #tpu.memory_space<vmem>> -> memref<1x64xf32, #tpu.memory_space<vmem>>
        %dma_start3A_1831 = arith.constant 0 : i32
        %dma_start3A_1832 = tpu.memref_slice %arg4[%squeeze3A_1826, %dma_start3A_1831] : memref<1000000x64xf32, #tpu.memory_space<hbm>> -> memref<1x64xf32, #tpu.memory_space<hbm>>
        %dma_start3A_1833 = arith.constant 0 : i32
        %dma_start3A_1834 = tpu.memref_slice %arg9[%add3A_1828, %dma_start3A_1833] : memref<32x64xf32, #tpu.memory_space<vmem>> -> memref<1x64xf32, #tpu.memory_space<vmem>>
        %dma_start3A_1835 = arith.constant 0 : i32
        %dma_start3A_1836 = tpu.memref_slice %arg4[%squeeze3A_1826, %dma_start3A_1835] : memref<1000000x64xf32, #tpu.memory_space<hbm>> -> memref<1x64xf32, #tpu.memory_space<hbm>>
        tpu.enqueue_dma source(%dma_start3A_1836 : memref<1x64xf32, #tpu.memory_space<hbm>>) target(%dma_start3A_1834 : memref<1x64xf32, #tpu.memory_space<vmem>>) target_semaphore(%arg12 : memref<!tpu.dma_semaphore, #tpu.memory_space<semaphore_mem>>)
        %slice3A_1837 = vector.extract_strided_slice %get3A_1824 {offsets = [0], sizes = [1], strides = [1]} : vector<16xi32> to vector<1xi32>
        %squeeze3A_1838 = vector.extract %slice3A_1837[0] : i32 from vector<1xi32>
        %add3A_1839 = arith.constant 0 : i32
        %add3A_1840 = arith.addi %mul3A_427, %add3A_1839 : i32
        %dma_start3A_1841 = arith.constant 0 : i32
        %dma_start3A_1842 = tpu.memref_slice %arg10[%add3A_1840, %dma_start3A_1841] : memref<32x64xf32, #tpu.memory_space<vmem>> -> memref<1x64xf32, #tpu.memory_space<vmem>>
        %dma_start3A_1843 = arith.constant 0 : i32
        %dma_start3A_1844 = tpu.memref_slice %arg5[%squeeze3A_1838, %dma_start3A_1843] : memref<1000000x64xf32, #tpu.memory_space<hbm>> -> memref<1x64xf32, #tpu.memory_space<hbm>>
        %dma_start3A_1845 = arith.constant 0 : i32
        %dma_start3A_1846 = tpu.memref_slice %arg10[%add3A_1840, %dma_start3A_1845] : memref<32x64xf32, #tpu.memory_space<vmem>> -> memref<1x64xf32, #tpu.memory_space<vmem>>
        %dma_start3A_1847 = arith.constant 0 : i32
        %dma_start3A_1848 = tpu.memref_slice %arg5[%squeeze3A_1838, %dma_start3A_1847] : memref<1000000x64xf32, #tpu.memory_space<hbm>> -> memref<1x64xf32, #tpu.memory_space<hbm>>
        tpu.enqueue_dma source(%dma_start3A_1848 : memref<1x64xf32, #tpu.memory_space<hbm>>) target(%dma_start3A_1846 : memref<1x64xf32, #tpu.memory_space<vmem>>) target_semaphore(%arg13 : memref<!tpu.dma_semaphore, #tpu.memory_space<semaphore_mem>>)
        %slice3A_1849 = vector.extract_strided_slice %get3A_1819 {offsets = [1], sizes = [1], strides = [1]} : vector<16xi32> to vector<1xi32>
        %squeeze3A_1850 = vector.extract %slice3A_1849[0] : i32 from vector<1xi32>
        %add3A_1851 = arith.constant 1 : i32
        %add3A_1852 = arith.addi %mul3A_427, %add3A_1851 : i32
        %dma_start3A_1853 = arith.constant 0 : i32
        %dma_start3A_1854 = tpu.memref_slice %arg9[%add3A_1852, %dma_start3A_1853] : memref<32x64xf32, #tpu.memory_space<vmem>> -> memref<1x64xf32, #tpu.memory_space<vmem>>
        %dma_start3A_1855 = arith.constant 0 : i32
        %dma_start3A_1856 = tpu.memref_slice %arg4[%squeeze3A_1850, %dma_start3A_1855] : memref<1000000x64xf32, #tpu.memory_space<hbm>> -> memref<1x64xf32, #tpu.memory_space<hbm>>
        %dma_start3A_1857 = arith.constant 0 : i32
        %dma_start3A_1858 = tpu.memref_slice %arg9[%add3A_1852, %dma_start3A_1857] : memref<32x64xf32, #tpu.memory_space<vmem>> -> memref<1x64xf32, #tpu.memory_space<vmem>>
        %dma_start3A_1859 = arith.constant 0 : i32
        %dma_start3A_1860 = tpu.memref_slice %arg4[%squeeze3A_1850, %dma_start3A_1859] : memref<1000000x64xf32, #tpu.memory_space<hbm>> -> memref<1x64xf32, #tpu.memory_space<hbm>>
        tpu.enqueue_dma source(%dma_start3A_1860 : memref<1x64xf32, #tpu.memory_space<hbm>>) target(%dma_start3A_1858 : memref<1x64xf32, #tpu.memory_space<vmem>>) target_semaphore(%arg12 : memref<!tpu.dma_semaphore, #tpu.memory_space<semaphore_mem>>)
        %slice3A_1861 = vector.extract_strided_slice %get3A_1824 {offsets = [1], sizes = [1], strides = [1]} : vector<16xi32> to vector<1xi32>
        %squeeze3A_1862 = vector.extract %slice3A_1861[0] : i32 from vector<1xi32>
        %add3A_1863 = arith.constant 1 : i32
        %add3A_1864 = arith.addi %mul3A_427, %add3A_1863 : i32
        %dma_start3A_1865 = arith.constant 0 : i32
        %dma_start3A_1866 = tpu.memref_slice %arg10[%add3A_1864, %dma_start3A_1865] : memref<32x64xf32, #tpu.memory_space<vmem>> -> memref<1x64xf32, #tpu.memory_space<vmem>>
        %dma_start3A_1867 = arith.constant 0 : i32
        %dma_start3A_1868 = tpu.memref_slice %arg5[%squeeze3A_1862, %dma_start3A_1867] : memref<1000000x64xf32, #tpu.memory_space<hbm>> -> memref<1x64xf32, #tpu.memory_space<hbm>>
        %dma_start3A_1869 = arith.constant 0 : i32
        %dma_start3A_1870 = tpu.memref_slice %arg10[%add3A_1864, %dma_start3A_1869] : memref<32x64xf32, #tpu.memory_space<vmem>> -> memref<1x64xf32, #tpu.memory_space<vmem>>
        %dma_start3A_1871 = arith.constant 0 : i32
        %dma_start3A_1872 = tpu.memref_slice %arg5[%squeeze3A_1862, %dma_start3A_1871] : memref<1000000x64xf32, #tpu.memory_space<hbm>> -> memref<1x64xf32, #tpu.memory_space<hbm>>
        tpu.enqueue_dma source(%dma_start3A_1872 : memref<1x64xf32, #tpu.memory_space<hbm>>) target(%dma_start3A_1870 : memref<1x64xf32, #tpu.memory_space<vmem>>) target_semaphore(%arg13 : memref<!tpu.dma_semaphore, #tpu.memory_space<semaphore_mem>>)
        %slice3A_1873 = vector.extract_strided_slice %get3A_1819 {offsets = [2], sizes = [1], strides = [1]} : vector<16xi32> to vector<1xi32>
        %squeeze3A_1874 = vector.extract %slice3A_1873[0] : i32 from vector<1xi32>
        %add3A_1875 = arith.constant 2 : i32
        %add3A_1876 = arith.addi %mul3A_427, %add3A_1875 : i32
        %dma_start3A_1877 = arith.constant 0 : i32
        %dma_start3A_1878 = tpu.memref_slice %arg9[%add3A_1876, %dma_start3A_1877] : memref<32x64xf32, #tpu.memory_space<vmem>> -> memref<1x64xf32, #tpu.memory_space<vmem>>
        %dma_start3A_1879 = arith.constant 0 : i32
        %dma_start3A_1880 = tpu.memref_slice %arg4[%squeeze3A_1874, %dma_start3A_1879] : memref<1000000x64xf32, #tpu.memory_space<hbm>> -> memref<1x64xf32, #tpu.memory_space<hbm>>
        %dma_start3A_1881 = arith.constant 0 : i32
        %dma_start3A_1882 = tpu.memref_slice %arg9[%add3A_1876, %dma_start3A_1881] : memref<32x64xf32, #tpu.memory_space<vmem>> -> memref<1x64xf32, #tpu.memory_space<vmem>>
        %dma_start3A_1883 = arith.constant 0 : i32
        %dma_start3A_1884 = tpu.memref_slice %arg4[%squeeze3A_1874, %dma_start3A_1883] : memref<1000000x64xf32, #tpu.memory_space<hbm>> -> memref<1x64xf32, #tpu.memory_space<hbm>>
        tpu.enqueue_dma source(%dma_start3A_1884 : memref<1x64xf32, #tpu.memory_space<hbm>>) target(%dma_start3A_1882 : memref<1x64xf32, #tpu.memory_space<vmem>>) target_semaphore(%arg12 : memref<!tpu.dma_semaphore, #tpu.memory_space<semaphore_mem>>)
        %slice3A_1885 = vector.extract_strided_slice %get3A_1824 {offsets = [2], sizes = [1], strides = [1]} : vector<16xi32> to vector<1xi32>
        %squeeze3A_1886 = vector.extract %slice3A_1885[0] : i32 from vector<1xi32>
        %add3A_1887 = arith.constant 2 : i32
        %add3A_1888 = arith.addi %mul3A_427, %add3A_1887 : i32
        %dma_start3A_1889 = arith.constant 0 : i32
        %dma_start3A_1890 = tpu.memref_slice %arg10[%add3A_1888, %dma_start3A_1889] : memref<32x64xf32, #tpu.memory_space<vmem>> -> memref<1x64xf32, #tpu.memory_space<vmem>>
        %dma_start3A_1891 = arith.constant 0 : i32
        %dma_start3A_1892 = tpu.memref_slice %arg5[%squeeze3A_1886, %dma_start3A_1891] : memref<1000000x64xf32, #tpu.memory_space<hbm>> -> memref<1x64xf32, #tpu.memory_space<hbm>>
        %dma_start3A_1893 = arith.constant 0 : i32
        %dma_start3A_1894 = tpu.memref_slice %arg10[%add3A_1888, %dma_start3A_1893] : memref<32x64xf32, #tpu.memory_space<vmem>> -> memref<1x64xf32, #tpu.memory_space<vmem>>
        %dma_start3A_1895 = arith.constant 0 : i32
        %dma_start3A_1896 = tpu.memref_slice %arg5[%squeeze3A_1886, %dma_start3A_1895] : memref<1000000x64xf32, #tpu.memory_space<hbm>> -> memref<1x64xf32, #tpu.memory_space<hbm>>
        tpu.enqueue_dma source(%dma_start3A_1896 : memref<1x64xf32, #tpu.memory_space<hbm>>) target(%dma_start3A_1894 : memref<1x64xf32, #tpu.memory_space<vmem>>) target_semaphore(%arg13 : memref<!tpu.dma_semaphore, #tpu.memory_space<semaphore_mem>>)
        %slice3A_1897 = vector.extract_strided_slice %get3A_1819 {offsets = [3], sizes = [1], strides = [1]} : vector<16xi32> to vector<1xi32>
        %squeeze3A_1898 = vector.extract %slice3A_1897[0] : i32 from vector<1xi32>
        %add3A_1899 = arith.constant 3 : i32
        %add3A_1900 = arith.addi %mul3A_427, %add3A_1899 : i32
        %dma_start3A_1901 = arith.constant 0 : i32
        %dma_start3A_1902 = tpu.memref_slice %arg9[%add3A_1900, %dma_start3A_1901] : memref<32x64xf32, #tpu.memory_space<vmem>> -> memref<1x64xf32, #tpu.memory_space<vmem>>
        %dma_start3A_1903 = arith.constant 0 : i32
        %dma_start3A_1904 = tpu.memref_slice %arg4[%squeeze3A_1898, %dma_start3A_1903] : memref<1000000x64xf32, #tpu.memory_space<hbm>> -> memref<1x64xf32, #tpu.memory_space<hbm>>
        %dma_start3A_1905 = arith.constant 0 : i32
        %dma_start3A_1906 = tpu.memref_slice %arg9[%add3A_1900, %dma_start3A_1905] : memref<32x64xf32, #tpu.memory_space<vmem>> -> memref<1x64xf32, #tpu.memory_space<vmem>>
        %dma_start3A_1907 = arith.constant 0 : i32
        %dma_start3A_1908 = tpu.memref_slice %arg4[%squeeze3A_1898, %dma_start3A_1907] : memref<1000000x64xf32, #tpu.memory_space<hbm>> -> memref<1x64xf32, #tpu.memory_space<hbm>>
        tpu.enqueue_dma source(%dma_start3A_1908 : memref<1x64xf32, #tpu.memory_space<hbm>>) target(%dma_start3A_1906 : memref<1x64xf32, #tpu.memory_space<vmem>>) target_semaphore(%arg12 : memref<!tpu.dma_semaphore, #tpu.memory_space<semaphore_mem>>)
        %slice3A_1909 = vector.extract_strided_slice %get3A_1824 {offsets = [3], sizes = [1], strides = [1]} : vector<16xi32> to vector<1xi32>
        %squeeze3A_1910 = vector.extract %slice3A_1909[0] : i32 from vector<1xi32>
        %add3A_1911 = arith.constant 3 : i32
        %add3A_1912 = arith.addi %mul3A_427, %add3A_1911 : i32
        %dma_start3A_1913 = arith.constant 0 : i32
        %dma_start3A_1914 = tpu.memref_slice %arg10[%add3A_1912, %dma_start3A_1913] : memref<32x64xf32, #tpu.memory_space<vmem>> -> memref<1x64xf32, #tpu.memory_space<vmem>>
        %dma_start3A_1915 = arith.constant 0 : i32
        %dma_start3A_1916 = tpu.memref_slice %arg5[%squeeze3A_1910, %dma_start3A_1915] : memref<1000000x64xf32, #tpu.memory_space<hbm>> -> memref<1x64xf32, #tpu.memory_space<hbm>>
        %dma_start3A_1917 = arith.constant 0 : i32
        %dma_start3A_1918 = tpu.memref_slice %arg10[%add3A_1912, %dma_start3A_1917] : memref<32x64xf32, #tpu.memory_space<vmem>> -> memref<1x64xf32, #tpu.memory_space<vmem>>
        %dma_start3A_1919 = arith.constant 0 : i32
        %dma_start3A_1920 = tpu.memref_slice %arg5[%squeeze3A_1910, %dma_start3A_1919] : memref<1000000x64xf32, #tpu.memory_space<hbm>> -> memref<1x64xf32, #tpu.memory_space<hbm>>
        tpu.enqueue_dma source(%dma_start3A_1920 : memref<1x64xf32, #tpu.memory_space<hbm>>) target(%dma_start3A_1918 : memref<1x64xf32, #tpu.memory_space<vmem>>) target_semaphore(%arg13 : memref<!tpu.dma_semaphore, #tpu.memory_space<semaphore_mem>>)
        %slice3A_1921 = vector.extract_strided_slice %get3A_1819 {offsets = [4], sizes = [1], strides = [1]} : vector<16xi32> to vector<1xi32>
        %squeeze3A_1922 = vector.extract %slice3A_1921[0] : i32 from vector<1xi32>
        %add3A_1923 = arith.constant 4 : i32
        %add3A_1924 = arith.addi %mul3A_427, %add3A_1923 : i32
        %dma_start3A_1925 = arith.constant 0 : i32
        %dma_start3A_1926 = tpu.memref_slice %arg9[%add3A_1924, %dma_start3A_1925] : memref<32x64xf32, #tpu.memory_space<vmem>> -> memref<1x64xf32, #tpu.memory_space<vmem>>
        %dma_start3A_1927 = arith.constant 0 : i32
        %dma_start3A_1928 = tpu.memref_slice %arg4[%squeeze3A_1922, %dma_start3A_1927] : memref<1000000x64xf32, #tpu.memory_space<hbm>> -> memref<1x64xf32, #tpu.memory_space<hbm>>
        %dma_start3A_1929 = arith.constant 0 : i32
        %dma_start3A_1930 = tpu.memref_slice %arg9[%add3A_1924, %dma_start3A_1929] : memref<32x64xf32, #tpu.memory_space<vmem>> -> memref<1x64xf32, #tpu.memory_space<vmem>>
        %dma_start3A_1931 = arith.constant 0 : i32
        %dma_start3A_1932 = tpu.memref_slice %arg4[%squeeze3A_1922, %dma_start3A_1931] : memref<1000000x64xf32, #tpu.memory_space<hbm>> -> memref<1x64xf32, #tpu.memory_space<hbm>>
        tpu.enqueue_dma source(%dma_start3A_1932 : memref<1x64xf32, #tpu.memory_space<hbm>>) target(%dma_start3A_1930 : memref<1x64xf32, #tpu.memory_space<vmem>>) target_semaphore(%arg12 : memref<!tpu.dma_semaphore, #tpu.memory_space<semaphore_mem>>)
        %slice3A_1933 = vector.extract_strided_slice %get3A_1824 {offsets = [4], sizes = [1], strides = [1]} : vector<16xi32> to vector<1xi32>
        %squeeze3A_1934 = vector.extract %slice3A_1933[0] : i32 from vector<1xi32>
        %add3A_1935 = arith.constant 4 : i32
        %add3A_1936 = arith.addi %mul3A_427, %add3A_1935 : i32
        %dma_start3A_1937 = arith.constant 0 : i32
        %dma_start3A_1938 = tpu.memref_slice %arg10[%add3A_1936, %dma_start3A_1937] : memref<32x64xf32, #tpu.memory_space<vmem>> -> memref<1x64xf32, #tpu.memory_space<vmem>>
        %dma_start3A_1939 = arith.constant 0 : i32
        %dma_start3A_1940 = tpu.memref_slice %arg5[%squeeze3A_1934, %dma_start3A_1939] : memref<1000000x64xf32, #tpu.memory_space<hbm>> -> memref<1x64xf32, #tpu.memory_space<hbm>>
        %dma_start3A_1941 = arith.constant 0 : i32
        %dma_start3A_1942 = tpu.memref_slice %arg10[%add3A_1936, %dma_start3A_1941] : memref<32x64xf32, #tpu.memory_space<vmem>> -> memref<1x64xf32, #tpu.memory_space<vmem>>
        %dma_start3A_1943 = arith.constant 0 : i32
        %dma_start3A_1944 = tpu.memref_slice %arg5[%squeeze3A_1934, %dma_start3A_1943] : memref<1000000x64xf32, #tpu.memory_space<hbm>> -> memref<1x64xf32, #tpu.memory_space<hbm>>
        tpu.enqueue_dma source(%dma_start3A_1944 : memref<1x64xf32, #tpu.memory_space<hbm>>) target(%dma_start3A_1942 : memref<1x64xf32, #tpu.memory_space<vmem>>) target_semaphore(%arg13 : memref<!tpu.dma_semaphore, #tpu.memory_space<semaphore_mem>>)
        %slice3A_1945 = vector.extract_strided_slice %get3A_1819 {offsets = [5], sizes = [1], strides = [1]} : vector<16xi32> to vector<1xi32>
        %squeeze3A_1946 = vector.extract %slice3A_1945[0] : i32 from vector<1xi32>
        %add3A_1947 = arith.constant 5 : i32
        %add3A_1948 = arith.addi %mul3A_427, %add3A_1947 : i32
        %dma_start3A_1949 = arith.constant 0 : i32
        %dma_start3A_1950 = tpu.memref_slice %arg9[%add3A_1948, %dma_start3A_1949] : memref<32x64xf32, #tpu.memory_space<vmem>> -> memref<1x64xf32, #tpu.memory_space<vmem>>
        %dma_start3A_1951 = arith.constant 0 : i32
        %dma_start3A_1952 = tpu.memref_slice %arg4[%squeeze3A_1946, %dma_start3A_1951] : memref<1000000x64xf32, #tpu.memory_space<hbm>> -> memref<1x64xf32, #tpu.memory_space<hbm>>
        %dma_start3A_1953 = arith.constant 0 : i32
        %dma_start3A_1954 = tpu.memref_slice %arg9[%add3A_1948, %dma_start3A_1953] : memref<32x64xf32, #tpu.memory_space<vmem>> -> memref<1x64xf32, #tpu.memory_space<vmem>>
        %dma_start3A_1955 = arith.constant 0 : i32
        %dma_start3A_1956 = tpu.memref_slice %arg4[%squeeze3A_1946, %dma_start3A_1955] : memref<1000000x64xf32, #tpu.memory_space<hbm>> -> memref<1x64xf32, #tpu.memory_space<hbm>>
        tpu.enqueue_dma source(%dma_start3A_1956 : memref<1x64xf32, #tpu.memory_space<hbm>>) target(%dma_start3A_1954 : memref<1x64xf32, #tpu.memory_space<vmem>>) target_semaphore(%arg12 : memref<!tpu.dma_semaphore, #tpu.memory_space<semaphore_mem>>)
        %slice3A_1957 = vector.extract_strided_slice %get3A_1824 {offsets = [5], sizes = [1], strides = [1]} : vector<16xi32> to vector<1xi32>
        %squeeze3A_1958 = vector.extract %slice3A_1957[0] : i32 from vector<1xi32>
        %add3A_1959 = arith.constant 5 : i32
        %add3A_1960 = arith.addi %mul3A_427, %add3A_1959 : i32
        %dma_start3A_1961 = arith.constant 0 : i32
        %dma_start3A_1962 = tpu.memref_slice %arg10[%add3A_1960, %dma_start3A_1961] : memref<32x64xf32, #tpu.memory_space<vmem>> -> memref<1x64xf32, #tpu.memory_space<vmem>>
        %dma_start3A_1963 = arith.constant 0 : i32
        %dma_start3A_1964 = tpu.memref_slice %arg5[%squeeze3A_1958, %dma_start3A_1963] : memref<1000000x64xf32, #tpu.memory_space<hbm>> -> memref<1x64xf32, #tpu.memory_space<hbm>>
        %dma_start3A_1965 = arith.constant 0 : i32
        %dma_start3A_1966 = tpu.memref_slice %arg10[%add3A_1960, %dma_start3A_1965] : memref<32x64xf32, #tpu.memory_space<vmem>> -> memref<1x64xf32, #tpu.memory_space<vmem>>
        %dma_start3A_1967 = arith.constant 0 : i32
        %dma_start3A_1968 = tpu.memref_slice %arg5[%squeeze3A_1958, %dma_start3A_1967] : memref<1000000x64xf32, #tpu.memory_space<hbm>> -> memref<1x64xf32, #tpu.memory_space<hbm>>
        tpu.enqueue_dma source(%dma_start3A_1968 : memref<1x64xf32, #tpu.memory_space<hbm>>) target(%dma_start3A_1966 : memref<1x64xf32, #tpu.memory_space<vmem>>) target_semaphore(%arg13 : memref<!tpu.dma_semaphore, #tpu.memory_space<semaphore_mem>>)
        %slice3A_1969 = vector.extract_strided_slice %get3A_1819 {offsets = [6], sizes = [1], strides = [1]} : vector<16xi32> to vector<1xi32>
        %squeeze3A_1970 = vector.extract %slice3A_1969[0] : i32 from vector<1xi32>
        %add3A_1971 = arith.constant 6 : i32
        %add3A_1972 = arith.addi %mul3A_427, %add3A_1971 : i32
        %dma_start3A_1973 = arith.constant 0 : i32
        %dma_start3A_1974 = tpu.memref_slice %arg9[%add3A_1972, %dma_start3A_1973] : memref<32x64xf32, #tpu.memory_space<vmem>> -> memref<1x64xf32, #tpu.memory_space<vmem>>
        %dma_start3A_1975 = arith.constant 0 : i32
        %dma_start3A_1976 = tpu.memref_slice %arg4[%squeeze3A_1970, %dma_start3A_1975] : memref<1000000x64xf32, #tpu.memory_space<hbm>> -> memref<1x64xf32, #tpu.memory_space<hbm>>
        %dma_start3A_1977 = arith.constant 0 : i32
        %dma_start3A_1978 = tpu.memref_slice %arg9[%add3A_1972, %dma_start3A_1977] : memref<32x64xf32, #tpu.memory_space<vmem>> -> memref<1x64xf32, #tpu.memory_space<vmem>>
        %dma_start3A_1979 = arith.constant 0 : i32
        %dma_start3A_1980 = tpu.memref_slice %arg4[%squeeze3A_1970, %dma_start3A_1979] : memref<1000000x64xf32, #tpu.memory_space<hbm>> -> memref<1x64xf32, #tpu.memory_space<hbm>>
        tpu.enqueue_dma source(%dma_start3A_1980 : memref<1x64xf32, #tpu.memory_space<hbm>>) target(%dma_start3A_1978 : memref<1x64xf32, #tpu.memory_space<vmem>>) target_semaphore(%arg12 : memref<!tpu.dma_semaphore, #tpu.memory_space<semaphore_mem>>)
        %slice3A_1981 = vector.extract_strided_slice %get3A_1824 {offsets = [6], sizes = [1], strides = [1]} : vector<16xi32> to vector<1xi32>
        %squeeze3A_1982 = vector.extract %slice3A_1981[0] : i32 from vector<1xi32>
        %add3A_1983 = arith.constant 6 : i32
        %add3A_1984 = arith.addi %mul3A_427, %add3A_1983 : i32
        %dma_start3A_1985 = arith.constant 0 : i32
        %dma_start3A_1986 = tpu.memref_slice %arg10[%add3A_1984, %dma_start3A_1985] : memref<32x64xf32, #tpu.memory_space<vmem>> -> memref<1x64xf32, #tpu.memory_space<vmem>>
        %dma_start3A_1987 = arith.constant 0 : i32
        %dma_start3A_1988 = tpu.memref_slice %arg5[%squeeze3A_1982, %dma_start3A_1987] : memref<1000000x64xf32, #tpu.memory_space<hbm>> -> memref<1x64xf32, #tpu.memory_space<hbm>>
        %dma_start3A_1989 = arith.constant 0 : i32
        %dma_start3A_1990 = tpu.memref_slice %arg10[%add3A_1984, %dma_start3A_1989] : memref<32x64xf32, #tpu.memory_space<vmem>> -> memref<1x64xf32, #tpu.memory_space<vmem>>
        %dma_start3A_1991 = arith.constant 0 : i32
        %dma_start3A_1992 = tpu.memref_slice %arg5[%squeeze3A_1982, %dma_start3A_1991] : memref<1000000x64xf32, #tpu.memory_space<hbm>> -> memref<1x64xf32, #tpu.memory_space<hbm>>
        tpu.enqueue_dma source(%dma_start3A_1992 : memref<1x64xf32, #tpu.memory_space<hbm>>) target(%dma_start3A_1990 : memref<1x64xf32, #tpu.memory_space<vmem>>) target_semaphore(%arg13 : memref<!tpu.dma_semaphore, #tpu.memory_space<semaphore_mem>>)
        %slice3A_1993 = vector.extract_strided_slice %get3A_1819 {offsets = [7], sizes = [1], strides = [1]} : vector<16xi32> to vector<1xi32>
        %squeeze3A_1994 = vector.extract %slice3A_1993[0] : i32 from vector<1xi32>
        %add3A_1995 = arith.constant 7 : i32
        %add3A_1996 = arith.addi %mul3A_427, %add3A_1995 : i32
        %dma_start3A_1997 = arith.constant 0 : i32
        %dma_start3A_1998 = tpu.memref_slice %arg9[%add3A_1996, %dma_start3A_1997] : memref<32x64xf32, #tpu.memory_space<vmem>> -> memref<1x64xf32, #tpu.memory_space<vmem>>
        %dma_start3A_1999 = arith.constant 0 : i32
        %dma_start3A_2000 = tpu.memref_slice %arg4[%squeeze3A_1994, %dma_start3A_1999] : memref<1000000x64xf32, #tpu.memory_space<hbm>> -> memref<1x64xf32, #tpu.memory_space<hbm>>
        %dma_start3A_2001 = arith.constant 0 : i32
        %dma_start3A_2002 = tpu.memref_slice %arg9[%add3A_1996, %dma_start3A_2001] : memref<32x64xf32, #tpu.memory_space<vmem>> -> memref<1x64xf32, #tpu.memory_space<vmem>>
        %dma_start3A_2003 = arith.constant 0 : i32
        %dma_start3A_2004 = tpu.memref_slice %arg4[%squeeze3A_1994, %dma_start3A_2003] : memref<1000000x64xf32, #tpu.memory_space<hbm>> -> memref<1x64xf32, #tpu.memory_space<hbm>>
        tpu.enqueue_dma source(%dma_start3A_2004 : memref<1x64xf32, #tpu.memory_space<hbm>>) target(%dma_start3A_2002 : memref<1x64xf32, #tpu.memory_space<vmem>>) target_semaphore(%arg12 : memref<!tpu.dma_semaphore, #tpu.memory_space<semaphore_mem>>)
        %slice3A_2005 = vector.extract_strided_slice %get3A_1824 {offsets = [7], sizes = [1], strides = [1]} : vector<16xi32> to vector<1xi32>
        %squeeze3A_2006 = vector.extract %slice3A_2005[0] : i32 from vector<1xi32>
        %add3A_2007 = arith.constant 7 : i32
        %add3A_2008 = arith.addi %mul3A_427, %add3A_2007 : i32
        %dma_start3A_2009 = arith.constant 0 : i32
        %dma_start3A_2010 = tpu.memref_slice %arg10[%add3A_2008, %dma_start3A_2009] : memref<32x64xf32, #tpu.memory_space<vmem>> -> memref<1x64xf32, #tpu.memory_space<vmem>>
        %dma_start3A_2011 = arith.constant 0 : i32
        %dma_start3A_2012 = tpu.memref_slice %arg5[%squeeze3A_2006, %dma_start3A_2011] : memref<1000000x64xf32, #tpu.memory_space<hbm>> -> memref<1x64xf32, #tpu.memory_space<hbm>>
        %dma_start3A_2013 = arith.constant 0 : i32
        %dma_start3A_2014 = tpu.memref_slice %arg10[%add3A_2008, %dma_start3A_2013] : memref<32x64xf32, #tpu.memory_space<vmem>> -> memref<1x64xf32, #tpu.memory_space<vmem>>
        %dma_start3A_2015 = arith.constant 0 : i32
        %dma_start3A_2016 = tpu.memref_slice %arg5[%squeeze3A_2006, %dma_start3A_2015] : memref<1000000x64xf32, #tpu.memory_space<hbm>> -> memref<1x64xf32, #tpu.memory_space<hbm>>
        tpu.enqueue_dma source(%dma_start3A_2016 : memref<1x64xf32, #tpu.memory_space<hbm>>) target(%dma_start3A_2014 : memref<1x64xf32, #tpu.memory_space<vmem>>) target_semaphore(%arg13 : memref<!tpu.dma_semaphore, #tpu.memory_space<semaphore_mem>>)
        %slice3A_2017 = vector.extract_strided_slice %get3A_1819 {offsets = [8], sizes = [1], strides = [1]} : vector<16xi32> to vector<1xi32>
        %squeeze3A_2018 = vector.extract %slice3A_2017[0] : i32 from vector<1xi32>
        %add3A_2019 = arith.constant 8 : i32
        %add3A_2020 = arith.addi %mul3A_427, %add3A_2019 : i32
        %dma_start3A_2021 = arith.constant 0 : i32
        %dma_start3A_2022 = tpu.memref_slice %arg9[%add3A_2020, %dma_start3A_2021] : memref<32x64xf32, #tpu.memory_space<vmem>> -> memref<1x64xf32, #tpu.memory_space<vmem>>
        %dma_start3A_2023 = arith.constant 0 : i32
        %dma_start3A_2024 = tpu.memref_slice %arg4[%squeeze3A_2018, %dma_start3A_2023] : memref<1000000x64xf32, #tpu.memory_space<hbm>> -> memref<1x64xf32, #tpu.memory_space<hbm>>
        %dma_start3A_2025 = arith.constant 0 : i32
        %dma_start3A_2026 = tpu.memref_slice %arg9[%add3A_2020, %dma_start3A_2025] : memref<32x64xf32, #tpu.memory_space<vmem>> -> memref<1x64xf32, #tpu.memory_space<vmem>>
        %dma_start3A_2027 = arith.constant 0 : i32
        %dma_start3A_2028 = tpu.memref_slice %arg4[%squeeze3A_2018, %dma_start3A_2027] : memref<1000000x64xf32, #tpu.memory_space<hbm>> -> memref<1x64xf32, #tpu.memory_space<hbm>>
        tpu.enqueue_dma source(%dma_start3A_2028 : memref<1x64xf32, #tpu.memory_space<hbm>>) target(%dma_start3A_2026 : memref<1x64xf32, #tpu.memory_space<vmem>>) target_semaphore(%arg12 : memref<!tpu.dma_semaphore, #tpu.memory_space<semaphore_mem>>)
        %slice3A_2029 = vector.extract_strided_slice %get3A_1824 {offsets = [8], sizes = [1], strides = [1]} : vector<16xi32> to vector<1xi32>
        %squeeze3A_2030 = vector.extract %slice3A_2029[0] : i32 from vector<1xi32>
        %add3A_2031 = arith.constant 8 : i32
        %add3A_2032 = arith.addi %mul3A_427, %add3A_2031 : i32
        %dma_start3A_2033 = arith.constant 0 : i32
        %dma_start3A_2034 = tpu.memref_slice %arg10[%add3A_2032, %dma_start3A_2033] : memref<32x64xf32, #tpu.memory_space<vmem>> -> memref<1x64xf32, #tpu.memory_space<vmem>>
        %dma_start3A_2035 = arith.constant 0 : i32
        %dma_start3A_2036 = tpu.memref_slice %arg5[%squeeze3A_2030, %dma_start3A_2035] : memref<1000000x64xf32, #tpu.memory_space<hbm>> -> memref<1x64xf32, #tpu.memory_space<hbm>>
        %dma_start3A_2037 = arith.constant 0 : i32
        %dma_start3A_2038 = tpu.memref_slice %arg10[%add3A_2032, %dma_start3A_2037] : memref<32x64xf32, #tpu.memory_space<vmem>> -> memref<1x64xf32, #tpu.memory_space<vmem>>
        %dma_start3A_2039 = arith.constant 0 : i32
        %dma_start3A_2040 = tpu.memref_slice %arg5[%squeeze3A_2030, %dma_start3A_2039] : memref<1000000x64xf32, #tpu.memory_space<hbm>> -> memref<1x64xf32, #tpu.memory_space<hbm>>
        tpu.enqueue_dma source(%dma_start3A_2040 : memref<1x64xf32, #tpu.memory_space<hbm>>) target(%dma_start3A_2038 : memref<1x64xf32, #tpu.memory_space<vmem>>) target_semaphore(%arg13 : memref<!tpu.dma_semaphore, #tpu.memory_space<semaphore_mem>>)
        %slice3A_2041 = vector.extract_strided_slice %get3A_1819 {offsets = [9], sizes = [1], strides = [1]} : vector<16xi32> to vector<1xi32>
        %squeeze3A_2042 = vector.extract %slice3A_2041[0] : i32 from vector<1xi32>
        %add3A_2043 = arith.constant 9 : i32
        %add3A_2044 = arith.addi %mul3A_427, %add3A_2043 : i32
        %dma_start3A_2045 = arith.constant 0 : i32
        %dma_start3A_2046 = tpu.memref_slice %arg9[%add3A_2044, %dma_start3A_2045] : memref<32x64xf32, #tpu.memory_space<vmem>> -> memref<1x64xf32, #tpu.memory_space<vmem>>
        %dma_start3A_2047 = arith.constant 0 : i32
        %dma_start3A_2048 = tpu.memref_slice %arg4[%squeeze3A_2042, %dma_start3A_2047] : memref<1000000x64xf32, #tpu.memory_space<hbm>> -> memref<1x64xf32, #tpu.memory_space<hbm>>
        %dma_start3A_2049 = arith.constant 0 : i32
        %dma_start3A_2050 = tpu.memref_slice %arg9[%add3A_2044, %dma_start3A_2049] : memref<32x64xf32, #tpu.memory_space<vmem>> -> memref<1x64xf32, #tpu.memory_space<vmem>>
        %dma_start3A_2051 = arith.constant 0 : i32
        %dma_start3A_2052 = tpu.memref_slice %arg4[%squeeze3A_2042, %dma_start3A_2051] : memref<1000000x64xf32, #tpu.memory_space<hbm>> -> memref<1x64xf32, #tpu.memory_space<hbm>>
        tpu.enqueue_dma source(%dma_start3A_2052 : memref<1x64xf32, #tpu.memory_space<hbm>>) target(%dma_start3A_2050 : memref<1x64xf32, #tpu.memory_space<vmem>>) target_semaphore(%arg12 : memref<!tpu.dma_semaphore, #tpu.memory_space<semaphore_mem>>)
        %slice3A_2053 = vector.extract_strided_slice %get3A_1824 {offsets = [9], sizes = [1], strides = [1]} : vector<16xi32> to vector<1xi32>
        %squeeze3A_2054 = vector.extract %slice3A_2053[0] : i32 from vector<1xi32>
        %add3A_2055 = arith.constant 9 : i32
        %add3A_2056 = arith.addi %mul3A_427, %add3A_2055 : i32
        %dma_start3A_2057 = arith.constant 0 : i32
        %dma_start3A_2058 = tpu.memref_slice %arg10[%add3A_2056, %dma_start3A_2057] : memref<32x64xf32, #tpu.memory_space<vmem>> -> memref<1x64xf32, #tpu.memory_space<vmem>>
        %dma_start3A_2059 = arith.constant 0 : i32
        %dma_start3A_2060 = tpu.memref_slice %arg5[%squeeze3A_2054, %dma_start3A_2059] : memref<1000000x64xf32, #tpu.memory_space<hbm>> -> memref<1x64xf32, #tpu.memory_space<hbm>>
        %dma_start3A_2061 = arith.constant 0 : i32
        %dma_start3A_2062 = tpu.memref_slice %arg10[%add3A_2056, %dma_start3A_2061] : memref<32x64xf32, #tpu.memory_space<vmem>> -> memref<1x64xf32, #tpu.memory_space<vmem>>
        %dma_start3A_2063 = arith.constant 0 : i32
        %dma_start3A_2064 = tpu.memref_slice %arg5[%squeeze3A_2054, %dma_start3A_2063] : memref<1000000x64xf32, #tpu.memory_space<hbm>> -> memref<1x64xf32, #tpu.memory_space<hbm>>
        tpu.enqueue_dma source(%dma_start3A_2064 : memref<1x64xf32, #tpu.memory_space<hbm>>) target(%dma_start3A_2062 : memref<1x64xf32, #tpu.memory_space<vmem>>) target_semaphore(%arg13 : memref<!tpu.dma_semaphore, #tpu.memory_space<semaphore_mem>>)
        %slice3A_2065 = vector.extract_strided_slice %get3A_1819 {offsets = [10], sizes = [1], strides = [1]} : vector<16xi32> to vector<1xi32>
        %squeeze3A_2066 = vector.extract %slice3A_2065[0] : i32 from vector<1xi32>
        %add3A_2067 = arith.constant 10 : i32
        %add3A_2068 = arith.addi %mul3A_427, %add3A_2067 : i32
        %dma_start3A_2069 = arith.constant 0 : i32
        %dma_start3A_2070 = tpu.memref_slice %arg9[%add3A_2068, %dma_start3A_2069] : memref<32x64xf32, #tpu.memory_space<vmem>> -> memref<1x64xf32, #tpu.memory_space<vmem>>
        %dma_start3A_2071 = arith.constant 0 : i32
        %dma_start3A_2072 = tpu.memref_slice %arg4[%squeeze3A_2066, %dma_start3A_2071] : memref<1000000x64xf32, #tpu.memory_space<hbm>> -> memref<1x64xf32, #tpu.memory_space<hbm>>
        %dma_start3A_2073 = arith.constant 0 : i32
        %dma_start3A_2074 = tpu.memref_slice %arg9[%add3A_2068, %dma_start3A_2073] : memref<32x64xf32, #tpu.memory_space<vmem>> -> memref<1x64xf32, #tpu.memory_space<vmem>>
        %dma_start3A_2075 = arith.constant 0 : i32
        %dma_start3A_2076 = tpu.memref_slice %arg4[%squeeze3A_2066, %dma_start3A_2075] : memref<1000000x64xf32, #tpu.memory_space<hbm>> -> memref<1x64xf32, #tpu.memory_space<hbm>>
        tpu.enqueue_dma source(%dma_start3A_2076 : memref<1x64xf32, #tpu.memory_space<hbm>>) target(%dma_start3A_2074 : memref<1x64xf32, #tpu.memory_space<vmem>>) target_semaphore(%arg12 : memref<!tpu.dma_semaphore, #tpu.memory_space<semaphore_mem>>)
        %slice3A_2077 = vector.extract_strided_slice %get3A_1824 {offsets = [10], sizes = [1], strides = [1]} : vector<16xi32> to vector<1xi32>
        %squeeze3A_2078 = vector.extract %slice3A_2077[0] : i32 from vector<1xi32>
        %add3A_2079 = arith.constant 10 : i32
        %add3A_2080 = arith.addi %mul3A_427, %add3A_2079 : i32
        %dma_start3A_2081 = arith.constant 0 : i32
        %dma_start3A_2082 = tpu.memref_slice %arg10[%add3A_2080, %dma_start3A_2081] : memref<32x64xf32, #tpu.memory_space<vmem>> -> memref<1x64xf32, #tpu.memory_space<vmem>>
        %dma_start3A_2083 = arith.constant 0 : i32
        %dma_start3A_2084 = tpu.memref_slice %arg5[%squeeze3A_2078, %dma_start3A_2083] : memref<1000000x64xf32, #tpu.memory_space<hbm>> -> memref<1x64xf32, #tpu.memory_space<hbm>>
        %dma_start3A_2085 = arith.constant 0 : i32
        %dma_start3A_2086 = tpu.memref_slice %arg10[%add3A_2080, %dma_start3A_2085] : memref<32x64xf32, #tpu.memory_space<vmem>> -> memref<1x64xf32, #tpu.memory_space<vmem>>
        %dma_start3A_2087 = arith.constant 0 : i32
        %dma_start3A_2088 = tpu.memref_slice %arg5[%squeeze3A_2078, %dma_start3A_2087] : memref<1000000x64xf32, #tpu.memory_space<hbm>> -> memref<1x64xf32, #tpu.memory_space<hbm>>
        tpu.enqueue_dma source(%dma_start3A_2088 : memref<1x64xf32, #tpu.memory_space<hbm>>) target(%dma_start3A_2086 : memref<1x64xf32, #tpu.memory_space<vmem>>) target_semaphore(%arg13 : memref<!tpu.dma_semaphore, #tpu.memory_space<semaphore_mem>>)
        %slice3A_2089 = vector.extract_strided_slice %get3A_1819 {offsets = [11], sizes = [1], strides = [1]} : vector<16xi32> to vector<1xi32>
        %squeeze3A_2090 = vector.extract %slice3A_2089[0] : i32 from vector<1xi32>
        %add3A_2091 = arith.constant 11 : i32
        %add3A_2092 = arith.addi %mul3A_427, %add3A_2091 : i32
        %dma_start3A_2093 = arith.constant 0 : i32
        %dma_start3A_2094 = tpu.memref_slice %arg9[%add3A_2092, %dma_start3A_2093] : memref<32x64xf32, #tpu.memory_space<vmem>> -> memref<1x64xf32, #tpu.memory_space<vmem>>
        %dma_start3A_2095 = arith.constant 0 : i32
        %dma_start3A_2096 = tpu.memref_slice %arg4[%squeeze3A_2090, %dma_start3A_2095] : memref<1000000x64xf32, #tpu.memory_space<hbm>> -> memref<1x64xf32, #tpu.memory_space<hbm>>
        %dma_start3A_2097 = arith.constant 0 : i32
        %dma_start3A_2098 = tpu.memref_slice %arg9[%add3A_2092, %dma_start3A_2097] : memref<32x64xf32, #tpu.memory_space<vmem>> -> memref<1x64xf32, #tpu.memory_space<vmem>>
        %dma_start3A_2099 = arith.constant 0 : i32
        %dma_start3A_2100 = tpu.memref_slice %arg4[%squeeze3A_2090, %dma_start3A_2099] : memref<1000000x64xf32, #tpu.memory_space<hbm>> -> memref<1x64xf32, #tpu.memory_space<hbm>>
        tpu.enqueue_dma source(%dma_start3A_2100 : memref<1x64xf32, #tpu.memory_space<hbm>>) target(%dma_start3A_2098 : memref<1x64xf32, #tpu.memory_space<vmem>>) target_semaphore(%arg12 : memref<!tpu.dma_semaphore, #tpu.memory_space<semaphore_mem>>)
        %slice3A_2101 = vector.extract_strided_slice %get3A_1824 {offsets = [11], sizes = [1], strides = [1]} : vector<16xi32> to vector<1xi32>
        %squeeze3A_2102 = vector.extract %slice3A_2101[0] : i32 from vector<1xi32>
        %add3A_2103 = arith.constant 11 : i32
        %add3A_2104 = arith.addi %mul3A_427, %add3A_2103 : i32
        %dma_start3A_2105 = arith.constant 0 : i32
        %dma_start3A_2106 = tpu.memref_slice %arg10[%add3A_2104, %dma_start3A_2105] : memref<32x64xf32, #tpu.memory_space<vmem>> -> memref<1x64xf32, #tpu.memory_space<vmem>>
        %dma_start3A_2107 = arith.constant 0 : i32
        %dma_start3A_2108 = tpu.memref_slice %arg5[%squeeze3A_2102, %dma_start3A_2107] : memref<1000000x64xf32, #tpu.memory_space<hbm>> -> memref<1x64xf32, #tpu.memory_space<hbm>>
        %dma_start3A_2109 = arith.constant 0 : i32
        %dma_start3A_2110 = tpu.memref_slice %arg10[%add3A_2104, %dma_start3A_2109] : memref<32x64xf32, #tpu.memory_space<vmem>> -> memref<1x64xf32, #tpu.memory_space<vmem>>
        %dma_start3A_2111 = arith.constant 0 : i32
        %dma_start3A_2112 = tpu.memref_slice %arg5[%squeeze3A_2102, %dma_start3A_2111] : memref<1000000x64xf32, #tpu.memory_space<hbm>> -> memref<1x64xf32, #tpu.memory_space<hbm>>
        tpu.enqueue_dma source(%dma_start3A_2112 : memref<1x64xf32, #tpu.memory_space<hbm>>) target(%dma_start3A_2110 : memref<1x64xf32, #tpu.memory_space<vmem>>) target_semaphore(%arg13 : memref<!tpu.dma_semaphore, #tpu.memory_space<semaphore_mem>>)
        %slice3A_2113 = vector.extract_strided_slice %get3A_1819 {offsets = [12], sizes = [1], strides = [1]} : vector<16xi32> to vector<1xi32>
        %squeeze3A_2114 = vector.extract %slice3A_2113[0] : i32 from vector<1xi32>
        %add3A_2115 = arith.constant 12 : i32
        %add3A_2116 = arith.addi %mul3A_427, %add3A_2115 : i32
        %dma_start3A_2117 = arith.constant 0 : i32
        %dma_start3A_2118 = tpu.memref_slice %arg9[%add3A_2116, %dma_start3A_2117] : memref<32x64xf32, #tpu.memory_space<vmem>> -> memref<1x64xf32, #tpu.memory_space<vmem>>
        %dma_start3A_2119 = arith.constant 0 : i32
        %dma_start3A_2120 = tpu.memref_slice %arg4[%squeeze3A_2114, %dma_start3A_2119] : memref<1000000x64xf32, #tpu.memory_space<hbm>> -> memref<1x64xf32, #tpu.memory_space<hbm>>
        %dma_start3A_2121 = arith.constant 0 : i32
        %dma_start3A_2122 = tpu.memref_slice %arg9[%add3A_2116, %dma_start3A_2121] : memref<32x64xf32, #tpu.memory_space<vmem>> -> memref<1x64xf32, #tpu.memory_space<vmem>>
        %dma_start3A_2123 = arith.constant 0 : i32
        %dma_start3A_2124 = tpu.memref_slice %arg4[%squeeze3A_2114, %dma_start3A_2123] : memref<1000000x64xf32, #tpu.memory_space<hbm>> -> memref<1x64xf32, #tpu.memory_space<hbm>>
        tpu.enqueue_dma source(%dma_start3A_2124 : memref<1x64xf32, #tpu.memory_space<hbm>>) target(%dma_start3A_2122 : memref<1x64xf32, #tpu.memory_space<vmem>>) target_semaphore(%arg12 : memref<!tpu.dma_semaphore, #tpu.memory_space<semaphore_mem>>)
        %slice3A_2125 = vector.extract_strided_slice %get3A_1824 {offsets = [12], sizes = [1], strides = [1]} : vector<16xi32> to vector<1xi32>
        %squeeze3A_2126 = vector.extract %slice3A_2125[0] : i32 from vector<1xi32>
        %add3A_2127 = arith.constant 12 : i32
        %add3A_2128 = arith.addi %mul3A_427, %add3A_2127 : i32
        %dma_start3A_2129 = arith.constant 0 : i32
        %dma_start3A_2130 = tpu.memref_slice %arg10[%add3A_2128, %dma_start3A_2129] : memref<32x64xf32, #tpu.memory_space<vmem>> -> memref<1x64xf32, #tpu.memory_space<vmem>>
        %dma_start3A_2131 = arith.constant 0 : i32
        %dma_start3A_2132 = tpu.memref_slice %arg5[%squeeze3A_2126, %dma_start3A_2131] : memref<1000000x64xf32, #tpu.memory_space<hbm>> -> memref<1x64xf32, #tpu.memory_space<hbm>>
        %dma_start3A_2133 = arith.constant 0 : i32
        %dma_start3A_2134 = tpu.memref_slice %arg10[%add3A_2128, %dma_start3A_2133] : memref<32x64xf32, #tpu.memory_space<vmem>> -> memref<1x64xf32, #tpu.memory_space<vmem>>
        %dma_start3A_2135 = arith.constant 0 : i32
        %dma_start3A_2136 = tpu.memref_slice %arg5[%squeeze3A_2126, %dma_start3A_2135] : memref<1000000x64xf32, #tpu.memory_space<hbm>> -> memref<1x64xf32, #tpu.memory_space<hbm>>
        tpu.enqueue_dma source(%dma_start3A_2136 : memref<1x64xf32, #tpu.memory_space<hbm>>) target(%dma_start3A_2134 : memref<1x64xf32, #tpu.memory_space<vmem>>) target_semaphore(%arg13 : memref<!tpu.dma_semaphore, #tpu.memory_space<semaphore_mem>>)
        %slice3A_2137 = vector.extract_strided_slice %get3A_1819 {offsets = [13], sizes = [1], strides = [1]} : vector<16xi32> to vector<1xi32>
        %squeeze3A_2138 = vector.extract %slice3A_2137[0] : i32 from vector<1xi32>
        %add3A_2139 = arith.constant 13 : i32
        %add3A_2140 = arith.addi %mul3A_427, %add3A_2139 : i32
        %dma_start3A_2141 = arith.constant 0 : i32
        %dma_start3A_2142 = tpu.memref_slice %arg9[%add3A_2140, %dma_start3A_2141] : memref<32x64xf32, #tpu.memory_space<vmem>> -> memref<1x64xf32, #tpu.memory_space<vmem>>
        %dma_start3A_2143 = arith.constant 0 : i32
        %dma_start3A_2144 = tpu.memref_slice %arg4[%squeeze3A_2138, %dma_start3A_2143] : memref<1000000x64xf32, #tpu.memory_space<hbm>> -> memref<1x64xf32, #tpu.memory_space<hbm>>
        %dma_start3A_2145 = arith.constant 0 : i32
        %dma_start3A_2146 = tpu.memref_slice %arg9[%add3A_2140, %dma_start3A_2145] : memref<32x64xf32, #tpu.memory_space<vmem>> -> memref<1x64xf32, #tpu.memory_space<vmem>>
        %dma_start3A_2147 = arith.constant 0 : i32
        %dma_start3A_2148 = tpu.memref_slice %arg4[%squeeze3A_2138, %dma_start3A_2147] : memref<1000000x64xf32, #tpu.memory_space<hbm>> -> memref<1x64xf32, #tpu.memory_space<hbm>>
        tpu.enqueue_dma source(%dma_start3A_2148 : memref<1x64xf32, #tpu.memory_space<hbm>>) target(%dma_start3A_2146 : memref<1x64xf32, #tpu.memory_space<vmem>>) target_semaphore(%arg12 : memref<!tpu.dma_semaphore, #tpu.memory_space<semaphore_mem>>)
        %slice3A_2149 = vector.extract_strided_slice %get3A_1824 {offsets = [13], sizes = [1], strides = [1]} : vector<16xi32> to vector<1xi32>
        %squeeze3A_2150 = vector.extract %slice3A_2149[0] : i32 from vector<1xi32>
        %add3A_2151 = arith.constant 13 : i32
        %add3A_2152 = arith.addi %mul3A_427, %add3A_2151 : i32
        %dma_start3A_2153 = arith.constant 0 : i32
        %dma_start3A_2154 = tpu.memref_slice %arg10[%add3A_2152, %dma_start3A_2153] : memref<32x64xf32, #tpu.memory_space<vmem>> -> memref<1x64xf32, #tpu.memory_space<vmem>>
        %dma_start3A_2155 = arith.constant 0 : i32
        %dma_start3A_2156 = tpu.memref_slice %arg5[%squeeze3A_2150, %dma_start3A_2155] : memref<1000000x64xf32, #tpu.memory_space<hbm>> -> memref<1x64xf32, #tpu.memory_space<hbm>>
        %dma_start3A_2157 = arith.constant 0 : i32
        %dma_start3A_2158 = tpu.memref_slice %arg10[%add3A_2152, %dma_start3A_2157] : memref<32x64xf32, #tpu.memory_space<vmem>> -> memref<1x64xf32, #tpu.memory_space<vmem>>
        %dma_start3A_2159 = arith.constant 0 : i32
        %dma_start3A_2160 = tpu.memref_slice %arg5[%squeeze3A_2150, %dma_start3A_2159] : memref<1000000x64xf32, #tpu.memory_space<hbm>> -> memref<1x64xf32, #tpu.memory_space<hbm>>
        tpu.enqueue_dma source(%dma_start3A_2160 : memref<1x64xf32, #tpu.memory_space<hbm>>) target(%dma_start3A_2158 : memref<1x64xf32, #tpu.memory_space<vmem>>) target_semaphore(%arg13 : memref<!tpu.dma_semaphore, #tpu.memory_space<semaphore_mem>>)
        %slice3A_2161 = vector.extract_strided_slice %get3A_1819 {offsets = [14], sizes = [1], strides = [1]} : vector<16xi32> to vector<1xi32>
        %squeeze3A_2162 = vector.extract %slice3A_2161[0] : i32 from vector<1xi32>
        %add3A_2163 = arith.constant 14 : i32
        %add3A_2164 = arith.addi %mul3A_427, %add3A_2163 : i32
        %dma_start3A_2165 = arith.constant 0 : i32
        %dma_start3A_2166 = tpu.memref_slice %arg9[%add3A_2164, %dma_start3A_2165] : memref<32x64xf32, #tpu.memory_space<vmem>> -> memref<1x64xf32, #tpu.memory_space<vmem>>
        %dma_start3A_2167 = arith.constant 0 : i32
        %dma_start3A_2168 = tpu.memref_slice %arg4[%squeeze3A_2162, %dma_start3A_2167] : memref<1000000x64xf32, #tpu.memory_space<hbm>> -> memref<1x64xf32, #tpu.memory_space<hbm>>
        %dma_start3A_2169 = arith.constant 0 : i32
        %dma_start3A_2170 = tpu.memref_slice %arg9[%add3A_2164, %dma_start3A_2169] : memref<32x64xf32, #tpu.memory_space<vmem>> -> memref<1x64xf32, #tpu.memory_space<vmem>>
        %dma_start3A_2171 = arith.constant 0 : i32
        %dma_start3A_2172 = tpu.memref_slice %arg4[%squeeze3A_2162, %dma_start3A_2171] : memref<1000000x64xf32, #tpu.memory_space<hbm>> -> memref<1x64xf32, #tpu.memory_space<hbm>>
        tpu.enqueue_dma source(%dma_start3A_2172 : memref<1x64xf32, #tpu.memory_space<hbm>>) target(%dma_start3A_2170 : memref<1x64xf32, #tpu.memory_space<vmem>>) target_semaphore(%arg12 : memref<!tpu.dma_semaphore, #tpu.memory_space<semaphore_mem>>)
        %slice3A_2173 = vector.extract_strided_slice %get3A_1824 {offsets = [14], sizes = [1], strides = [1]} : vector<16xi32> to vector<1xi32>
        %squeeze3A_2174 = vector.extract %slice3A_2173[0] : i32 from vector<1xi32>
        %add3A_2175 = arith.constant 14 : i32
        %add3A_2176 = arith.addi %mul3A_427, %add3A_2175 : i32
        %dma_start3A_2177 = arith.constant 0 : i32
        %dma_start3A_2178 = tpu.memref_slice %arg10[%add3A_2176, %dma_start3A_2177] : memref<32x64xf32, #tpu.memory_space<vmem>> -> memref<1x64xf32, #tpu.memory_space<vmem>>
        %dma_start3A_2179 = arith.constant 0 : i32
        %dma_start3A_2180 = tpu.memref_slice %arg5[%squeeze3A_2174, %dma_start3A_2179] : memref<1000000x64xf32, #tpu.memory_space<hbm>> -> memref<1x64xf32, #tpu.memory_space<hbm>>
        %dma_start3A_2181 = arith.constant 0 : i32
        %dma_start3A_2182 = tpu.memref_slice %arg10[%add3A_2176, %dma_start3A_2181] : memref<32x64xf32, #tpu.memory_space<vmem>> -> memref<1x64xf32, #tpu.memory_space<vmem>>
        %dma_start3A_2183 = arith.constant 0 : i32
        %dma_start3A_2184 = tpu.memref_slice %arg5[%squeeze3A_2174, %dma_start3A_2183] : memref<1000000x64xf32, #tpu.memory_space<hbm>> -> memref<1x64xf32, #tpu.memory_space<hbm>>
        tpu.enqueue_dma source(%dma_start3A_2184 : memref<1x64xf32, #tpu.memory_space<hbm>>) target(%dma_start3A_2182 : memref<1x64xf32, #tpu.memory_space<vmem>>) target_semaphore(%arg13 : memref<!tpu.dma_semaphore, #tpu.memory_space<semaphore_mem>>)
        %slice3A_2185 = vector.extract_strided_slice %get3A_1819 {offsets = [15], sizes = [1], strides = [1]} : vector<16xi32> to vector<1xi32>
        %squeeze3A_2186 = vector.extract %slice3A_2185[0] : i32 from vector<1xi32>
        %add3A_2187 = arith.constant 15 : i32
        %add3A_2188 = arith.addi %mul3A_427, %add3A_2187 : i32
        %dma_start3A_2189 = arith.constant 0 : i32
        %dma_start3A_2190 = tpu.memref_slice %arg9[%add3A_2188, %dma_start3A_2189] : memref<32x64xf32, #tpu.memory_space<vmem>> -> memref<1x64xf32, #tpu.memory_space<vmem>>
        %dma_start3A_2191 = arith.constant 0 : i32
        %dma_start3A_2192 = tpu.memref_slice %arg4[%squeeze3A_2186, %dma_start3A_2191] : memref<1000000x64xf32, #tpu.memory_space<hbm>> -> memref<1x64xf32, #tpu.memory_space<hbm>>
        %dma_start3A_2193 = arith.constant 0 : i32
        %dma_start3A_2194 = tpu.memref_slice %arg9[%add3A_2188, %dma_start3A_2193] : memref<32x64xf32, #tpu.memory_space<vmem>> -> memref<1x64xf32, #tpu.memory_space<vmem>>
        %dma_start3A_2195 = arith.constant 0 : i32
        %dma_start3A_2196 = tpu.memref_slice %arg4[%squeeze3A_2186, %dma_start3A_2195] : memref<1000000x64xf32, #tpu.memory_space<hbm>> -> memref<1x64xf32, #tpu.memory_space<hbm>>
        tpu.enqueue_dma source(%dma_start3A_2196 : memref<1x64xf32, #tpu.memory_space<hbm>>) target(%dma_start3A_2194 : memref<1x64xf32, #tpu.memory_space<vmem>>) target_semaphore(%arg12 : memref<!tpu.dma_semaphore, #tpu.memory_space<semaphore_mem>>)
        %slice3A_2197 = vector.extract_strided_slice %get3A_1824 {offsets = [15], sizes = [1], strides = [1]} : vector<16xi32> to vector<1xi32>
        %squeeze3A_2198 = vector.extract %slice3A_2197[0] : i32 from vector<1xi32>
        %add3A_2199 = arith.constant 15 : i32
        %add3A_2200 = arith.addi %mul3A_427, %add3A_2199 : i32
        %dma_start3A_2201 = arith.constant 0 : i32
        %dma_start3A_2202 = tpu.memref_slice %arg10[%add3A_2200, %dma_start3A_2201] : memref<32x64xf32, #tpu.memory_space<vmem>> -> memref<1x64xf32, #tpu.memory_space<vmem>>
        %dma_start3A_2203 = arith.constant 0 : i32
        %dma_start3A_2204 = tpu.memref_slice %arg5[%squeeze3A_2198, %dma_start3A_2203] : memref<1000000x64xf32, #tpu.memory_space<hbm>> -> memref<1x64xf32, #tpu.memory_space<hbm>>
        %dma_start3A_2205 = arith.constant 0 : i32
        %dma_start3A_2206 = tpu.memref_slice %arg10[%add3A_2200, %dma_start3A_2205] : memref<32x64xf32, #tpu.memory_space<vmem>> -> memref<1x64xf32, #tpu.memory_space<vmem>>
        %dma_start3A_2207 = arith.constant 0 : i32
        %dma_start3A_2208 = tpu.memref_slice %arg5[%squeeze3A_2198, %dma_start3A_2207] : memref<1000000x64xf32, #tpu.memory_space<hbm>> -> memref<1x64xf32, #tpu.memory_space<hbm>>
        tpu.enqueue_dma source(%dma_start3A_2208 : memref<1x64xf32, #tpu.memory_space<hbm>>) target(%dma_start3A_2206 : memref<1x64xf32, #tpu.memory_space<vmem>>) target_semaphore(%arg13 : memref<!tpu.dma_semaphore, #tpu.memory_space<semaphore_mem>>)
      } else {
      }
      %broadcast_in_dim3A = arith.constant 0.000000e+00 : f32
      %broadcast_in_dim3A_452 = vector.broadcast %broadcast_in_dim3A : f32 to vector<16xf32>
      %add3A_453 = arith.constant 0 : i32
      %add3A_454 = arith.addi %mul3A_407, %add3A_453 : i32
      %get3A_455 = arith.index_cast %add3A_454 : i32 to index
      %get3A_456 = arith.constant 0 : index
      %get3A_457 = tpu.vector_load %arg9[%get3A_455, %get3A_456] {strides = array<i32>} : memref<32x64xf32, #tpu.memory_space<vmem>>, vector<1x16xf32>,
      %get3A_458 = vector.shape_cast %get3A_457 : vector<1x16xf32> to vector<16xf32>
      %get3A_459 = arith.index_cast %add3A_454 : i32 to index
      %get3A_460 = arith.constant 0 : index
      %get3A_461 = tpu.vector_load %arg10[%get3A_459, %get3A_460] {strides = array<i32>} : memref<32x64xf32, #tpu.memory_space<vmem>>, vector<1x16xf32>,
      %get3A_462 = vector.shape_cast %get3A_461 : vector<1x16xf32> to vector<16xf32>
      %mul3A_463 = arith.mulf %get3A_458, %get3A_462 : vector<16xf32>
      %get3A_464 = arith.index_cast %add3A_454 : i32 to index
      %get3A_465 = arith.constant 16 : index
      %get3A_466 = tpu.vector_load %arg9[%get3A_464, %get3A_465] {strides = array<i32>} : memref<32x64xf32, #tpu.memory_space<vmem>>, vector<1x16xf32>,
      %get3A_467 = vector.shape_cast %get3A_466 : vector<1x16xf32> to vector<16xf32>
      %get3A_468 = arith.index_cast %add3A_454 : i32 to index
      %get3A_469 = arith.constant 16 : index
      %get3A_470 = tpu.vector_load %arg10[%get3A_468, %get3A_469] {strides = array<i32>} : memref<32x64xf32, #tpu.memory_space<vmem>>, vector<1x16xf32>,
      %get3A_471 = vector.shape_cast %get3A_470 : vector<1x16xf32> to vector<16xf32>
      %mul3A_472 = arith.mulf %get3A_467, %get3A_471 : vector<16xf32>
      %add3A_473 = arith.addf %mul3A_463, %mul3A_472 : vector<16xf32>
      %get3A_474 = arith.index_cast %add3A_454 : i32 to index
      %get3A_475 = arith.constant 32 : index
      %get3A_476 = tpu.vector_load %arg9[%get3A_474, %get3A_475] {strides = array<i32>} : memref<32x64xf32, #tpu.memory_space<vmem>>, vector<1x16xf32>,
      %get3A_477 = vector.shape_cast %get3A_476 : vector<1x16xf32> to vector<16xf32>
      %get3A_478 = arith.index_cast %add3A_454 : i32 to index
      %get3A_479 = arith.constant 32 : index
      %get3A_480 = tpu.vector_load %arg10[%get3A_478, %get3A_479] {strides = array<i32>} : memref<32x64xf32, #tpu.memory_space<vmem>>, vector<1x16xf32>,
      %get3A_481 = vector.shape_cast %get3A_480 : vector<1x16xf32> to vector<16xf32>
      %mul3A_482 = arith.mulf %get3A_477, %get3A_481 : vector<16xf32>
      %add3A_483 = arith.addf %add3A_473, %mul3A_482 : vector<16xf32>
      %get3A_484 = arith.index_cast %add3A_454 : i32 to index
      %get3A_485 = arith.constant 48 : index
      %get3A_486 = tpu.vector_load %arg9[%get3A_484, %get3A_485] {strides = array<i32>} : memref<32x64xf32, #tpu.memory_space<vmem>>, vector<1x16xf32>,
      %get3A_487 = vector.shape_cast %get3A_486 : vector<1x16xf32> to vector<16xf32>
      %get3A_488 = arith.index_cast %add3A_454 : i32 to index
      %get3A_489 = arith.constant 48 : index
      %get3A_490 = tpu.vector_load %arg10[%get3A_488, %get3A_489] {strides = array<i32>} : memref<32x64xf32, #tpu.memory_space<vmem>>, vector<1x16xf32>,
      %get3A_491 = vector.shape_cast %get3A_490 : vector<1x16xf32> to vector<16xf32>
      %mul3A_492 = arith.mulf %get3A_487, %get3A_491 : vector<16xf32>
      %add3A_493 = arith.addf %add3A_483, %mul3A_492 : vector<16xf32>
      %add3A_494 = arith.constant 8 : i32
      %add3A_495 = vector.broadcast %add3A_494 : i32 to vector<16xi32>
      %add3A_496 = arith.addi %iota3A, %add3A_495 : vector<16xi32>
      %and3A_497 = arith.constant 15 : i32
      %and3A_498 = vector.broadcast %and3A_497 : i32 to vector<16xi32>
      %and3A_499 = arith.andi %add3A_496, %and3A_498 : vector<16xi32>
      %broadcast_in_dim3A_500 = vector.shape_cast %and3A_499 : vector<16xi32> to vector<16x1xi32>
      %gather3A = vector.shape_cast %broadcast_in_dim3A_500 : vector<16x1xi32> to vector<16xi32>
      %gather3A_501 = tpu.dynamic_gather %add3A_493[%gather3A] in [0] : vector<16xf32>, vector<16xi32> -> vector<16xf32>
      %add3A_502 = arith.addf %add3A_493, %gather3A_501 : vector<16xf32>
      %add3A_503 = arith.constant 4 : i32
      %add3A_504 = vector.broadcast %add3A_503 : i32 to vector<16xi32>
      %add3A_505 = arith.addi %iota3A, %add3A_504 : vector<16xi32>
      %and3A_506 = arith.constant 15 : i32
      %and3A_507 = vector.broadcast %and3A_506 : i32 to vector<16xi32>
      %and3A_508 = arith.andi %add3A_505, %and3A_507 : vector<16xi32>
      %broadcast_in_dim3A_509 = vector.shape_cast %and3A_508 : vector<16xi32> to vector<16x1xi32>
      %gather3A_510 = vector.shape_cast %broadcast_in_dim3A_509 : vector<16x1xi32> to vector<16xi32>
      %gather3A_511 = tpu.dynamic_gather %add3A_502[%gather3A_510] in [0] : vector<16xf32>, vector<16xi32> -> vector<16xf32>
      %add3A_512 = arith.addf %add3A_502, %gather3A_511 : vector<16xf32>
      %add3A_513 = arith.constant 2 : i32
      %add3A_514 = vector.broadcast %add3A_513 : i32 to vector<16xi32>
      %add3A_515 = arith.addi %iota3A, %add3A_514 : vector<16xi32>
      %and3A_516 = arith.constant 15 : i32
      %and3A_517 = vector.broadcast %and3A_516 : i32 to vector<16xi32>
      %and3A_518 = arith.andi %add3A_515, %and3A_517 : vector<16xi32>
      %broadcast_in_dim3A_519 = vector.shape_cast %and3A_518 : vector<16xi32> to vector<16x1xi32>
      %gather3A_520 = vector.shape_cast %broadcast_in_dim3A_519 : vector<16x1xi32> to vector<16xi32>
      %gather3A_521 = tpu.dynamic_gather %add3A_512[%gather3A_520] in [0] : vector<16xf32>, vector<16xi32> -> vector<16xf32>
      %add3A_522 = arith.addf %add3A_512, %gather3A_521 : vector<16xf32>
      %add3A_523 = arith.constant 1 : i32
      %add3A_524 = vector.broadcast %add3A_523 : i32 to vector<16xi32>
      %add3A_525 = arith.addi %iota3A, %add3A_524 : vector<16xi32>
      %and3A_526 = arith.constant 15 : i32
      %and3A_527 = vector.broadcast %and3A_526 : i32 to vector<16xi32>
      %and3A_528 = arith.andi %add3A_525, %and3A_527 : vector<16xi32>
      %broadcast_in_dim3A_529 = vector.shape_cast %and3A_528 : vector<16xi32> to vector<16x1xi32>
      %gather3A_530 = vector.shape_cast %broadcast_in_dim3A_529 : vector<16x1xi32> to vector<16xi32>
      %gather3A_531 = tpu.dynamic_gather %add3A_522[%gather3A_530] in [0] : vector<16xf32>, vector<16xi32> -> vector<16xf32>
      %add3A_532 = arith.addf %add3A_522, %gather3A_531 : vector<16xf32>
      %eq3A_533 = arith.constant 0 : i32
      %eq3A_534 = vector.broadcast %eq3A_533 : i32 to vector<16xi32>
      %eq3A_535 = arith.cmpi eq, %iota3A, %eq3A_534 : vector<16xi32>
      %select_n3A_536 = arith.select %eq3A_535, %add3A_532, %broadcast_in_dim3A_452 : vector<16xi1>, vector<16xf32>
      %add3A_537 = arith.constant 1 : i32
      %add3A_538 = arith.addi %mul3A_407, %add3A_537 : i32
      %get3A_539 = arith.index_cast %add3A_538 : i32 to index
      %get3A_540 = arith.constant 0 : index
      %get3A_541 = tpu.vector_load %arg9[%get3A_539, %get3A_540] {strides = array<i32>} : memref<32x64xf32, #tpu.memory_space<vmem>>, vector<1x16xf32>,
      %get3A_542 = vector.shape_cast %get3A_541 : vector<1x16xf32> to vector<16xf32>
      %get3A_543 = arith.index_cast %add3A_538 : i32 to index
      %get3A_544 = arith.constant 0 : index
      %get3A_545 = tpu.vector_load %arg10[%get3A_543, %get3A_544] {strides = array<i32>} : memref<32x64xf32, #tpu.memory_space<vmem>>, vector<1x16xf32>,
      %get3A_546 = vector.shape_cast %get3A_545 : vector<1x16xf32> to vector<16xf32>
      %mul3A_547 = arith.mulf %get3A_542, %get3A_546 : vector<16xf32>
      %get3A_548 = arith.index_cast %add3A_538 : i32 to index
      %get3A_549 = arith.constant 16 : index
      %get3A_550 = tpu.vector_load %arg9[%get3A_548, %get3A_549] {strides = array<i32>} : memref<32x64xf32, #tpu.memory_space<vmem>>, vector<1x16xf32>,
      %get3A_551 = vector.shape_cast %get3A_550 : vector<1x16xf32> to vector<16xf32>
      %get3A_552 = arith.index_cast %add3A_538 : i32 to index
      %get3A_553 = arith.constant 16 : index
      %get3A_554 = tpu.vector_load %arg10[%get3A_552, %get3A_553] {strides = array<i32>} : memref<32x64xf32, #tpu.memory_space<vmem>>, vector<1x16xf32>,
      %get3A_555 = vector.shape_cast %get3A_554 : vector<1x16xf32> to vector<16xf32>
      %mul3A_556 = arith.mulf %get3A_551, %get3A_555 : vector<16xf32>
      %add3A_557 = arith.addf %mul3A_547, %mul3A_556 : vector<16xf32>
      %get3A_558 = arith.index_cast %add3A_538 : i32 to index
      %get3A_559 = arith.constant 32 : index
      %get3A_560 = tpu.vector_load %arg9[%get3A_558, %get3A_559] {strides = array<i32>} : memref<32x64xf32, #tpu.memory_space<vmem>>, vector<1x16xf32>,
      %get3A_561 = vector.shape_cast %get3A_560 : vector<1x16xf32> to vector<16xf32>
      %get3A_562 = arith.index_cast %add3A_538 : i32 to index
      %get3A_563 = arith.constant 32 : index
      %get3A_564 = tpu.vector_load %arg10[%get3A_562, %get3A_563] {strides = array<i32>} : memref<32x64xf32, #tpu.memory_space<vmem>>, vector<1x16xf32>,
      %get3A_565 = vector.shape_cast %get3A_564 : vector<1x16xf32> to vector<16xf32>
      %mul3A_566 = arith.mulf %get3A_561, %get3A_565 : vector<16xf32>
      %add3A_567 = arith.addf %add3A_557, %mul3A_566 : vector<16xf32>
      %get3A_568 = arith.index_cast %add3A_538 : i32 to index
      %get3A_569 = arith.constant 48 : index
      %get3A_570 = tpu.vector_load %arg9[%get3A_568, %get3A_569] {strides = array<i32>} : memref<32x64xf32, #tpu.memory_space<vmem>>, vector<1x16xf32>,
      %get3A_571 = vector.shape_cast %get3A_570 : vector<1x16xf32> to vector<16xf32>
      %get3A_572 = arith.index_cast %add3A_538 : i32 to index
      %get3A_573 = arith.constant 48 : index
      %get3A_574 = tpu.vector_load %arg10[%get3A_572, %get3A_573] {strides = array<i32>} : memref<32x64xf32, #tpu.memory_space<vmem>>, vector<1x16xf32>,
      %get3A_575 = vector.shape_cast %get3A_574 : vector<1x16xf32> to vector<16xf32>
      %mul3A_576 = arith.mulf %get3A_571, %get3A_575 : vector<16xf32>
      %add3A_577 = arith.addf %add3A_567, %mul3A_576 : vector<16xf32>
      %add3A_578 = arith.constant 8 : i32
      %add3A_579 = vector.broadcast %add3A_578 : i32 to vector<16xi32>
      %add3A_580 = arith.addi %iota3A, %add3A_579 : vector<16xi32>
      %and3A_581 = arith.constant 15 : i32
      %and3A_582 = vector.broadcast %and3A_581 : i32 to vector<16xi32>
      %and3A_583 = arith.andi %add3A_580, %and3A_582 : vector<16xi32>
      %broadcast_in_dim3A_584 = vector.shape_cast %and3A_583 : vector<16xi32> to vector<16x1xi32>
      %gather3A_585 = vector.shape_cast %broadcast_in_dim3A_584 : vector<16x1xi32> to vector<16xi32>
      %gather3A_586 = tpu.dynamic_gather %add3A_577[%gather3A_585] in [0] : vector<16xf32>, vector<16xi32> -> vector<16xf32>
      %add3A_587 = arith.addf %add3A_577, %gather3A_586 : vector<16xf32>
      %add3A_588 = arith.constant 4 : i32
      %add3A_589 = vector.broadcast %add3A_588 : i32 to vector<16xi32>
      %add3A_590 = arith.addi %iota3A, %add3A_589 : vector<16xi32>
      %and3A_591 = arith.constant 15 : i32
      %and3A_592 = vector.broadcast %and3A_591 : i32 to vector<16xi32>
      %and3A_593 = arith.andi %add3A_590, %and3A_592 : vector<16xi32>
      %broadcast_in_dim3A_594 = vector.shape_cast %and3A_593 : vector<16xi32> to vector<16x1xi32>
      %gather3A_595 = vector.shape_cast %broadcast_in_dim3A_594 : vector<16x1xi32> to vector<16xi32>
      %gather3A_596 = tpu.dynamic_gather %add3A_587[%gather3A_595] in [0] : vector<16xf32>, vector<16xi32> -> vector<16xf32>
      %add3A_597 = arith.addf %add3A_587, %gather3A_596 : vector<16xf32>
      %add3A_598 = arith.constant 2 : i32
      %add3A_599 = vector.broadcast %add3A_598 : i32 to vector<16xi32>
      %add3A_600 = arith.addi %iota3A, %add3A_599 : vector<16xi32>
      %and3A_601 = arith.constant 15 : i32
      %and3A_602 = vector.broadcast %and3A_601 : i32 to vector<16xi32>
      %and3A_603 = arith.andi %add3A_600, %and3A_602 : vector<16xi32>
      %broadcast_in_dim3A_604 = vector.shape_cast %and3A_603 : vector<16xi32> to vector<16x1xi32>
      %gather3A_605 = vector.shape_cast %broadcast_in_dim3A_604 : vector<16x1xi32> to vector<16xi32>
      %gather3A_606 = tpu.dynamic_gather %add3A_597[%gather3A_605] in [0] : vector<16xf32>, vector<16xi32> -> vector<16xf32>
      %add3A_607 = arith.addf %add3A_597, %gather3A_606 : vector<16xf32>
      %add3A_608 = arith.constant 1 : i32
      %add3A_609 = vector.broadcast %add3A_608 : i32 to vector<16xi32>
      %add3A_610 = arith.addi %iota3A, %add3A_609 : vector<16xi32>
      %and3A_611 = arith.constant 15 : i32
      %and3A_612 = vector.broadcast %and3A_611 : i32 to vector<16xi32>
      %and3A_613 = arith.andi %add3A_610, %and3A_612 : vector<16xi32>
      %broadcast_in_dim3A_614 = vector.shape_cast %and3A_613 : vector<16xi32> to vector<16x1xi32>
      %gather3A_615 = vector.shape_cast %broadcast_in_dim3A_614 : vector<16x1xi32> to vector<16xi32>
      %gather3A_616 = tpu.dynamic_gather %add3A_607[%gather3A_615] in [0] : vector<16xf32>, vector<16xi32> -> vector<16xf32>
      %add3A_617 = arith.addf %add3A_607, %gather3A_616 : vector<16xf32>
      %eq3A_618 = arith.constant 1 : i32
      %eq3A_619 = vector.broadcast %eq3A_618 : i32 to vector<16xi32>
      %eq3A_620 = arith.cmpi eq, %iota3A, %eq3A_619 : vector<16xi32>
      %select_n3A_621 = arith.select %eq3A_620, %add3A_617, %select_n3A_536 : vector<16xi1>, vector<16xf32>
      %add3A_622 = arith.constant 2 : i32
      %add3A_623 = arith.addi %mul3A_407, %add3A_622 : i32
      %get3A_624 = arith.index_cast %add3A_623 : i32 to index
      %get3A_625 = arith.constant 0 : index
      %get3A_626 = tpu.vector_load %arg9[%get3A_624, %get3A_625] {strides = array<i32>} : memref<32x64xf32, #tpu.memory_space<vmem>>, vector<1x16xf32>,
      %get3A_627 = vector.shape_cast %get3A_626 : vector<1x16xf32> to vector<16xf32>
      %get3A_628 = arith.index_cast %add3A_623 : i32 to index
      %get3A_629 = arith.constant 0 : index
      %get3A_630 = tpu.vector_load %arg10[%get3A_628, %get3A_629] {strides = array<i32>} : memref<32x64xf32, #tpu.memory_space<vmem>>, vector<1x16xf32>,
      %get3A_631 = vector.shape_cast %get3A_630 : vector<1x16xf32> to vector<16xf32>
      %mul3A_632 = arith.mulf %get3A_627, %get3A_631 : vector<16xf32>
      %get3A_633 = arith.index_cast %add3A_623 : i32 to index
      %get3A_634 = arith.constant 16 : index
      %get3A_635 = tpu.vector_load %arg9[%get3A_633, %get3A_634] {strides = array<i32>} : memref<32x64xf32, #tpu.memory_space<vmem>>, vector<1x16xf32>,
      %get3A_636 = vector.shape_cast %get3A_635 : vector<1x16xf32> to vector<16xf32>
      %get3A_637 = arith.index_cast %add3A_623 : i32 to index
      %get3A_638 = arith.constant 16 : index
      %get3A_639 = tpu.vector_load %arg10[%get3A_637, %get3A_638] {strides = array<i32>} : memref<32x64xf32, #tpu.memory_space<vmem>>, vector<1x16xf32>,
      %get3A_640 = vector.shape_cast %get3A_639 : vector<1x16xf32> to vector<16xf32>
      %mul3A_641 = arith.mulf %get3A_636, %get3A_640 : vector<16xf32>
      %add3A_642 = arith.addf %mul3A_632, %mul3A_641 : vector<16xf32>
      %get3A_643 = arith.index_cast %add3A_623 : i32 to index
      %get3A_644 = arith.constant 32 : index
      %get3A_645 = tpu.vector_load %arg9[%get3A_643, %get3A_644] {strides = array<i32>} : memref<32x64xf32, #tpu.memory_space<vmem>>, vector<1x16xf32>,
      %get3A_646 = vector.shape_cast %get3A_645 : vector<1x16xf32> to vector<16xf32>
      %get3A_647 = arith.index_cast %add3A_623 : i32 to index
      %get3A_648 = arith.constant 32 : index
      %get3A_649 = tpu.vector_load %arg10[%get3A_647, %get3A_648] {strides = array<i32>} : memref<32x64xf32, #tpu.memory_space<vmem>>, vector<1x16xf32>,
      %get3A_650 = vector.shape_cast %get3A_649 : vector<1x16xf32> to vector<16xf32>
      %mul3A_651 = arith.mulf %get3A_646, %get3A_650 : vector<16xf32>
      %add3A_652 = arith.addf %add3A_642, %mul3A_651 : vector<16xf32>
      %get3A_653 = arith.index_cast %add3A_623 : i32 to index
      %get3A_654 = arith.constant 48 : index
      %get3A_655 = tpu.vector_load %arg9[%get3A_653, %get3A_654] {strides = array<i32>} : memref<32x64xf32, #tpu.memory_space<vmem>>, vector<1x16xf32>,
      %get3A_656 = vector.shape_cast %get3A_655 : vector<1x16xf32> to vector<16xf32>
      %get3A_657 = arith.index_cast %add3A_623 : i32 to index
      %get3A_658 = arith.constant 48 : index
      %get3A_659 = tpu.vector_load %arg10[%get3A_657, %get3A_658] {strides = array<i32>} : memref<32x64xf32, #tpu.memory_space<vmem>>, vector<1x16xf32>,
      %get3A_660 = vector.shape_cast %get3A_659 : vector<1x16xf32> to vector<16xf32>
      %mul3A_661 = arith.mulf %get3A_656, %get3A_660 : vector<16xf32>
      %add3A_662 = arith.addf %add3A_652, %mul3A_661 : vector<16xf32>
      %add3A_663 = arith.constant 8 : i32
      %add3A_664 = vector.broadcast %add3A_663 : i32 to vector<16xi32>
      %add3A_665 = arith.addi %iota3A, %add3A_664 : vector<16xi32>
      %and3A_666 = arith.constant 15 : i32
      %and3A_667 = vector.broadcast %and3A_666 : i32 to vector<16xi32>
      %and3A_668 = arith.andi %add3A_665, %and3A_667 : vector<16xi32>
      %broadcast_in_dim3A_669 = vector.shape_cast %and3A_668 : vector<16xi32> to vector<16x1xi32>
      %gather3A_670 = vector.shape_cast %broadcast_in_dim3A_669 : vector<16x1xi32> to vector<16xi32>
      %gather3A_671 = tpu.dynamic_gather %add3A_662[%gather3A_670] in [0] : vector<16xf32>, vector<16xi32> -> vector<16xf32>
      %add3A_672 = arith.addf %add3A_662, %gather3A_671 : vector<16xf32>
      %add3A_673 = arith.constant 4 : i32
      %add3A_674 = vector.broadcast %add3A_673 : i32 to vector<16xi32>
      %add3A_675 = arith.addi %iota3A, %add3A_674 : vector<16xi32>
      %and3A_676 = arith.constant 15 : i32
      %and3A_677 = vector.broadcast %and3A_676 : i32 to vector<16xi32>
      %and3A_678 = arith.andi %add3A_675, %and3A_677 : vector<16xi32>
      %broadcast_in_dim3A_679 = vector.shape_cast %and3A_678 : vector<16xi32> to vector<16x1xi32>
      %gather3A_680 = vector.shape_cast %broadcast_in_dim3A_679 : vector<16x1xi32> to vector<16xi32>
      %gather3A_681 = tpu.dynamic_gather %add3A_672[%gather3A_680] in [0] : vector<16xf32>, vector<16xi32> -> vector<16xf32>
      %add3A_682 = arith.addf %add3A_672, %gather3A_681 : vector<16xf32>
      %add3A_683 = arith.constant 2 : i32
      %add3A_684 = vector.broadcast %add3A_683 : i32 to vector<16xi32>
      %add3A_685 = arith.addi %iota3A, %add3A_684 : vector<16xi32>
      %and3A_686 = arith.constant 15 : i32
      %and3A_687 = vector.broadcast %and3A_686 : i32 to vector<16xi32>
      %and3A_688 = arith.andi %add3A_685, %and3A_687 : vector<16xi32>
      %broadcast_in_dim3A_689 = vector.shape_cast %and3A_688 : vector<16xi32> to vector<16x1xi32>
      %gather3A_690 = vector.shape_cast %broadcast_in_dim3A_689 : vector<16x1xi32> to vector<16xi32>
      %gather3A_691 = tpu.dynamic_gather %add3A_682[%gather3A_690] in [0] : vector<16xf32>, vector<16xi32> -> vector<16xf32>
      %add3A_692 = arith.addf %add3A_682, %gather3A_691 : vector<16xf32>
      %add3A_693 = arith.constant 1 : i32
      %add3A_694 = vector.broadcast %add3A_693 : i32 to vector<16xi32>
      %add3A_695 = arith.addi %iota3A, %add3A_694 : vector<16xi32>
      %and3A_696 = arith.constant 15 : i32
      %and3A_697 = vector.broadcast %and3A_696 : i32 to vector<16xi32>
      %and3A_698 = arith.andi %add3A_695, %and3A_697 : vector<16xi32>
      %broadcast_in_dim3A_699 = vector.shape_cast %and3A_698 : vector<16xi32> to vector<16x1xi32>
      %gather3A_700 = vector.shape_cast %broadcast_in_dim3A_699 : vector<16x1xi32> to vector<16xi32>
      %gather3A_701 = tpu.dynamic_gather %add3A_692[%gather3A_700] in [0] : vector<16xf32>, vector<16xi32> -> vector<16xf32>
      %add3A_702 = arith.addf %add3A_692, %gather3A_701 : vector<16xf32>
      %eq3A_703 = arith.constant 2 : i32
      %eq3A_704 = vector.broadcast %eq3A_703 : i32 to vector<16xi32>
      %eq3A_705 = arith.cmpi eq, %iota3A, %eq3A_704 : vector<16xi32>
      %select_n3A_706 = arith.select %eq3A_705, %add3A_702, %select_n3A_621 : vector<16xi1>, vector<16xf32>
      %add3A_707 = arith.constant 3 : i32
      %add3A_708 = arith.addi %mul3A_407, %add3A_707 : i32
      %get3A_709 = arith.index_cast %add3A_708 : i32 to index
      %get3A_710 = arith.constant 0 : index
      %get3A_711 = tpu.vector_load %arg9[%get3A_709, %get3A_710] {strides = array<i32>} : memref<32x64xf32, #tpu.memory_space<vmem>>, vector<1x16xf32>,
      %get3A_712 = vector.shape_cast %get3A_711 : vector<1x16xf32> to vector<16xf32>
      %get3A_713 = arith.index_cast %add3A_708 : i32 to index
      %get3A_714 = arith.constant 0 : index
      %get3A_715 = tpu.vector_load %arg10[%get3A_713, %get3A_714] {strides = array<i32>} : memref<32x64xf32, #tpu.memory_space<vmem>>, vector<1x16xf32>,
      %get3A_716 = vector.shape_cast %get3A_715 : vector<1x16xf32> to vector<16xf32>
      %mul3A_717 = arith.mulf %get3A_712, %get3A_716 : vector<16xf32>
      %get3A_718 = arith.index_cast %add3A_708 : i32 to index
      %get3A_719 = arith.constant 16 : index
      %get3A_720 = tpu.vector_load %arg9[%get3A_718, %get3A_719] {strides = array<i32>} : memref<32x64xf32, #tpu.memory_space<vmem>>, vector<1x16xf32>,
      %get3A_721 = vector.shape_cast %get3A_720 : vector<1x16xf32> to vector<16xf32>
      %get3A_722 = arith.index_cast %add3A_708 : i32 to index
      %get3A_723 = arith.constant 16 : index
      %get3A_724 = tpu.vector_load %arg10[%get3A_722, %get3A_723] {strides = array<i32>} : memref<32x64xf32, #tpu.memory_space<vmem>>, vector<1x16xf32>,
      %get3A_725 = vector.shape_cast %get3A_724 : vector<1x16xf32> to vector<16xf32>
      %mul3A_726 = arith.mulf %get3A_721, %get3A_725 : vector<16xf32>
      %add3A_727 = arith.addf %mul3A_717, %mul3A_726 : vector<16xf32>
      %get3A_728 = arith.index_cast %add3A_708 : i32 to index
      %get3A_729 = arith.constant 32 : index
      %get3A_730 = tpu.vector_load %arg9[%get3A_728, %get3A_729] {strides = array<i32>} : memref<32x64xf32, #tpu.memory_space<vmem>>, vector<1x16xf32>,
      %get3A_731 = vector.shape_cast %get3A_730 : vector<1x16xf32> to vector<16xf32>
      %get3A_732 = arith.index_cast %add3A_708 : i32 to index
      %get3A_733 = arith.constant 32 : index
      %get3A_734 = tpu.vector_load %arg10[%get3A_732, %get3A_733] {strides = array<i32>} : memref<32x64xf32, #tpu.memory_space<vmem>>, vector<1x16xf32>,
      %get3A_735 = vector.shape_cast %get3A_734 : vector<1x16xf32> to vector<16xf32>
      %mul3A_736 = arith.mulf %get3A_731, %get3A_735 : vector<16xf32>
      %add3A_737 = arith.addf %add3A_727, %mul3A_736 : vector<16xf32>
      %get3A_738 = arith.index_cast %add3A_708 : i32 to index
      %get3A_739 = arith.constant 48 : index
      %get3A_740 = tpu.vector_load %arg9[%get3A_738, %get3A_739] {strides = array<i32>} : memref<32x64xf32, #tpu.memory_space<vmem>>, vector<1x16xf32>,
      %get3A_741 = vector.shape_cast %get3A_740 : vector<1x16xf32> to vector<16xf32>
      %get3A_742 = arith.index_cast %add3A_708 : i32 to index
      %get3A_743 = arith.constant 48 : index
      %get3A_744 = tpu.vector_load %arg10[%get3A_742, %get3A_743] {strides = array<i32>} : memref<32x64xf32, #tpu.memory_space<vmem>>, vector<1x16xf32>,
      %get3A_745 = vector.shape_cast %get3A_744 : vector<1x16xf32> to vector<16xf32>
      %mul3A_746 = arith.mulf %get3A_741, %get3A_745 : vector<16xf32>
      %add3A_747 = arith.addf %add3A_737, %mul3A_746 : vector<16xf32>
      %add3A_748 = arith.constant 8 : i32
      %add3A_749 = vector.broadcast %add3A_748 : i32 to vector<16xi32>
      %add3A_750 = arith.addi %iota3A, %add3A_749 : vector<16xi32>
      %and3A_751 = arith.constant 15 : i32
      %and3A_752 = vector.broadcast %and3A_751 : i32 to vector<16xi32>
      %and3A_753 = arith.andi %add3A_750, %and3A_752 : vector<16xi32>
      %broadcast_in_dim3A_754 = vector.shape_cast %and3A_753 : vector<16xi32> to vector<16x1xi32>
      %gather3A_755 = vector.shape_cast %broadcast_in_dim3A_754 : vector<16x1xi32> to vector<16xi32>
      %gather3A_756 = tpu.dynamic_gather %add3A_747[%gather3A_755] in [0] : vector<16xf32>, vector<16xi32> -> vector<16xf32>
      %add3A_757 = arith.addf %add3A_747, %gather3A_756 : vector<16xf32>
      %add3A_758 = arith.constant 4 : i32
      %add3A_759 = vector.broadcast %add3A_758 : i32 to vector<16xi32>
      %add3A_760 = arith.addi %iota3A, %add3A_759 : vector<16xi32>
      %and3A_761 = arith.constant 15 : i32
      %and3A_762 = vector.broadcast %and3A_761 : i32 to vector<16xi32>
      %and3A_763 = arith.andi %add3A_760, %and3A_762 : vector<16xi32>
      %broadcast_in_dim3A_764 = vector.shape_cast %and3A_763 : vector<16xi32> to vector<16x1xi32>
      %gather3A_765 = vector.shape_cast %broadcast_in_dim3A_764 : vector<16x1xi32> to vector<16xi32>
      %gather3A_766 = tpu.dynamic_gather %add3A_757[%gather3A_765] in [0] : vector<16xf32>, vector<16xi32> -> vector<16xf32>
      %add3A_767 = arith.addf %add3A_757, %gather3A_766 : vector<16xf32>
      %add3A_768 = arith.constant 2 : i32
      %add3A_769 = vector.broadcast %add3A_768 : i32 to vector<16xi32>
      %add3A_770 = arith.addi %iota3A, %add3A_769 : vector<16xi32>
      %and3A_771 = arith.constant 15 : i32
      %and3A_772 = vector.broadcast %and3A_771 : i32 to vector<16xi32>
      %and3A_773 = arith.andi %add3A_770, %and3A_772 : vector<16xi32>
      %broadcast_in_dim3A_774 = vector.shape_cast %and3A_773 : vector<16xi32> to vector<16x1xi32>
      %gather3A_775 = vector.shape_cast %broadcast_in_dim3A_774 : vector<16x1xi32> to vector<16xi32>
      %gather3A_776 = tpu.dynamic_gather %add3A_767[%gather3A_775] in [0] : vector<16xf32>, vector<16xi32> -> vector<16xf32>
      %add3A_777 = arith.addf %add3A_767, %gather3A_776 : vector<16xf32>
      %add3A_778 = arith.constant 1 : i32
      %add3A_779 = vector.broadcast %add3A_778 : i32 to vector<16xi32>
      %add3A_780 = arith.addi %iota3A, %add3A_779 : vector<16xi32>
      %and3A_781 = arith.constant 15 : i32
      %and3A_782 = vector.broadcast %and3A_781 : i32 to vector<16xi32>
      %and3A_783 = arith.andi %add3A_780, %and3A_782 : vector<16xi32>
      %broadcast_in_dim3A_784 = vector.shape_cast %and3A_783 : vector<16xi32> to vector<16x1xi32>
      %gather3A_785 = vector.shape_cast %broadcast_in_dim3A_784 : vector<16x1xi32> to vector<16xi32>
      %gather3A_786 = tpu.dynamic_gather %add3A_777[%gather3A_785] in [0] : vector<16xf32>, vector<16xi32> -> vector<16xf32>
      %add3A_787 = arith.addf %add3A_777, %gather3A_786 : vector<16xf32>
      %eq3A_788 = arith.constant 3 : i32
      %eq3A_789 = vector.broadcast %eq3A_788 : i32 to vector<16xi32>
      %eq3A_790 = arith.cmpi eq, %iota3A, %eq3A_789 : vector<16xi32>
      %select_n3A_791 = arith.select %eq3A_790, %add3A_787, %select_n3A_706 : vector<16xi1>, vector<16xf32>
      %add3A_792 = arith.constant 4 : i32
      %add3A_793 = arith.addi %mul3A_407, %add3A_792 : i32
      %get3A_794 = arith.index_cast %add3A_793 : i32 to index
      %get3A_795 = arith.constant 0 : index
      %get3A_796 = tpu.vector_load %arg9[%get3A_794, %get3A_795] {strides = array<i32>} : memref<32x64xf32, #tpu.memory_space<vmem>>, vector<1x16xf32>,
      %get3A_797 = vector.shape_cast %get3A_796 : vector<1x16xf32> to vector<16xf32>
      %get3A_798 = arith.index_cast %add3A_793 : i32 to index
      %get3A_799 = arith.constant 0 : index
      %get3A_800 = tpu.vector_load %arg10[%get3A_798, %get3A_799] {strides = array<i32>} : memref<32x64xf32, #tpu.memory_space<vmem>>, vector<1x16xf32>,
      %get3A_801 = vector.shape_cast %get3A_800 : vector<1x16xf32> to vector<16xf32>
      %mul3A_802 = arith.mulf %get3A_797, %get3A_801 : vector<16xf32>
      %get3A_803 = arith.index_cast %add3A_793 : i32 to index
      %get3A_804 = arith.constant 16 : index
      %get3A_805 = tpu.vector_load %arg9[%get3A_803, %get3A_804] {strides = array<i32>} : memref<32x64xf32, #tpu.memory_space<vmem>>, vector<1x16xf32>,
      %get3A_806 = vector.shape_cast %get3A_805 : vector<1x16xf32> to vector<16xf32>
      %get3A_807 = arith.index_cast %add3A_793 : i32 to index
      %get3A_808 = arith.constant 16 : index
      %get3A_809 = tpu.vector_load %arg10[%get3A_807, %get3A_808] {strides = array<i32>} : memref<32x64xf32, #tpu.memory_space<vmem>>, vector<1x16xf32>,
      %get3A_810 = vector.shape_cast %get3A_809 : vector<1x16xf32> to vector<16xf32>
      %mul3A_811 = arith.mulf %get3A_806, %get3A_810 : vector<16xf32>
      %add3A_812 = arith.addf %mul3A_802, %mul3A_811 : vector<16xf32>
      %get3A_813 = arith.index_cast %add3A_793 : i32 to index
      %get3A_814 = arith.constant 32 : index
      %get3A_815 = tpu.vector_load %arg9[%get3A_813, %get3A_814] {strides = array<i32>} : memref<32x64xf32, #tpu.memory_space<vmem>>, vector<1x16xf32>,
      %get3A_816 = vector.shape_cast %get3A_815 : vector<1x16xf32> to vector<16xf32>
      %get3A_817 = arith.index_cast %add3A_793 : i32 to index
      %get3A_818 = arith.constant 32 : index
      %get3A_819 = tpu.vector_load %arg10[%get3A_817, %get3A_818] {strides = array<i32>} : memref<32x64xf32, #tpu.memory_space<vmem>>, vector<1x16xf32>,
      %get3A_820 = vector.shape_cast %get3A_819 : vector<1x16xf32> to vector<16xf32>
      %mul3A_821 = arith.mulf %get3A_816, %get3A_820 : vector<16xf32>
      %add3A_822 = arith.addf %add3A_812, %mul3A_821 : vector<16xf32>
      %get3A_823 = arith.index_cast %add3A_793 : i32 to index
      %get3A_824 = arith.constant 48 : index
      %get3A_825 = tpu.vector_load %arg9[%get3A_823, %get3A_824] {strides = array<i32>} : memref<32x64xf32, #tpu.memory_space<vmem>>, vector<1x16xf32>,
      %get3A_826 = vector.shape_cast %get3A_825 : vector<1x16xf32> to vector<16xf32>
      %get3A_827 = arith.index_cast %add3A_793 : i32 to index
      %get3A_828 = arith.constant 48 : index
      %get3A_829 = tpu.vector_load %arg10[%get3A_827, %get3A_828] {strides = array<i32>} : memref<32x64xf32, #tpu.memory_space<vmem>>, vector<1x16xf32>,
      %get3A_830 = vector.shape_cast %get3A_829 : vector<1x16xf32> to vector<16xf32>
      %mul3A_831 = arith.mulf %get3A_826, %get3A_830 : vector<16xf32>
      %add3A_832 = arith.addf %add3A_822, %mul3A_831 : vector<16xf32>
      %add3A_833 = arith.constant 8 : i32
      %add3A_834 = vector.broadcast %add3A_833 : i32 to vector<16xi32>
      %add3A_835 = arith.addi %iota3A, %add3A_834 : vector<16xi32>
      %and3A_836 = arith.constant 15 : i32
      %and3A_837 = vector.broadcast %and3A_836 : i32 to vector<16xi32>
      %and3A_838 = arith.andi %add3A_835, %and3A_837 : vector<16xi32>
      %broadcast_in_dim3A_839 = vector.shape_cast %and3A_838 : vector<16xi32> to vector<16x1xi32>
      %gather3A_840 = vector.shape_cast %broadcast_in_dim3A_839 : vector<16x1xi32> to vector<16xi32>
      %gather3A_841 = tpu.dynamic_gather %add3A_832[%gather3A_840] in [0] : vector<16xf32>, vector<16xi32> -> vector<16xf32>
      %add3A_842 = arith.addf %add3A_832, %gather3A_841 : vector<16xf32>
      %add3A_843 = arith.constant 4 : i32
      %add3A_844 = vector.broadcast %add3A_843 : i32 to vector<16xi32>
      %add3A_845 = arith.addi %iota3A, %add3A_844 : vector<16xi32>
      %and3A_846 = arith.constant 15 : i32
      %and3A_847 = vector.broadcast %and3A_846 : i32 to vector<16xi32>
      %and3A_848 = arith.andi %add3A_845, %and3A_847 : vector<16xi32>
      %broadcast_in_dim3A_849 = vector.shape_cast %and3A_848 : vector<16xi32> to vector<16x1xi32>
      %gather3A_850 = vector.shape_cast %broadcast_in_dim3A_849 : vector<16x1xi32> to vector<16xi32>
      %gather3A_851 = tpu.dynamic_gather %add3A_842[%gather3A_850] in [0] : vector<16xf32>, vector<16xi32> -> vector<16xf32>
      %add3A_852 = arith.addf %add3A_842, %gather3A_851 : vector<16xf32>
      %add3A_853 = arith.constant 2 : i32
      %add3A_854 = vector.broadcast %add3A_853 : i32 to vector<16xi32>
      %add3A_855 = arith.addi %iota3A, %add3A_854 : vector<16xi32>
      %and3A_856 = arith.constant 15 : i32
      %and3A_857 = vector.broadcast %and3A_856 : i32 to vector<16xi32>
      %and3A_858 = arith.andi %add3A_855, %and3A_857 : vector<16xi32>
      %broadcast_in_dim3A_859 = vector.shape_cast %and3A_858 : vector<16xi32> to vector<16x1xi32>
      %gather3A_860 = vector.shape_cast %broadcast_in_dim3A_859 : vector<16x1xi32> to vector<16xi32>
      %gather3A_861 = tpu.dynamic_gather %add3A_852[%gather3A_860] in [0] : vector<16xf32>, vector<16xi32> -> vector<16xf32>
      %add3A_862 = arith.addf %add3A_852, %gather3A_861 : vector<16xf32>
      %add3A_863 = arith.constant 1 : i32
      %add3A_864 = vector.broadcast %add3A_863 : i32 to vector<16xi32>
      %add3A_865 = arith.addi %iota3A, %add3A_864 : vector<16xi32>
      %and3A_866 = arith.constant 15 : i32
      %and3A_867 = vector.broadcast %and3A_866 : i32 to vector<16xi32>
      %and3A_868 = arith.andi %add3A_865, %and3A_867 : vector<16xi32>
      %broadcast_in_dim3A_869 = vector.shape_cast %and3A_868 : vector<16xi32> to vector<16x1xi32>
      %gather3A_870 = vector.shape_cast %broadcast_in_dim3A_869 : vector<16x1xi32> to vector<16xi32>
      %gather3A_871 = tpu.dynamic_gather %add3A_862[%gather3A_870] in [0] : vector<16xf32>, vector<16xi32> -> vector<16xf32>
      %add3A_872 = arith.addf %add3A_862, %gather3A_871 : vector<16xf32>
      %eq3A_873 = arith.constant 4 : i32
      %eq3A_874 = vector.broadcast %eq3A_873 : i32 to vector<16xi32>
      %eq3A_875 = arith.cmpi eq, %iota3A, %eq3A_874 : vector<16xi32>
      %select_n3A_876 = arith.select %eq3A_875, %add3A_872, %select_n3A_791 : vector<16xi1>, vector<16xf32>
      %add3A_877 = arith.constant 5 : i32
      %add3A_878 = arith.addi %mul3A_407, %add3A_877 : i32
      %get3A_879 = arith.index_cast %add3A_878 : i32 to index
      %get3A_880 = arith.constant 0 : index
      %get3A_881 = tpu.vector_load %arg9[%get3A_879, %get3A_880] {strides = array<i32>} : memref<32x64xf32, #tpu.memory_space<vmem>>, vector<1x16xf32>,
      %get3A_882 = vector.shape_cast %get3A_881 : vector<1x16xf32> to vector<16xf32>
      %get3A_883 = arith.index_cast %add3A_878 : i32 to index
      %get3A_884 = arith.constant 0 : index
      %get3A_885 = tpu.vector_load %arg10[%get3A_883, %get3A_884] {strides = array<i32>} : memref<32x64xf32, #tpu.memory_space<vmem>>, vector<1x16xf32>,
      %get3A_886 = vector.shape_cast %get3A_885 : vector<1x16xf32> to vector<16xf32>
      %mul3A_887 = arith.mulf %get3A_882, %get3A_886 : vector<16xf32>
      %get3A_888 = arith.index_cast %add3A_878 : i32 to index
      %get3A_889 = arith.constant 16 : index
      %get3A_890 = tpu.vector_load %arg9[%get3A_888, %get3A_889] {strides = array<i32>} : memref<32x64xf32, #tpu.memory_space<vmem>>, vector<1x16xf32>,
      %get3A_891 = vector.shape_cast %get3A_890 : vector<1x16xf32> to vector<16xf32>
      %get3A_892 = arith.index_cast %add3A_878 : i32 to index
      %get3A_893 = arith.constant 16 : index
      %get3A_894 = tpu.vector_load %arg10[%get3A_892, %get3A_893] {strides = array<i32>} : memref<32x64xf32, #tpu.memory_space<vmem>>, vector<1x16xf32>,
      %get3A_895 = vector.shape_cast %get3A_894 : vector<1x16xf32> to vector<16xf32>
      %mul3A_896 = arith.mulf %get3A_891, %get3A_895 : vector<16xf32>
      %add3A_897 = arith.addf %mul3A_887, %mul3A_896 : vector<16xf32>
      %get3A_898 = arith.index_cast %add3A_878 : i32 to index
      %get3A_899 = arith.constant 32 : index
      %get3A_900 = tpu.vector_load %arg9[%get3A_898, %get3A_899] {strides = array<i32>} : memref<32x64xf32, #tpu.memory_space<vmem>>, vector<1x16xf32>,
      %get3A_901 = vector.shape_cast %get3A_900 : vector<1x16xf32> to vector<16xf32>
      %get3A_902 = arith.index_cast %add3A_878 : i32 to index
      %get3A_903 = arith.constant 32 : index
      %get3A_904 = tpu.vector_load %arg10[%get3A_902, %get3A_903] {strides = array<i32>} : memref<32x64xf32, #tpu.memory_space<vmem>>, vector<1x16xf32>,
      %get3A_905 = vector.shape_cast %get3A_904 : vector<1x16xf32> to vector<16xf32>
      %mul3A_906 = arith.mulf %get3A_901, %get3A_905 : vector<16xf32>
      %add3A_907 = arith.addf %add3A_897, %mul3A_906 : vector<16xf32>
      %get3A_908 = arith.index_cast %add3A_878 : i32 to index
      %get3A_909 = arith.constant 48 : index
      %get3A_910 = tpu.vector_load %arg9[%get3A_908, %get3A_909] {strides = array<i32>} : memref<32x64xf32, #tpu.memory_space<vmem>>, vector<1x16xf32>,
      %get3A_911 = vector.shape_cast %get3A_910 : vector<1x16xf32> to vector<16xf32>
      %get3A_912 = arith.index_cast %add3A_878 : i32 to index
      %get3A_913 = arith.constant 48 : index
      %get3A_914 = tpu.vector_load %arg10[%get3A_912, %get3A_913] {strides = array<i32>} : memref<32x64xf32, #tpu.memory_space<vmem>>, vector<1x16xf32>,
      %get3A_915 = vector.shape_cast %get3A_914 : vector<1x16xf32> to vector<16xf32>
      %mul3A_916 = arith.mulf %get3A_911, %get3A_915 : vector<16xf32>
      %add3A_917 = arith.addf %add3A_907, %mul3A_916 : vector<16xf32>
      %add3A_918 = arith.constant 8 : i32
      %add3A_919 = vector.broadcast %add3A_918 : i32 to vector<16xi32>
      %add3A_920 = arith.addi %iota3A, %add3A_919 : vector<16xi32>
      %and3A_921 = arith.constant 15 : i32
      %and3A_922 = vector.broadcast %and3A_921 : i32 to vector<16xi32>
      %and3A_923 = arith.andi %add3A_920, %and3A_922 : vector<16xi32>
      %broadcast_in_dim3A_924 = vector.shape_cast %and3A_923 : vector<16xi32> to vector<16x1xi32>
      %gather3A_925 = vector.shape_cast %broadcast_in_dim3A_924 : vector<16x1xi32> to vector<16xi32>
      %gather3A_926 = tpu.dynamic_gather %add3A_917[%gather3A_925] in [0] : vector<16xf32>, vector<16xi32> -> vector<16xf32>
      %add3A_927 = arith.addf %add3A_917, %gather3A_926 : vector<16xf32>
      %add3A_928 = arith.constant 4 : i32
      %add3A_929 = vector.broadcast %add3A_928 : i32 to vector<16xi32>
      %add3A_930 = arith.addi %iota3A, %add3A_929 : vector<16xi32>
      %and3A_931 = arith.constant 15 : i32
      %and3A_932 = vector.broadcast %and3A_931 : i32 to vector<16xi32>
      %and3A_933 = arith.andi %add3A_930, %and3A_932 : vector<16xi32>
      %broadcast_in_dim3A_934 = vector.shape_cast %and3A_933 : vector<16xi32> to vector<16x1xi32>
      %gather3A_935 = vector.shape_cast %broadcast_in_dim3A_934 : vector<16x1xi32> to vector<16xi32>
      %gather3A_936 = tpu.dynamic_gather %add3A_927[%gather3A_935] in [0] : vector<16xf32>, vector<16xi32> -> vector<16xf32>
      %add3A_937 = arith.addf %add3A_927, %gather3A_936 : vector<16xf32>
      %add3A_938 = arith.constant 2 : i32
      %add3A_939 = vector.broadcast %add3A_938 : i32 to vector<16xi32>
      %add3A_940 = arith.addi %iota3A, %add3A_939 : vector<16xi32>
      %and3A_941 = arith.constant 15 : i32
      %and3A_942 = vector.broadcast %and3A_941 : i32 to vector<16xi32>
      %and3A_943 = arith.andi %add3A_940, %and3A_942 : vector<16xi32>
      %broadcast_in_dim3A_944 = vector.shape_cast %and3A_943 : vector<16xi32> to vector<16x1xi32>
      %gather3A_945 = vector.shape_cast %broadcast_in_dim3A_944 : vector<16x1xi32> to vector<16xi32>
      %gather3A_946 = tpu.dynamic_gather %add3A_937[%gather3A_945] in [0] : vector<16xf32>, vector<16xi32> -> vector<16xf32>
      %add3A_947 = arith.addf %add3A_937, %gather3A_946 : vector<16xf32>
      %add3A_948 = arith.constant 1 : i32
      %add3A_949 = vector.broadcast %add3A_948 : i32 to vector<16xi32>
      %add3A_950 = arith.addi %iota3A, %add3A_949 : vector<16xi32>
      %and3A_951 = arith.constant 15 : i32
      %and3A_952 = vector.broadcast %and3A_951 : i32 to vector<16xi32>
      %and3A_953 = arith.andi %add3A_950, %and3A_952 : vector<16xi32>
      %broadcast_in_dim3A_954 = vector.shape_cast %and3A_953 : vector<16xi32> to vector<16x1xi32>
      %gather3A_955 = vector.shape_cast %broadcast_in_dim3A_954 : vector<16x1xi32> to vector<16xi32>
      %gather3A_956 = tpu.dynamic_gather %add3A_947[%gather3A_955] in [0] : vector<16xf32>, vector<16xi32> -> vector<16xf32>
      %add3A_957 = arith.addf %add3A_947, %gather3A_956 : vector<16xf32>
      %eq3A_958 = arith.constant 5 : i32
      %eq3A_959 = vector.broadcast %eq3A_958 : i32 to vector<16xi32>
      %eq3A_960 = arith.cmpi eq, %iota3A, %eq3A_959 : vector<16xi32>
      %select_n3A_961 = arith.select %eq3A_960, %add3A_957, %select_n3A_876 : vector<16xi1>, vector<16xf32>
      %add3A_962 = arith.constant 6 : i32
      %add3A_963 = arith.addi %mul3A_407, %add3A_962 : i32
      %get3A_964 = arith.index_cast %add3A_963 : i32 to index
      %get3A_965 = arith.constant 0 : index
      %get3A_966 = tpu.vector_load %arg9[%get3A_964, %get3A_965] {strides = array<i32>} : memref<32x64xf32, #tpu.memory_space<vmem>>, vector<1x16xf32>,
      %get3A_967 = vector.shape_cast %get3A_966 : vector<1x16xf32> to vector<16xf32>
      %get3A_968 = arith.index_cast %add3A_963 : i32 to index
      %get3A_969 = arith.constant 0 : index
      %get3A_970 = tpu.vector_load %arg10[%get3A_968, %get3A_969] {strides = array<i32>} : memref<32x64xf32, #tpu.memory_space<vmem>>, vector<1x16xf32>,
      %get3A_971 = vector.shape_cast %get3A_970 : vector<1x16xf32> to vector<16xf32>
      %mul3A_972 = arith.mulf %get3A_967, %get3A_971 : vector<16xf32>
      %get3A_973 = arith.index_cast %add3A_963 : i32 to index
      %get3A_974 = arith.constant 16 : index
      %get3A_975 = tpu.vector_load %arg9[%get3A_973, %get3A_974] {strides = array<i32>} : memref<32x64xf32, #tpu.memory_space<vmem>>, vector<1x16xf32>,
      %get3A_976 = vector.shape_cast %get3A_975 : vector<1x16xf32> to vector<16xf32>
      %get3A_977 = arith.index_cast %add3A_963 : i32 to index
      %get3A_978 = arith.constant 16 : index
      %get3A_979 = tpu.vector_load %arg10[%get3A_977, %get3A_978] {strides = array<i32>} : memref<32x64xf32, #tpu.memory_space<vmem>>, vector<1x16xf32>,
      %get3A_980 = vector.shape_cast %get3A_979 : vector<1x16xf32> to vector<16xf32>
      %mul3A_981 = arith.mulf %get3A_976, %get3A_980 : vector<16xf32>
      %add3A_982 = arith.addf %mul3A_972, %mul3A_981 : vector<16xf32>
      %get3A_983 = arith.index_cast %add3A_963 : i32 to index
      %get3A_984 = arith.constant 32 : index
      %get3A_985 = tpu.vector_load %arg9[%get3A_983, %get3A_984] {strides = array<i32>} : memref<32x64xf32, #tpu.memory_space<vmem>>, vector<1x16xf32>,
      %get3A_986 = vector.shape_cast %get3A_985 : vector<1x16xf32> to vector<16xf32>
      %get3A_987 = arith.index_cast %add3A_963 : i32 to index
      %get3A_988 = arith.constant 32 : index
      %get3A_989 = tpu.vector_load %arg10[%get3A_987, %get3A_988] {strides = array<i32>} : memref<32x64xf32, #tpu.memory_space<vmem>>, vector<1x16xf32>,
      %get3A_990 = vector.shape_cast %get3A_989 : vector<1x16xf32> to vector<16xf32>
      %mul3A_991 = arith.mulf %get3A_986, %get3A_990 : vector<16xf32>
      %add3A_992 = arith.addf %add3A_982, %mul3A_991 : vector<16xf32>
      %get3A_993 = arith.index_cast %add3A_963 : i32 to index
      %get3A_994 = arith.constant 48 : index
      %get3A_995 = tpu.vector_load %arg9[%get3A_993, %get3A_994] {strides = array<i32>} : memref<32x64xf32, #tpu.memory_space<vmem>>, vector<1x16xf32>,
      %get3A_996 = vector.shape_cast %get3A_995 : vector<1x16xf32> to vector<16xf32>
      %get3A_997 = arith.index_cast %add3A_963 : i32 to index
      %get3A_998 = arith.constant 48 : index
      %get3A_999 = tpu.vector_load %arg10[%get3A_997, %get3A_998] {strides = array<i32>} : memref<32x64xf32, #tpu.memory_space<vmem>>, vector<1x16xf32>,
      %get3A_1000 = vector.shape_cast %get3A_999 : vector<1x16xf32> to vector<16xf32>
      %mul3A_1001 = arith.mulf %get3A_996, %get3A_1000 : vector<16xf32>
      %add3A_1002 = arith.addf %add3A_992, %mul3A_1001 : vector<16xf32>
      %add3A_1003 = arith.constant 8 : i32
      %add3A_1004 = vector.broadcast %add3A_1003 : i32 to vector<16xi32>
      %add3A_1005 = arith.addi %iota3A, %add3A_1004 : vector<16xi32>
      %and3A_1006 = arith.constant 15 : i32
      %and3A_1007 = vector.broadcast %and3A_1006 : i32 to vector<16xi32>
      %and3A_1008 = arith.andi %add3A_1005, %and3A_1007 : vector<16xi32>
      %broadcast_in_dim3A_1009 = vector.shape_cast %and3A_1008 : vector<16xi32> to vector<16x1xi32>
      %gather3A_1010 = vector.shape_cast %broadcast_in_dim3A_1009 : vector<16x1xi32> to vector<16xi32>
      %gather3A_1011 = tpu.dynamic_gather %add3A_1002[%gather3A_1010] in [0] : vector<16xf32>, vector<16xi32> -> vector<16xf32>
      %add3A_1012 = arith.addf %add3A_1002, %gather3A_1011 : vector<16xf32>
      %add3A_1013 = arith.constant 4 : i32
      %add3A_1014 = vector.broadcast %add3A_1013 : i32 to vector<16xi32>
      %add3A_1015 = arith.addi %iota3A, %add3A_1014 : vector<16xi32>
      %and3A_1016 = arith.constant 15 : i32
      %and3A_1017 = vector.broadcast %and3A_1016 : i32 to vector<16xi32>
      %and3A_1018 = arith.andi %add3A_1015, %and3A_1017 : vector<16xi32>
      %broadcast_in_dim3A_1019 = vector.shape_cast %and3A_1018 : vector<16xi32> to vector<16x1xi32>
      %gather3A_1020 = vector.shape_cast %broadcast_in_dim3A_1019 : vector<16x1xi32> to vector<16xi32>
      %gather3A_1021 = tpu.dynamic_gather %add3A_1012[%gather3A_1020] in [0] : vector<16xf32>, vector<16xi32> -> vector<16xf32>
      %add3A_1022 = arith.addf %add3A_1012, %gather3A_1021 : vector<16xf32>
      %add3A_1023 = arith.constant 2 : i32
      %add3A_1024 = vector.broadcast %add3A_1023 : i32 to vector<16xi32>
      %add3A_1025 = arith.addi %iota3A, %add3A_1024 : vector<16xi32>
      %and3A_1026 = arith.constant 15 : i32
      %and3A_1027 = vector.broadcast %and3A_1026 : i32 to vector<16xi32>
      %and3A_1028 = arith.andi %add3A_1025, %and3A_1027 : vector<16xi32>
      %broadcast_in_dim3A_1029 = vector.shape_cast %and3A_1028 : vector<16xi32> to vector<16x1xi32>
      %gather3A_1030 = vector.shape_cast %broadcast_in_dim3A_1029 : vector<16x1xi32> to vector<16xi32>
      %gather3A_1031 = tpu.dynamic_gather %add3A_1022[%gather3A_1030] in [0] : vector<16xf32>, vector<16xi32> -> vector<16xf32>
      %add3A_1032 = arith.addf %add3A_1022, %gather3A_1031 : vector<16xf32>
      %add3A_1033 = arith.constant 1 : i32
      %add3A_1034 = vector.broadcast %add3A_1033 : i32 to vector<16xi32>
      %add3A_1035 = arith.addi %iota3A, %add3A_1034 : vector<16xi32>
      %and3A_1036 = arith.constant 15 : i32
      %and3A_1037 = vector.broadcast %and3A_1036 : i32 to vector<16xi32>
      %and3A_1038 = arith.andi %add3A_1035, %and3A_1037 : vector<16xi32>
      %broadcast_in_dim3A_1039 = vector.shape_cast %and3A_1038 : vector<16xi32> to vector<16x1xi32>
      %gather3A_1040 = vector.shape_cast %broadcast_in_dim3A_1039 : vector<16x1xi32> to vector<16xi32>
      %gather3A_1041 = tpu.dynamic_gather %add3A_1032[%gather3A_1040] in [0] : vector<16xf32>, vector<16xi32> -> vector<16xf32>
      %add3A_1042 = arith.addf %add3A_1032, %gather3A_1041 : vector<16xf32>
      %eq3A_1043 = arith.constant 6 : i32
      %eq3A_1044 = vector.broadcast %eq3A_1043 : i32 to vector<16xi32>
      %eq3A_1045 = arith.cmpi eq, %iota3A, %eq3A_1044 : vector<16xi32>
      %select_n3A_1046 = arith.select %eq3A_1045, %add3A_1042, %select_n3A_961 : vector<16xi1>, vector<16xf32>
      %add3A_1047 = arith.constant 7 : i32
      %add3A_1048 = arith.addi %mul3A_407, %add3A_1047 : i32
      %get3A_1049 = arith.index_cast %add3A_1048 : i32 to index
      %get3A_1050 = arith.constant 0 : index
      %get3A_1051 = tpu.vector_load %arg9[%get3A_1049, %get3A_1050] {strides = array<i32>} : memref<32x64xf32, #tpu.memory_space<vmem>>, vector<1x16xf32>,
      %get3A_1052 = vector.shape_cast %get3A_1051 : vector<1x16xf32> to vector<16xf32>
      %get3A_1053 = arith.index_cast %add3A_1048 : i32 to index
      %get3A_1054 = arith.constant 0 : index
      %get3A_1055 = tpu.vector_load %arg10[%get3A_1053, %get3A_1054] {strides = array<i32>} : memref<32x64xf32, #tpu.memory_space<vmem>>, vector<1x16xf32>,
      %get3A_1056 = vector.shape_cast %get3A_1055 : vector<1x16xf32> to vector<16xf32>
      %mul3A_1057 = arith.mulf %get3A_1052, %get3A_1056 : vector<16xf32>
      %get3A_1058 = arith.index_cast %add3A_1048 : i32 to index
      %get3A_1059 = arith.constant 16 : index
      %get3A_1060 = tpu.vector_load %arg9[%get3A_1058, %get3A_1059] {strides = array<i32>} : memref<32x64xf32, #tpu.memory_space<vmem>>, vector<1x16xf32>,
      %get3A_1061 = vector.shape_cast %get3A_1060 : vector<1x16xf32> to vector<16xf32>
      %get3A_1062 = arith.index_cast %add3A_1048 : i32 to index
      %get3A_1063 = arith.constant 16 : index
      %get3A_1064 = tpu.vector_load %arg10[%get3A_1062, %get3A_1063] {strides = array<i32>} : memref<32x64xf32, #tpu.memory_space<vmem>>, vector<1x16xf32>,
      %get3A_1065 = vector.shape_cast %get3A_1064 : vector<1x16xf32> to vector<16xf32>
      %mul3A_1066 = arith.mulf %get3A_1061, %get3A_1065 : vector<16xf32>
      %add3A_1067 = arith.addf %mul3A_1057, %mul3A_1066 : vector<16xf32>
      %get3A_1068 = arith.index_cast %add3A_1048 : i32 to index
      %get3A_1069 = arith.constant 32 : index
      %get3A_1070 = tpu.vector_load %arg9[%get3A_1068, %get3A_1069] {strides = array<i32>} : memref<32x64xf32, #tpu.memory_space<vmem>>, vector<1x16xf32>,
      %get3A_1071 = vector.shape_cast %get3A_1070 : vector<1x16xf32> to vector<16xf32>
      %get3A_1072 = arith.index_cast %add3A_1048 : i32 to index
      %get3A_1073 = arith.constant 32 : index
      %get3A_1074 = tpu.vector_load %arg10[%get3A_1072, %get3A_1073] {strides = array<i32>} : memref<32x64xf32, #tpu.memory_space<vmem>>, vector<1x16xf32>,
      %get3A_1075 = vector.shape_cast %get3A_1074 : vector<1x16xf32> to vector<16xf32>
      %mul3A_1076 = arith.mulf %get3A_1071, %get3A_1075 : vector<16xf32>
      %add3A_1077 = arith.addf %add3A_1067, %mul3A_1076 : vector<16xf32>
      %get3A_1078 = arith.index_cast %add3A_1048 : i32 to index
      %get3A_1079 = arith.constant 48 : index
      %get3A_1080 = tpu.vector_load %arg9[%get3A_1078, %get3A_1079] {strides = array<i32>} : memref<32x64xf32, #tpu.memory_space<vmem>>, vector<1x16xf32>,
      %get3A_1081 = vector.shape_cast %get3A_1080 : vector<1x16xf32> to vector<16xf32>
      %get3A_1082 = arith.index_cast %add3A_1048 : i32 to index
      %get3A_1083 = arith.constant 48 : index
      %get3A_1084 = tpu.vector_load %arg10[%get3A_1082, %get3A_1083] {strides = array<i32>} : memref<32x64xf32, #tpu.memory_space<vmem>>, vector<1x16xf32>,
      %get3A_1085 = vector.shape_cast %get3A_1084 : vector<1x16xf32> to vector<16xf32>
      %mul3A_1086 = arith.mulf %get3A_1081, %get3A_1085 : vector<16xf32>
      %add3A_1087 = arith.addf %add3A_1077, %mul3A_1086 : vector<16xf32>
      %add3A_1088 = arith.constant 8 : i32
      %add3A_1089 = vector.broadcast %add3A_1088 : i32 to vector<16xi32>
      %add3A_1090 = arith.addi %iota3A, %add3A_1089 : vector<16xi32>
      %and3A_1091 = arith.constant 15 : i32
      %and3A_1092 = vector.broadcast %and3A_1091 : i32 to vector<16xi32>
      %and3A_1093 = arith.andi %add3A_1090, %and3A_1092 : vector<16xi32>
      %broadcast_in_dim3A_1094 = vector.shape_cast %and3A_1093 : vector<16xi32> to vector<16x1xi32>
      %gather3A_1095 = vector.shape_cast %broadcast_in_dim3A_1094 : vector<16x1xi32> to vector<16xi32>
      %gather3A_1096 = tpu.dynamic_gather %add3A_1087[%gather3A_1095] in [0] : vector<16xf32>, vector<16xi32> -> vector<16xf32>
      %add3A_1097 = arith.addf %add3A_1087, %gather3A_1096 : vector<16xf32>
      %add3A_1098 = arith.constant 4 : i32
      %add3A_1099 = vector.broadcast %add3A_1098 : i32 to vector<16xi32>
      %add3A_1100 = arith.addi %iota3A, %add3A_1099 : vector<16xi32>
      %and3A_1101 = arith.constant 15 : i32
      %and3A_1102 = vector.broadcast %and3A_1101 : i32 to vector<16xi32>
      %and3A_1103 = arith.andi %add3A_1100, %and3A_1102 : vector<16xi32>
      %broadcast_in_dim3A_1104 = vector.shape_cast %and3A_1103 : vector<16xi32> to vector<16x1xi32>
      %gather3A_1105 = vector.shape_cast %broadcast_in_dim3A_1104 : vector<16x1xi32> to vector<16xi32>
      %gather3A_1106 = tpu.dynamic_gather %add3A_1097[%gather3A_1105] in [0] : vector<16xf32>, vector<16xi32> -> vector<16xf32>
      %add3A_1107 = arith.addf %add3A_1097, %gather3A_1106 : vector<16xf32>
      %add3A_1108 = arith.constant 2 : i32
      %add3A_1109 = vector.broadcast %add3A_1108 : i32 to vector<16xi32>
      %add3A_1110 = arith.addi %iota3A, %add3A_1109 : vector<16xi32>
      %and3A_1111 = arith.constant 15 : i32
      %and3A_1112 = vector.broadcast %and3A_1111 : i32 to vector<16xi32>
      %and3A_1113 = arith.andi %add3A_1110, %and3A_1112 : vector<16xi32>
      %broadcast_in_dim3A_1114 = vector.shape_cast %and3A_1113 : vector<16xi32> to vector<16x1xi32>
      %gather3A_1115 = vector.shape_cast %broadcast_in_dim3A_1114 : vector<16x1xi32> to vector<16xi32>
      %gather3A_1116 = tpu.dynamic_gather %add3A_1107[%gather3A_1115] in [0] : vector<16xf32>, vector<16xi32> -> vector<16xf32>
      %add3A_1117 = arith.addf %add3A_1107, %gather3A_1116 : vector<16xf32>
      %add3A_1118 = arith.constant 1 : i32
      %add3A_1119 = vector.broadcast %add3A_1118 : i32 to vector<16xi32>
      %add3A_1120 = arith.addi %iota3A, %add3A_1119 : vector<16xi32>
      %and3A_1121 = arith.constant 15 : i32
      %and3A_1122 = vector.broadcast %and3A_1121 : i32 to vector<16xi32>
      %and3A_1123 = arith.andi %add3A_1120, %and3A_1122 : vector<16xi32>
      %broadcast_in_dim3A_1124 = vector.shape_cast %and3A_1123 : vector<16xi32> to vector<16x1xi32>
      %gather3A_1125 = vector.shape_cast %broadcast_in_dim3A_1124 : vector<16x1xi32> to vector<16xi32>
      %gather3A_1126 = tpu.dynamic_gather %add3A_1117[%gather3A_1125] in [0] : vector<16xf32>, vector<16xi32> -> vector<16xf32>
      %add3A_1127 = arith.addf %add3A_1117, %gather3A_1126 : vector<16xf32>
      %eq3A_1128 = arith.constant 7 : i32
      %eq3A_1129 = vector.broadcast %eq3A_1128 : i32 to vector<16xi32>
      %eq3A_1130 = arith.cmpi eq, %iota3A, %eq3A_1129 : vector<16xi32>
      %select_n3A_1131 = arith.select %eq3A_1130, %add3A_1127, %select_n3A_1046 : vector<16xi1>, vector<16xf32>
      %add3A_1132 = arith.constant 8 : i32
      %add3A_1133 = arith.addi %mul3A_407, %add3A_1132 : i32
      %get3A_1134 = arith.index_cast %add3A_1133 : i32 to index
      %get3A_1135 = arith.constant 0 : index
      %get3A_1136 = tpu.vector_load %arg9[%get3A_1134, %get3A_1135] {strides = array<i32>} : memref<32x64xf32, #tpu.memory_space<vmem>>, vector<1x16xf32>,
      %get3A_1137 = vector.shape_cast %get3A_1136 : vector<1x16xf32> to vector<16xf32>
      %get3A_1138 = arith.index_cast %add3A_1133 : i32 to index
      %get3A_1139 = arith.constant 0 : index
      %get3A_1140 = tpu.vector_load %arg10[%get3A_1138, %get3A_1139] {strides = array<i32>} : memref<32x64xf32, #tpu.memory_space<vmem>>, vector<1x16xf32>,
      %get3A_1141 = vector.shape_cast %get3A_1140 : vector<1x16xf32> to vector<16xf32>
      %mul3A_1142 = arith.mulf %get3A_1137, %get3A_1141 : vector<16xf32>
      %get3A_1143 = arith.index_cast %add3A_1133 : i32 to index
      %get3A_1144 = arith.constant 16 : index
      %get3A_1145 = tpu.vector_load %arg9[%get3A_1143, %get3A_1144] {strides = array<i32>} : memref<32x64xf32, #tpu.memory_space<vmem>>, vector<1x16xf32>,
      %get3A_1146 = vector.shape_cast %get3A_1145 : vector<1x16xf32> to vector<16xf32>
      %get3A_1147 = arith.index_cast %add3A_1133 : i32 to index
      %get3A_1148 = arith.constant 16 : index
      %get3A_1149 = tpu.vector_load %arg10[%get3A_1147, %get3A_1148] {strides = array<i32>} : memref<32x64xf32, #tpu.memory_space<vmem>>, vector<1x16xf32>,
      %get3A_1150 = vector.shape_cast %get3A_1149 : vector<1x16xf32> to vector<16xf32>
      %mul3A_1151 = arith.mulf %get3A_1146, %get3A_1150 : vector<16xf32>
      %add3A_1152 = arith.addf %mul3A_1142, %mul3A_1151 : vector<16xf32>
      %get3A_1153 = arith.index_cast %add3A_1133 : i32 to index
      %get3A_1154 = arith.constant 32 : index
      %get3A_1155 = tpu.vector_load %arg9[%get3A_1153, %get3A_1154] {strides = array<i32>} : memref<32x64xf32, #tpu.memory_space<vmem>>, vector<1x16xf32>,
      %get3A_1156 = vector.shape_cast %get3A_1155 : vector<1x16xf32> to vector<16xf32>
      %get3A_1157 = arith.index_cast %add3A_1133 : i32 to index
      %get3A_1158 = arith.constant 32 : index
      %get3A_1159 = tpu.vector_load %arg10[%get3A_1157, %get3A_1158] {strides = array<i32>} : memref<32x64xf32, #tpu.memory_space<vmem>>, vector<1x16xf32>,
      %get3A_1160 = vector.shape_cast %get3A_1159 : vector<1x16xf32> to vector<16xf32>
      %mul3A_1161 = arith.mulf %get3A_1156, %get3A_1160 : vector<16xf32>
      %add3A_1162 = arith.addf %add3A_1152, %mul3A_1161 : vector<16xf32>
      %get3A_1163 = arith.index_cast %add3A_1133 : i32 to index
      %get3A_1164 = arith.constant 48 : index
      %get3A_1165 = tpu.vector_load %arg9[%get3A_1163, %get3A_1164] {strides = array<i32>} : memref<32x64xf32, #tpu.memory_space<vmem>>, vector<1x16xf32>,
      %get3A_1166 = vector.shape_cast %get3A_1165 : vector<1x16xf32> to vector<16xf32>
      %get3A_1167 = arith.index_cast %add3A_1133 : i32 to index
      %get3A_1168 = arith.constant 48 : index
      %get3A_1169 = tpu.vector_load %arg10[%get3A_1167, %get3A_1168] {strides = array<i32>} : memref<32x64xf32, #tpu.memory_space<vmem>>, vector<1x16xf32>,
      %get3A_1170 = vector.shape_cast %get3A_1169 : vector<1x16xf32> to vector<16xf32>
      %mul3A_1171 = arith.mulf %get3A_1166, %get3A_1170 : vector<16xf32>
      %add3A_1172 = arith.addf %add3A_1162, %mul3A_1171 : vector<16xf32>
      %add3A_1173 = arith.constant 8 : i32
      %add3A_1174 = vector.broadcast %add3A_1173 : i32 to vector<16xi32>
      %add3A_1175 = arith.addi %iota3A, %add3A_1174 : vector<16xi32>
      %and3A_1176 = arith.constant 15 : i32
      %and3A_1177 = vector.broadcast %and3A_1176 : i32 to vector<16xi32>
      %and3A_1178 = arith.andi %add3A_1175, %and3A_1177 : vector<16xi32>
      %broadcast_in_dim3A_1179 = vector.shape_cast %and3A_1178 : vector<16xi32> to vector<16x1xi32>
      %gather3A_1180 = vector.shape_cast %broadcast_in_dim3A_1179 : vector<16x1xi32> to vector<16xi32>
      %gather3A_1181 = tpu.dynamic_gather %add3A_1172[%gather3A_1180] in [0] : vector<16xf32>, vector<16xi32> -> vector<16xf32>
      %add3A_1182 = arith.addf %add3A_1172, %gather3A_1181 : vector<16xf32>
      %add3A_1183 = arith.constant 4 : i32
      %add3A_1184 = vector.broadcast %add3A_1183 : i32 to vector<16xi32>
      %add3A_1185 = arith.addi %iota3A, %add3A_1184 : vector<16xi32>
      %and3A_1186 = arith.constant 15 : i32
      %and3A_1187 = vector.broadcast %and3A_1186 : i32 to vector<16xi32>
      %and3A_1188 = arith.andi %add3A_1185, %and3A_1187 : vector<16xi32>
      %broadcast_in_dim3A_1189 = vector.shape_cast %and3A_1188 : vector<16xi32> to vector<16x1xi32>
      %gather3A_1190 = vector.shape_cast %broadcast_in_dim3A_1189 : vector<16x1xi32> to vector<16xi32>
      %gather3A_1191 = tpu.dynamic_gather %add3A_1182[%gather3A_1190] in [0] : vector<16xf32>, vector<16xi32> -> vector<16xf32>
      %add3A_1192 = arith.addf %add3A_1182, %gather3A_1191 : vector<16xf32>
      %add3A_1193 = arith.constant 2 : i32
      %add3A_1194 = vector.broadcast %add3A_1193 : i32 to vector<16xi32>
      %add3A_1195 = arith.addi %iota3A, %add3A_1194 : vector<16xi32>
      %and3A_1196 = arith.constant 15 : i32
      %and3A_1197 = vector.broadcast %and3A_1196 : i32 to vector<16xi32>
      %and3A_1198 = arith.andi %add3A_1195, %and3A_1197 : vector<16xi32>
      %broadcast_in_dim3A_1199 = vector.shape_cast %and3A_1198 : vector<16xi32> to vector<16x1xi32>
      %gather3A_1200 = vector.shape_cast %broadcast_in_dim3A_1199 : vector<16x1xi32> to vector<16xi32>
      %gather3A_1201 = tpu.dynamic_gather %add3A_1192[%gather3A_1200] in [0] : vector<16xf32>, vector<16xi32> -> vector<16xf32>
      %add3A_1202 = arith.addf %add3A_1192, %gather3A_1201 : vector<16xf32>
      %add3A_1203 = arith.constant 1 : i32
      %add3A_1204 = vector.broadcast %add3A_1203 : i32 to vector<16xi32>
      %add3A_1205 = arith.addi %iota3A, %add3A_1204 : vector<16xi32>
      %and3A_1206 = arith.constant 15 : i32
      %and3A_1207 = vector.broadcast %and3A_1206 : i32 to vector<16xi32>
      %and3A_1208 = arith.andi %add3A_1205, %and3A_1207 : vector<16xi32>
      %broadcast_in_dim3A_1209 = vector.shape_cast %and3A_1208 : vector<16xi32> to vector<16x1xi32>
      %gather3A_1210 = vector.shape_cast %broadcast_in_dim3A_1209 : vector<16x1xi32> to vector<16xi32>
      %gather3A_1211 = tpu.dynamic_gather %add3A_1202[%gather3A_1210] in [0] : vector<16xf32>, vector<16xi32> -> vector<16xf32>
      %add3A_1212 = arith.addf %add3A_1202, %gather3A_1211 : vector<16xf32>
      %eq3A_1213 = arith.constant 8 : i32
      %eq3A_1214 = vector.broadcast %eq3A_1213 : i32 to vector<16xi32>
      %eq3A_1215 = arith.cmpi eq, %iota3A, %eq3A_1214 : vector<16xi32>
      %select_n3A_1216 = arith.select %eq3A_1215, %add3A_1212, %select_n3A_1131 : vector<16xi1>, vector<16xf32>
      %add3A_1217 = arith.constant 9 : i32
      %add3A_1218 = arith.addi %mul3A_407, %add3A_1217 : i32
      %get3A_1219 = arith.index_cast %add3A_1218 : i32 to index
      %get3A_1220 = arith.constant 0 : index
      %get3A_1221 = tpu.vector_load %arg9[%get3A_1219, %get3A_1220] {strides = array<i32>} : memref<32x64xf32, #tpu.memory_space<vmem>>, vector<1x16xf32>,
      %get3A_1222 = vector.shape_cast %get3A_1221 : vector<1x16xf32> to vector<16xf32>
      %get3A_1223 = arith.index_cast %add3A_1218 : i32 to index
      %get3A_1224 = arith.constant 0 : index
      %get3A_1225 = tpu.vector_load %arg10[%get3A_1223, %get3A_1224] {strides = array<i32>} : memref<32x64xf32, #tpu.memory_space<vmem>>, vector<1x16xf32>,
      %get3A_1226 = vector.shape_cast %get3A_1225 : vector<1x16xf32> to vector<16xf32>
      %mul3A_1227 = arith.mulf %get3A_1222, %get3A_1226 : vector<16xf32>
      %get3A_1228 = arith.index_cast %add3A_1218 : i32 to index
      %get3A_1229 = arith.constant 16 : index
      %get3A_1230 = tpu.vector_load %arg9[%get3A_1228, %get3A_1229] {strides = array<i32>} : memref<32x64xf32, #tpu.memory_space<vmem>>, vector<1x16xf32>,
      %get3A_1231 = vector.shape_cast %get3A_1230 : vector<1x16xf32> to vector<16xf32>
      %get3A_1232 = arith.index_cast %add3A_1218 : i32 to index
      %get3A_1233 = arith.constant 16 : index
      %get3A_1234 = tpu.vector_load %arg10[%get3A_1232, %get3A_1233] {strides = array<i32>} : memref<32x64xf32, #tpu.memory_space<vmem>>, vector<1x16xf32>,
      %get3A_1235 = vector.shape_cast %get3A_1234 : vector<1x16xf32> to vector<16xf32>
      %mul3A_1236 = arith.mulf %get3A_1231, %get3A_1235 : vector<16xf32>
      %add3A_1237 = arith.addf %mul3A_1227, %mul3A_1236 : vector<16xf32>
      %get3A_1238 = arith.index_cast %add3A_1218 : i32 to index
      %get3A_1239 = arith.constant 32 : index
      %get3A_1240 = tpu.vector_load %arg9[%get3A_1238, %get3A_1239] {strides = array<i32>} : memref<32x64xf32, #tpu.memory_space<vmem>>, vector<1x16xf32>,
      %get3A_1241 = vector.shape_cast %get3A_1240 : vector<1x16xf32> to vector<16xf32>
      %get3A_1242 = arith.index_cast %add3A_1218 : i32 to index
      %get3A_1243 = arith.constant 32 : index
      %get3A_1244 = tpu.vector_load %arg10[%get3A_1242, %get3A_1243] {strides = array<i32>} : memref<32x64xf32, #tpu.memory_space<vmem>>, vector<1x16xf32>,
      %get3A_1245 = vector.shape_cast %get3A_1244 : vector<1x16xf32> to vector<16xf32>
      %mul3A_1246 = arith.mulf %get3A_1241, %get3A_1245 : vector<16xf32>
      %add3A_1247 = arith.addf %add3A_1237, %mul3A_1246 : vector<16xf32>
      %get3A_1248 = arith.index_cast %add3A_1218 : i32 to index
      %get3A_1249 = arith.constant 48 : index
      %get3A_1250 = tpu.vector_load %arg9[%get3A_1248, %get3A_1249] {strides = array<i32>} : memref<32x64xf32, #tpu.memory_space<vmem>>, vector<1x16xf32>,
      %get3A_1251 = vector.shape_cast %get3A_1250 : vector<1x16xf32> to vector<16xf32>
      %get3A_1252 = arith.index_cast %add3A_1218 : i32 to index
      %get3A_1253 = arith.constant 48 : index
      %get3A_1254 = tpu.vector_load %arg10[%get3A_1252, %get3A_1253] {strides = array<i32>} : memref<32x64xf32, #tpu.memory_space<vmem>>, vector<1x16xf32>,
      %get3A_1255 = vector.shape_cast %get3A_1254 : vector<1x16xf32> to vector<16xf32>
      %mul3A_1256 = arith.mulf %get3A_1251, %get3A_1255 : vector<16xf32>
      %add3A_1257 = arith.addf %add3A_1247, %mul3A_1256 : vector<16xf32>
      %add3A_1258 = arith.constant 8 : i32
      %add3A_1259 = vector.broadcast %add3A_1258 : i32 to vector<16xi32>
      %add3A_1260 = arith.addi %iota3A, %add3A_1259 : vector<16xi32>
      %and3A_1261 = arith.constant 15 : i32
      %and3A_1262 = vector.broadcast %and3A_1261 : i32 to vector<16xi32>
      %and3A_1263 = arith.andi %add3A_1260, %and3A_1262 : vector<16xi32>
      %broadcast_in_dim3A_1264 = vector.shape_cast %and3A_1263 : vector<16xi32> to vector<16x1xi32>
      %gather3A_1265 = vector.shape_cast %broadcast_in_dim3A_1264 : vector<16x1xi32> to vector<16xi32>
      %gather3A_1266 = tpu.dynamic_gather %add3A_1257[%gather3A_1265] in [0] : vector<16xf32>, vector<16xi32> -> vector<16xf32>
      %add3A_1267 = arith.addf %add3A_1257, %gather3A_1266 : vector<16xf32>
      %add3A_1268 = arith.constant 4 : i32
      %add3A_1269 = vector.broadcast %add3A_1268 : i32 to vector<16xi32>
      %add3A_1270 = arith.addi %iota3A, %add3A_1269 : vector<16xi32>
      %and3A_1271 = arith.constant 15 : i32
      %and3A_1272 = vector.broadcast %and3A_1271 : i32 to vector<16xi32>
      %and3A_1273 = arith.andi %add3A_1270, %and3A_1272 : vector<16xi32>
      %broadcast_in_dim3A_1274 = vector.shape_cast %and3A_1273 : vector<16xi32> to vector<16x1xi32>
      %gather3A_1275 = vector.shape_cast %broadcast_in_dim3A_1274 : vector<16x1xi32> to vector<16xi32>
      %gather3A_1276 = tpu.dynamic_gather %add3A_1267[%gather3A_1275] in [0] : vector<16xf32>, vector<16xi32> -> vector<16xf32>
      %add3A_1277 = arith.addf %add3A_1267, %gather3A_1276 : vector<16xf32>
      %add3A_1278 = arith.constant 2 : i32
      %add3A_1279 = vector.broadcast %add3A_1278 : i32 to vector<16xi32>
      %add3A_1280 = arith.addi %iota3A, %add3A_1279 : vector<16xi32>
      %and3A_1281 = arith.constant 15 : i32
      %and3A_1282 = vector.broadcast %and3A_1281 : i32 to vector<16xi32>
      %and3A_1283 = arith.andi %add3A_1280, %and3A_1282 : vector<16xi32>
      %broadcast_in_dim3A_1284 = vector.shape_cast %and3A_1283 : vector<16xi32> to vector<16x1xi32>
      %gather3A_1285 = vector.shape_cast %broadcast_in_dim3A_1284 : vector<16x1xi32> to vector<16xi32>
      %gather3A_1286 = tpu.dynamic_gather %add3A_1277[%gather3A_1285] in [0] : vector<16xf32>, vector<16xi32> -> vector<16xf32>
      %add3A_1287 = arith.addf %add3A_1277, %gather3A_1286 : vector<16xf32>
      %add3A_1288 = arith.constant 1 : i32
      %add3A_1289 = vector.broadcast %add3A_1288 : i32 to vector<16xi32>
      %add3A_1290 = arith.addi %iota3A, %add3A_1289 : vector<16xi32>
      %and3A_1291 = arith.constant 15 : i32
      %and3A_1292 = vector.broadcast %and3A_1291 : i32 to vector<16xi32>
      %and3A_1293 = arith.andi %add3A_1290, %and3A_1292 : vector<16xi32>
      %broadcast_in_dim3A_1294 = vector.shape_cast %and3A_1293 : vector<16xi32> to vector<16x1xi32>
      %gather3A_1295 = vector.shape_cast %broadcast_in_dim3A_1294 : vector<16x1xi32> to vector<16xi32>
      %gather3A_1296 = tpu.dynamic_gather %add3A_1287[%gather3A_1295] in [0] : vector<16xf32>, vector<16xi32> -> vector<16xf32>
      %add3A_1297 = arith.addf %add3A_1287, %gather3A_1296 : vector<16xf32>
      %eq3A_1298 = arith.constant 9 : i32
      %eq3A_1299 = vector.broadcast %eq3A_1298 : i32 to vector<16xi32>
      %eq3A_1300 = arith.cmpi eq, %iota3A, %eq3A_1299 : vector<16xi32>
      %select_n3A_1301 = arith.select %eq3A_1300, %add3A_1297, %select_n3A_1216 : vector<16xi1>, vector<16xf32>
      %add3A_1302 = arith.constant 10 : i32
      %add3A_1303 = arith.addi %mul3A_407, %add3A_1302 : i32
      %get3A_1304 = arith.index_cast %add3A_1303 : i32 to index
      %get3A_1305 = arith.constant 0 : index
      %get3A_1306 = tpu.vector_load %arg9[%get3A_1304, %get3A_1305] {strides = array<i32>} : memref<32x64xf32, #tpu.memory_space<vmem>>, vector<1x16xf32>,
      %get3A_1307 = vector.shape_cast %get3A_1306 : vector<1x16xf32> to vector<16xf32>
      %get3A_1308 = arith.index_cast %add3A_1303 : i32 to index
      %get3A_1309 = arith.constant 0 : index
      %get3A_1310 = tpu.vector_load %arg10[%get3A_1308, %get3A_1309] {strides = array<i32>} : memref<32x64xf32, #tpu.memory_space<vmem>>, vector<1x16xf32>,
      %get3A_1311 = vector.shape_cast %get3A_1310 : vector<1x16xf32> to vector<16xf32>
      %mul3A_1312 = arith.mulf %get3A_1307, %get3A_1311 : vector<16xf32>
      %get3A_1313 = arith.index_cast %add3A_1303 : i32 to index
      %get3A_1314 = arith.constant 16 : index
      %get3A_1315 = tpu.vector_load %arg9[%get3A_1313, %get3A_1314] {strides = array<i32>} : memref<32x64xf32, #tpu.memory_space<vmem>>, vector<1x16xf32>,
      %get3A_1316 = vector.shape_cast %get3A_1315 : vector<1x16xf32> to vector<16xf32>
      %get3A_1317 = arith.index_cast %add3A_1303 : i32 to index
      %get3A_1318 = arith.constant 16 : index
      %get3A_1319 = tpu.vector_load %arg10[%get3A_1317, %get3A_1318] {strides = array<i32>} : memref<32x64xf32, #tpu.memory_space<vmem>>, vector<1x16xf32>,
      %get3A_1320 = vector.shape_cast %get3A_1319 : vector<1x16xf32> to vector<16xf32>
      %mul3A_1321 = arith.mulf %get3A_1316, %get3A_1320 : vector<16xf32>
      %add3A_1322 = arith.addf %mul3A_1312, %mul3A_1321 : vector<16xf32>
      %get3A_1323 = arith.index_cast %add3A_1303 : i32 to index
      %get3A_1324 = arith.constant 32 : index
      %get3A_1325 = tpu.vector_load %arg9[%get3A_1323, %get3A_1324] {strides = array<i32>} : memref<32x64xf32, #tpu.memory_space<vmem>>, vector<1x16xf32>,
      %get3A_1326 = vector.shape_cast %get3A_1325 : vector<1x16xf32> to vector<16xf32>
      %get3A_1327 = arith.index_cast %add3A_1303 : i32 to index
      %get3A_1328 = arith.constant 32 : index
      %get3A_1329 = tpu.vector_load %arg10[%get3A_1327, %get3A_1328] {strides = array<i32>} : memref<32x64xf32, #tpu.memory_space<vmem>>, vector<1x16xf32>,
      %get3A_1330 = vector.shape_cast %get3A_1329 : vector<1x16xf32> to vector<16xf32>
      %mul3A_1331 = arith.mulf %get3A_1326, %get3A_1330 : vector<16xf32>
      %add3A_1332 = arith.addf %add3A_1322, %mul3A_1331 : vector<16xf32>
      %get3A_1333 = arith.index_cast %add3A_1303 : i32 to index
      %get3A_1334 = arith.constant 48 : index
      %get3A_1335 = tpu.vector_load %arg9[%get3A_1333, %get3A_1334] {strides = array<i32>} : memref<32x64xf32, #tpu.memory_space<vmem>>, vector<1x16xf32>,
      %get3A_1336 = vector.shape_cast %get3A_1335 : vector<1x16xf32> to vector<16xf32>
      %get3A_1337 = arith.index_cast %add3A_1303 : i32 to index
      %get3A_1338 = arith.constant 48 : index
      %get3A_1339 = tpu.vector_load %arg10[%get3A_1337, %get3A_1338] {strides = array<i32>} : memref<32x64xf32, #tpu.memory_space<vmem>>, vector<1x16xf32>,
      %get3A_1340 = vector.shape_cast %get3A_1339 : vector<1x16xf32> to vector<16xf32>
      %mul3A_1341 = arith.mulf %get3A_1336, %get3A_1340 : vector<16xf32>
      %add3A_1342 = arith.addf %add3A_1332, %mul3A_1341 : vector<16xf32>
      %add3A_1343 = arith.constant 8 : i32
      %add3A_1344 = vector.broadcast %add3A_1343 : i32 to vector<16xi32>
      %add3A_1345 = arith.addi %iota3A, %add3A_1344 : vector<16xi32>
      %and3A_1346 = arith.constant 15 : i32
      %and3A_1347 = vector.broadcast %and3A_1346 : i32 to vector<16xi32>
      %and3A_1348 = arith.andi %add3A_1345, %and3A_1347 : vector<16xi32>
      %broadcast_in_dim3A_1349 = vector.shape_cast %and3A_1348 : vector<16xi32> to vector<16x1xi32>
      %gather3A_1350 = vector.shape_cast %broadcast_in_dim3A_1349 : vector<16x1xi32> to vector<16xi32>
      %gather3A_1351 = tpu.dynamic_gather %add3A_1342[%gather3A_1350] in [0] : vector<16xf32>, vector<16xi32> -> vector<16xf32>
      %add3A_1352 = arith.addf %add3A_1342, %gather3A_1351 : vector<16xf32>
      %add3A_1353 = arith.constant 4 : i32
      %add3A_1354 = vector.broadcast %add3A_1353 : i32 to vector<16xi32>
      %add3A_1355 = arith.addi %iota3A, %add3A_1354 : vector<16xi32>
      %and3A_1356 = arith.constant 15 : i32
      %and3A_1357 = vector.broadcast %and3A_1356 : i32 to vector<16xi32>
      %and3A_1358 = arith.andi %add3A_1355, %and3A_1357 : vector<16xi32>
      %broadcast_in_dim3A_1359 = vector.shape_cast %and3A_1358 : vector<16xi32> to vector<16x1xi32>
      %gather3A_1360 = vector.shape_cast %broadcast_in_dim3A_1359 : vector<16x1xi32> to vector<16xi32>
      %gather3A_1361 = tpu.dynamic_gather %add3A_1352[%gather3A_1360] in [0] : vector<16xf32>, vector<16xi32> -> vector<16xf32>
      %add3A_1362 = arith.addf %add3A_1352, %gather3A_1361 : vector<16xf32>
      %add3A_1363 = arith.constant 2 : i32
      %add3A_1364 = vector.broadcast %add3A_1363 : i32 to vector<16xi32>
      %add3A_1365 = arith.addi %iota3A, %add3A_1364 : vector<16xi32>
      %and3A_1366 = arith.constant 15 : i32
      %and3A_1367 = vector.broadcast %and3A_1366 : i32 to vector<16xi32>
      %and3A_1368 = arith.andi %add3A_1365, %and3A_1367 : vector<16xi32>
      %broadcast_in_dim3A_1369 = vector.shape_cast %and3A_1368 : vector<16xi32> to vector<16x1xi32>
      %gather3A_1370 = vector.shape_cast %broadcast_in_dim3A_1369 : vector<16x1xi32> to vector<16xi32>
      %gather3A_1371 = tpu.dynamic_gather %add3A_1362[%gather3A_1370] in [0] : vector<16xf32>, vector<16xi32> -> vector<16xf32>
      %add3A_1372 = arith.addf %add3A_1362, %gather3A_1371 : vector<16xf32>
      %add3A_1373 = arith.constant 1 : i32
      %add3A_1374 = vector.broadcast %add3A_1373 : i32 to vector<16xi32>
      %add3A_1375 = arith.addi %iota3A, %add3A_1374 : vector<16xi32>
      %and3A_1376 = arith.constant 15 : i32
      %and3A_1377 = vector.broadcast %and3A_1376 : i32 to vector<16xi32>
      %and3A_1378 = arith.andi %add3A_1375, %and3A_1377 : vector<16xi32>
      %broadcast_in_dim3A_1379 = vector.shape_cast %and3A_1378 : vector<16xi32> to vector<16x1xi32>
      %gather3A_1380 = vector.shape_cast %broadcast_in_dim3A_1379 : vector<16x1xi32> to vector<16xi32>
      %gather3A_1381 = tpu.dynamic_gather %add3A_1372[%gather3A_1380] in [0] : vector<16xf32>, vector<16xi32> -> vector<16xf32>
      %add3A_1382 = arith.addf %add3A_1372, %gather3A_1381 : vector<16xf32>
      %eq3A_1383 = arith.constant 10 : i32
      %eq3A_1384 = vector.broadcast %eq3A_1383 : i32 to vector<16xi32>
      %eq3A_1385 = arith.cmpi eq, %iota3A, %eq3A_1384 : vector<16xi32>
      %select_n3A_1386 = arith.select %eq3A_1385, %add3A_1382, %select_n3A_1301 : vector<16xi1>, vector<16xf32>
      %add3A_1387 = arith.constant 11 : i32
      %add3A_1388 = arith.addi %mul3A_407, %add3A_1387 : i32
      %get3A_1389 = arith.index_cast %add3A_1388 : i32 to index
      %get3A_1390 = arith.constant 0 : index
      %get3A_1391 = tpu.vector_load %arg9[%get3A_1389, %get3A_1390] {strides = array<i32>} : memref<32x64xf32, #tpu.memory_space<vmem>>, vector<1x16xf32>,
      %get3A_1392 = vector.shape_cast %get3A_1391 : vector<1x16xf32> to vector<16xf32>
      %get3A_1393 = arith.index_cast %add3A_1388 : i32 to index
      %get3A_1394 = arith.constant 0 : index
      %get3A_1395 = tpu.vector_load %arg10[%get3A_1393, %get3A_1394] {strides = array<i32>} : memref<32x64xf32, #tpu.memory_space<vmem>>, vector<1x16xf32>,
      %get3A_1396 = vector.shape_cast %get3A_1395 : vector<1x16xf32> to vector<16xf32>
      %mul3A_1397 = arith.mulf %get3A_1392, %get3A_1396 : vector<16xf32>
      %get3A_1398 = arith.index_cast %add3A_1388 : i32 to index
      %get3A_1399 = arith.constant 16 : index
      %get3A_1400 = tpu.vector_load %arg9[%get3A_1398, %get3A_1399] {strides = array<i32>} : memref<32x64xf32, #tpu.memory_space<vmem>>, vector<1x16xf32>,
      %get3A_1401 = vector.shape_cast %get3A_1400 : vector<1x16xf32> to vector<16xf32>
      %get3A_1402 = arith.index_cast %add3A_1388 : i32 to index
      %get3A_1403 = arith.constant 16 : index
      %get3A_1404 = tpu.vector_load %arg10[%get3A_1402, %get3A_1403] {strides = array<i32>} : memref<32x64xf32, #tpu.memory_space<vmem>>, vector<1x16xf32>,
      %get3A_1405 = vector.shape_cast %get3A_1404 : vector<1x16xf32> to vector<16xf32>
      %mul3A_1406 = arith.mulf %get3A_1401, %get3A_1405 : vector<16xf32>
      %add3A_1407 = arith.addf %mul3A_1397, %mul3A_1406 : vector<16xf32>
      %get3A_1408 = arith.index_cast %add3A_1388 : i32 to index
      %get3A_1409 = arith.constant 32 : index
      %get3A_1410 = tpu.vector_load %arg9[%get3A_1408, %get3A_1409] {strides = array<i32>} : memref<32x64xf32, #tpu.memory_space<vmem>>, vector<1x16xf32>,
      %get3A_1411 = vector.shape_cast %get3A_1410 : vector<1x16xf32> to vector<16xf32>
      %get3A_1412 = arith.index_cast %add3A_1388 : i32 to index
      %get3A_1413 = arith.constant 32 : index
      %get3A_1414 = tpu.vector_load %arg10[%get3A_1412, %get3A_1413] {strides = array<i32>} : memref<32x64xf32, #tpu.memory_space<vmem>>, vector<1x16xf32>,
      %get3A_1415 = vector.shape_cast %get3A_1414 : vector<1x16xf32> to vector<16xf32>
      %mul3A_1416 = arith.mulf %get3A_1411, %get3A_1415 : vector<16xf32>
      %add3A_1417 = arith.addf %add3A_1407, %mul3A_1416 : vector<16xf32>
      %get3A_1418 = arith.index_cast %add3A_1388 : i32 to index
      %get3A_1419 = arith.constant 48 : index
      %get3A_1420 = tpu.vector_load %arg9[%get3A_1418, %get3A_1419] {strides = array<i32>} : memref<32x64xf32, #tpu.memory_space<vmem>>, vector<1x16xf32>,
      %get3A_1421 = vector.shape_cast %get3A_1420 : vector<1x16xf32> to vector<16xf32>
      %get3A_1422 = arith.index_cast %add3A_1388 : i32 to index
      %get3A_1423 = arith.constant 48 : index
      %get3A_1424 = tpu.vector_load %arg10[%get3A_1422, %get3A_1423] {strides = array<i32>} : memref<32x64xf32, #tpu.memory_space<vmem>>, vector<1x16xf32>,
      %get3A_1425 = vector.shape_cast %get3A_1424 : vector<1x16xf32> to vector<16xf32>
      %mul3A_1426 = arith.mulf %get3A_1421, %get3A_1425 : vector<16xf32>
      %add3A_1427 = arith.addf %add3A_1417, %mul3A_1426 : vector<16xf32>
      %add3A_1428 = arith.constant 8 : i32
      %add3A_1429 = vector.broadcast %add3A_1428 : i32 to vector<16xi32>
      %add3A_1430 = arith.addi %iota3A, %add3A_1429 : vector<16xi32>
      %and3A_1431 = arith.constant 15 : i32
      %and3A_1432 = vector.broadcast %and3A_1431 : i32 to vector<16xi32>
      %and3A_1433 = arith.andi %add3A_1430, %and3A_1432 : vector<16xi32>
      %broadcast_in_dim3A_1434 = vector.shape_cast %and3A_1433 : vector<16xi32> to vector<16x1xi32>
      %gather3A_1435 = vector.shape_cast %broadcast_in_dim3A_1434 : vector<16x1xi32> to vector<16xi32>
      %gather3A_1436 = tpu.dynamic_gather %add3A_1427[%gather3A_1435] in [0] : vector<16xf32>, vector<16xi32> -> vector<16xf32>
      %add3A_1437 = arith.addf %add3A_1427, %gather3A_1436 : vector<16xf32>
      %add3A_1438 = arith.constant 4 : i32
      %add3A_1439 = vector.broadcast %add3A_1438 : i32 to vector<16xi32>
      %add3A_1440 = arith.addi %iota3A, %add3A_1439 : vector<16xi32>
      %and3A_1441 = arith.constant 15 : i32
      %and3A_1442 = vector.broadcast %and3A_1441 : i32 to vector<16xi32>
      %and3A_1443 = arith.andi %add3A_1440, %and3A_1442 : vector<16xi32>
      %broadcast_in_dim3A_1444 = vector.shape_cast %and3A_1443 : vector<16xi32> to vector<16x1xi32>
      %gather3A_1445 = vector.shape_cast %broadcast_in_dim3A_1444 : vector<16x1xi32> to vector<16xi32>
      %gather3A_1446 = tpu.dynamic_gather %add3A_1437[%gather3A_1445] in [0] : vector<16xf32>, vector<16xi32> -> vector<16xf32>
      %add3A_1447 = arith.addf %add3A_1437, %gather3A_1446 : vector<16xf32>
      %add3A_1448 = arith.constant 2 : i32
      %add3A_1449 = vector.broadcast %add3A_1448 : i32 to vector<16xi32>
      %add3A_1450 = arith.addi %iota3A, %add3A_1449 : vector<16xi32>
      %and3A_1451 = arith.constant 15 : i32
      %and3A_1452 = vector.broadcast %and3A_1451 : i32 to vector<16xi32>
      %and3A_1453 = arith.andi %add3A_1450, %and3A_1452 : vector<16xi32>
      %broadcast_in_dim3A_1454 = vector.shape_cast %and3A_1453 : vector<16xi32> to vector<16x1xi32>
      %gather3A_1455 = vector.shape_cast %broadcast_in_dim3A_1454 : vector<16x1xi32> to vector<16xi32>
      %gather3A_1456 = tpu.dynamic_gather %add3A_1447[%gather3A_1455] in [0] : vector<16xf32>, vector<16xi32> -> vector<16xf32>
      %add3A_1457 = arith.addf %add3A_1447, %gather3A_1456 : vector<16xf32>
      %add3A_1458 = arith.constant 1 : i32
      %add3A_1459 = vector.broadcast %add3A_1458 : i32 to vector<16xi32>
      %add3A_1460 = arith.addi %iota3A, %add3A_1459 : vector<16xi32>
      %and3A_1461 = arith.constant 15 : i32
      %and3A_1462 = vector.broadcast %and3A_1461 : i32 to vector<16xi32>
      %and3A_1463 = arith.andi %add3A_1460, %and3A_1462 : vector<16xi32>
      %broadcast_in_dim3A_1464 = vector.shape_cast %and3A_1463 : vector<16xi32> to vector<16x1xi32>
      %gather3A_1465 = vector.shape_cast %broadcast_in_dim3A_1464 : vector<16x1xi32> to vector<16xi32>
      %gather3A_1466 = tpu.dynamic_gather %add3A_1457[%gather3A_1465] in [0] : vector<16xf32>, vector<16xi32> -> vector<16xf32>
      %add3A_1467 = arith.addf %add3A_1457, %gather3A_1466 : vector<16xf32>
      %eq3A_1468 = arith.constant 11 : i32
      %eq3A_1469 = vector.broadcast %eq3A_1468 : i32 to vector<16xi32>
      %eq3A_1470 = arith.cmpi eq, %iota3A, %eq3A_1469 : vector<16xi32>
      %select_n3A_1471 = arith.select %eq3A_1470, %add3A_1467, %select_n3A_1386 : vector<16xi1>, vector<16xf32>
      %add3A_1472 = arith.constant 12 : i32
      %add3A_1473 = arith.addi %mul3A_407, %add3A_1472 : i32
      %get3A_1474 = arith.index_cast %add3A_1473 : i32 to index
      %get3A_1475 = arith.constant 0 : index
      %get3A_1476 = tpu.vector_load %arg9[%get3A_1474, %get3A_1475] {strides = array<i32>} : memref<32x64xf32, #tpu.memory_space<vmem>>, vector<1x16xf32>,
      %get3A_1477 = vector.shape_cast %get3A_1476 : vector<1x16xf32> to vector<16xf32>
      %get3A_1478 = arith.index_cast %add3A_1473 : i32 to index
      %get3A_1479 = arith.constant 0 : index
      %get3A_1480 = tpu.vector_load %arg10[%get3A_1478, %get3A_1479] {strides = array<i32>} : memref<32x64xf32, #tpu.memory_space<vmem>>, vector<1x16xf32>,
      %get3A_1481 = vector.shape_cast %get3A_1480 : vector<1x16xf32> to vector<16xf32>
      %mul3A_1482 = arith.mulf %get3A_1477, %get3A_1481 : vector<16xf32>
      %get3A_1483 = arith.index_cast %add3A_1473 : i32 to index
      %get3A_1484 = arith.constant 16 : index
      %get3A_1485 = tpu.vector_load %arg9[%get3A_1483, %get3A_1484] {strides = array<i32>} : memref<32x64xf32, #tpu.memory_space<vmem>>, vector<1x16xf32>,
      %get3A_1486 = vector.shape_cast %get3A_1485 : vector<1x16xf32> to vector<16xf32>
      %get3A_1487 = arith.index_cast %add3A_1473 : i32 to index
      %get3A_1488 = arith.constant 16 : index
      %get3A_1489 = tpu.vector_load %arg10[%get3A_1487, %get3A_1488] {strides = array<i32>} : memref<32x64xf32, #tpu.memory_space<vmem>>, vector<1x16xf32>,
      %get3A_1490 = vector.shape_cast %get3A_1489 : vector<1x16xf32> to vector<16xf32>
      %mul3A_1491 = arith.mulf %get3A_1486, %get3A_1490 : vector<16xf32>
      %add3A_1492 = arith.addf %mul3A_1482, %mul3A_1491 : vector<16xf32>
      %get3A_1493 = arith.index_cast %add3A_1473 : i32 to index
      %get3A_1494 = arith.constant 32 : index
      %get3A_1495 = tpu.vector_load %arg9[%get3A_1493, %get3A_1494] {strides = array<i32>} : memref<32x64xf32, #tpu.memory_space<vmem>>, vector<1x16xf32>,
      %get3A_1496 = vector.shape_cast %get3A_1495 : vector<1x16xf32> to vector<16xf32>
      %get3A_1497 = arith.index_cast %add3A_1473 : i32 to index
      %get3A_1498 = arith.constant 32 : index
      %get3A_1499 = tpu.vector_load %arg10[%get3A_1497, %get3A_1498] {strides = array<i32>} : memref<32x64xf32, #tpu.memory_space<vmem>>, vector<1x16xf32>,
      %get3A_1500 = vector.shape_cast %get3A_1499 : vector<1x16xf32> to vector<16xf32>
      %mul3A_1501 = arith.mulf %get3A_1496, %get3A_1500 : vector<16xf32>
      %add3A_1502 = arith.addf %add3A_1492, %mul3A_1501 : vector<16xf32>
      %get3A_1503 = arith.index_cast %add3A_1473 : i32 to index
      %get3A_1504 = arith.constant 48 : index
      %get3A_1505 = tpu.vector_load %arg9[%get3A_1503, %get3A_1504] {strides = array<i32>} : memref<32x64xf32, #tpu.memory_space<vmem>>, vector<1x16xf32>,
      %get3A_1506 = vector.shape_cast %get3A_1505 : vector<1x16xf32> to vector<16xf32>
      %get3A_1507 = arith.index_cast %add3A_1473 : i32 to index
      %get3A_1508 = arith.constant 48 : index
      %get3A_1509 = tpu.vector_load %arg10[%get3A_1507, %get3A_1508] {strides = array<i32>} : memref<32x64xf32, #tpu.memory_space<vmem>>, vector<1x16xf32>,
      %get3A_1510 = vector.shape_cast %get3A_1509 : vector<1x16xf32> to vector<16xf32>
      %mul3A_1511 = arith.mulf %get3A_1506, %get3A_1510 : vector<16xf32>
      %add3A_1512 = arith.addf %add3A_1502, %mul3A_1511 : vector<16xf32>
      %add3A_1513 = arith.constant 8 : i32
      %add3A_1514 = vector.broadcast %add3A_1513 : i32 to vector<16xi32>
      %add3A_1515 = arith.addi %iota3A, %add3A_1514 : vector<16xi32>
      %and3A_1516 = arith.constant 15 : i32
      %and3A_1517 = vector.broadcast %and3A_1516 : i32 to vector<16xi32>
      %and3A_1518 = arith.andi %add3A_1515, %and3A_1517 : vector<16xi32>
      %broadcast_in_dim3A_1519 = vector.shape_cast %and3A_1518 : vector<16xi32> to vector<16x1xi32>
      %gather3A_1520 = vector.shape_cast %broadcast_in_dim3A_1519 : vector<16x1xi32> to vector<16xi32>
      %gather3A_1521 = tpu.dynamic_gather %add3A_1512[%gather3A_1520] in [0] : vector<16xf32>, vector<16xi32> -> vector<16xf32>
      %add3A_1522 = arith.addf %add3A_1512, %gather3A_1521 : vector<16xf32>
      %add3A_1523 = arith.constant 4 : i32
      %add3A_1524 = vector.broadcast %add3A_1523 : i32 to vector<16xi32>
      %add3A_1525 = arith.addi %iota3A, %add3A_1524 : vector<16xi32>
      %and3A_1526 = arith.constant 15 : i32
      %and3A_1527 = vector.broadcast %and3A_1526 : i32 to vector<16xi32>
      %and3A_1528 = arith.andi %add3A_1525, %and3A_1527 : vector<16xi32>
      %broadcast_in_dim3A_1529 = vector.shape_cast %and3A_1528 : vector<16xi32> to vector<16x1xi32>
      %gather3A_1530 = vector.shape_cast %broadcast_in_dim3A_1529 : vector<16x1xi32> to vector<16xi32>
      %gather3A_1531 = tpu.dynamic_gather %add3A_1522[%gather3A_1530] in [0] : vector<16xf32>, vector<16xi32> -> vector<16xf32>
      %add3A_1532 = arith.addf %add3A_1522, %gather3A_1531 : vector<16xf32>
      %add3A_1533 = arith.constant 2 : i32
      %add3A_1534 = vector.broadcast %add3A_1533 : i32 to vector<16xi32>
      %add3A_1535 = arith.addi %iota3A, %add3A_1534 : vector<16xi32>
      %and3A_1536 = arith.constant 15 : i32
      %and3A_1537 = vector.broadcast %and3A_1536 : i32 to vector<16xi32>
      %and3A_1538 = arith.andi %add3A_1535, %and3A_1537 : vector<16xi32>
      %broadcast_in_dim3A_1539 = vector.shape_cast %and3A_1538 : vector<16xi32> to vector<16x1xi32>
      %gather3A_1540 = vector.shape_cast %broadcast_in_dim3A_1539 : vector<16x1xi32> to vector<16xi32>
      %gather3A_1541 = tpu.dynamic_gather %add3A_1532[%gather3A_1540] in [0] : vector<16xf32>, vector<16xi32> -> vector<16xf32>
      %add3A_1542 = arith.addf %add3A_1532, %gather3A_1541 : vector<16xf32>
      %add3A_1543 = arith.constant 1 : i32
      %add3A_1544 = vector.broadcast %add3A_1543 : i32 to vector<16xi32>
      %add3A_1545 = arith.addi %iota3A, %add3A_1544 : vector<16xi32>
      %and3A_1546 = arith.constant 15 : i32
      %and3A_1547 = vector.broadcast %and3A_1546 : i32 to vector<16xi32>
      %and3A_1548 = arith.andi %add3A_1545, %and3A_1547 : vector<16xi32>
      %broadcast_in_dim3A_1549 = vector.shape_cast %and3A_1548 : vector<16xi32> to vector<16x1xi32>
      %gather3A_1550 = vector.shape_cast %broadcast_in_dim3A_1549 : vector<16x1xi32> to vector<16xi32>
      %gather3A_1551 = tpu.dynamic_gather %add3A_1542[%gather3A_1550] in [0] : vector<16xf32>, vector<16xi32> -> vector<16xf32>
      %add3A_1552 = arith.addf %add3A_1542, %gather3A_1551 : vector<16xf32>
      %eq3A_1553 = arith.constant 12 : i32
      %eq3A_1554 = vector.broadcast %eq3A_1553 : i32 to vector<16xi32>
      %eq3A_1555 = arith.cmpi eq, %iota3A, %eq3A_1554 : vector<16xi32>
      %select_n3A_1556 = arith.select %eq3A_1555, %add3A_1552, %select_n3A_1471 : vector<16xi1>, vector<16xf32>
      %add3A_1557 = arith.constant 13 : i32
      %add3A_1558 = arith.addi %mul3A_407, %add3A_1557 : i32
      %get3A_1559 = arith.index_cast %add3A_1558 : i32 to index
      %get3A_1560 = arith.constant 0 : index
      %get3A_1561 = tpu.vector_load %arg9[%get3A_1559, %get3A_1560] {strides = array<i32>} : memref<32x64xf32, #tpu.memory_space<vmem>>, vector<1x16xf32>,
      %get3A_1562 = vector.shape_cast %get3A_1561 : vector<1x16xf32> to vector<16xf32>
      %get3A_1563 = arith.index_cast %add3A_1558 : i32 to index
      %get3A_1564 = arith.constant 0 : index
      %get3A_1565 = tpu.vector_load %arg10[%get3A_1563, %get3A_1564] {strides = array<i32>} : memref<32x64xf32, #tpu.memory_space<vmem>>, vector<1x16xf32>,
      %get3A_1566 = vector.shape_cast %get3A_1565 : vector<1x16xf32> to vector<16xf32>
      %mul3A_1567 = arith.mulf %get3A_1562, %get3A_1566 : vector<16xf32>
      %get3A_1568 = arith.index_cast %add3A_1558 : i32 to index
      %get3A_1569 = arith.constant 16 : index
      %get3A_1570 = tpu.vector_load %arg9[%get3A_1568, %get3A_1569] {strides = array<i32>} : memref<32x64xf32, #tpu.memory_space<vmem>>, vector<1x16xf32>,
      %get3A_1571 = vector.shape_cast %get3A_1570 : vector<1x16xf32> to vector<16xf32>
      %get3A_1572 = arith.index_cast %add3A_1558 : i32 to index
      %get3A_1573 = arith.constant 16 : index
      %get3A_1574 = tpu.vector_load %arg10[%get3A_1572, %get3A_1573] {strides = array<i32>} : memref<32x64xf32, #tpu.memory_space<vmem>>, vector<1x16xf32>,
      %get3A_1575 = vector.shape_cast %get3A_1574 : vector<1x16xf32> to vector<16xf32>
      %mul3A_1576 = arith.mulf %get3A_1571, %get3A_1575 : vector<16xf32>
      %add3A_1577 = arith.addf %mul3A_1567, %mul3A_1576 : vector<16xf32>
      %get3A_1578 = arith.index_cast %add3A_1558 : i32 to index
      %get3A_1579 = arith.constant 32 : index
      %get3A_1580 = tpu.vector_load %arg9[%get3A_1578, %get3A_1579] {strides = array<i32>} : memref<32x64xf32, #tpu.memory_space<vmem>>, vector<1x16xf32>,
      %get3A_1581 = vector.shape_cast %get3A_1580 : vector<1x16xf32> to vector<16xf32>
      %get3A_1582 = arith.index_cast %add3A_1558 : i32 to index
      %get3A_1583 = arith.constant 32 : index
      %get3A_1584 = tpu.vector_load %arg10[%get3A_1582, %get3A_1583] {strides = array<i32>} : memref<32x64xf32, #tpu.memory_space<vmem>>, vector<1x16xf32>,
      %get3A_1585 = vector.shape_cast %get3A_1584 : vector<1x16xf32> to vector<16xf32>
      %mul3A_1586 = arith.mulf %get3A_1581, %get3A_1585 : vector<16xf32>
      %add3A_1587 = arith.addf %add3A_1577, %mul3A_1586 : vector<16xf32>
      %get3A_1588 = arith.index_cast %add3A_1558 : i32 to index
      %get3A_1589 = arith.constant 48 : index
      %get3A_1590 = tpu.vector_load %arg9[%get3A_1588, %get3A_1589] {strides = array<i32>} : memref<32x64xf32, #tpu.memory_space<vmem>>, vector<1x16xf32>,
      %get3A_1591 = vector.shape_cast %get3A_1590 : vector<1x16xf32> to vector<16xf32>
      %get3A_1592 = arith.index_cast %add3A_1558 : i32 to index
      %get3A_1593 = arith.constant 48 : index
      %get3A_1594 = tpu.vector_load %arg10[%get3A_1592, %get3A_1593] {strides = array<i32>} : memref<32x64xf32, #tpu.memory_space<vmem>>, vector<1x16xf32>,
      %get3A_1595 = vector.shape_cast %get3A_1594 : vector<1x16xf32> to vector<16xf32>
      %mul3A_1596 = arith.mulf %get3A_1591, %get3A_1595 : vector<16xf32>
      %add3A_1597 = arith.addf %add3A_1587, %mul3A_1596 : vector<16xf32>
      %add3A_1598 = arith.constant 8 : i32
      %add3A_1599 = vector.broadcast %add3A_1598 : i32 to vector<16xi32>
      %add3A_1600 = arith.addi %iota3A, %add3A_1599 : vector<16xi32>
      %and3A_1601 = arith.constant 15 : i32
      %and3A_1602 = vector.broadcast %and3A_1601 : i32 to vector<16xi32>
      %and3A_1603 = arith.andi %add3A_1600, %and3A_1602 : vector<16xi32>
      %broadcast_in_dim3A_1604 = vector.shape_cast %and3A_1603 : vector<16xi32> to vector<16x1xi32>
      %gather3A_1605 = vector.shape_cast %broadcast_in_dim3A_1604 : vector<16x1xi32> to vector<16xi32>
      %gather3A_1606 = tpu.dynamic_gather %add3A_1597[%gather3A_1605] in [0] : vector<16xf32>, vector<16xi32> -> vector<16xf32>
      %add3A_1607 = arith.addf %add3A_1597, %gather3A_1606 : vector<16xf32>
      %add3A_1608 = arith.constant 4 : i32
      %add3A_1609 = vector.broadcast %add3A_1608 : i32 to vector<16xi32>
      %add3A_1610 = arith.addi %iota3A, %add3A_1609 : vector<16xi32>
      %and3A_1611 = arith.constant 15 : i32
      %and3A_1612 = vector.broadcast %and3A_1611 : i32 to vector<16xi32>
      %and3A_1613 = arith.andi %add3A_1610, %and3A_1612 : vector<16xi32>
      %broadcast_in_dim3A_1614 = vector.shape_cast %and3A_1613 : vector<16xi32> to vector<16x1xi32>
      %gather3A_1615 = vector.shape_cast %broadcast_in_dim3A_1614 : vector<16x1xi32> to vector<16xi32>
      %gather3A_1616 = tpu.dynamic_gather %add3A_1607[%gather3A_1615] in [0] : vector<16xf32>, vector<16xi32> -> vector<16xf32>
      %add3A_1617 = arith.addf %add3A_1607, %gather3A_1616 : vector<16xf32>
      %add3A_1618 = arith.constant 2 : i32
      %add3A_1619 = vector.broadcast %add3A_1618 : i32 to vector<16xi32>
      %add3A_1620 = arith.addi %iota3A, %add3A_1619 : vector<16xi32>
      %and3A_1621 = arith.constant 15 : i32
      %and3A_1622 = vector.broadcast %and3A_1621 : i32 to vector<16xi32>
      %and3A_1623 = arith.andi %add3A_1620, %and3A_1622 : vector<16xi32>
      %broadcast_in_dim3A_1624 = vector.shape_cast %and3A_1623 : vector<16xi32> to vector<16x1xi32>
      %gather3A_1625 = vector.shape_cast %broadcast_in_dim3A_1624 : vector<16x1xi32> to vector<16xi32>
      %gather3A_1626 = tpu.dynamic_gather %add3A_1617[%gather3A_1625] in [0] : vector<16xf32>, vector<16xi32> -> vector<16xf32>
      %add3A_1627 = arith.addf %add3A_1617, %gather3A_1626 : vector<16xf32>
      %add3A_1628 = arith.constant 1 : i32
      %add3A_1629 = vector.broadcast %add3A_1628 : i32 to vector<16xi32>
      %add3A_1630 = arith.addi %iota3A, %add3A_1629 : vector<16xi32>
      %and3A_1631 = arith.constant 15 : i32
      %and3A_1632 = vector.broadcast %and3A_1631 : i32 to vector<16xi32>
      %and3A_1633 = arith.andi %add3A_1630, %and3A_1632 : vector<16xi32>
      %broadcast_in_dim3A_1634 = vector.shape_cast %and3A_1633 : vector<16xi32> to vector<16x1xi32>
      %gather3A_1635 = vector.shape_cast %broadcast_in_dim3A_1634 : vector<16x1xi32> to vector<16xi32>
      %gather3A_1636 = tpu.dynamic_gather %add3A_1627[%gather3A_1635] in [0] : vector<16xf32>, vector<16xi32> -> vector<16xf32>
      %add3A_1637 = arith.addf %add3A_1627, %gather3A_1636 : vector<16xf32>
      %eq3A_1638 = arith.constant 13 : i32
      %eq3A_1639 = vector.broadcast %eq3A_1638 : i32 to vector<16xi32>
      %eq3A_1640 = arith.cmpi eq, %iota3A, %eq3A_1639 : vector<16xi32>
      %select_n3A_1641 = arith.select %eq3A_1640, %add3A_1637, %select_n3A_1556 : vector<16xi1>, vector<16xf32>
      %add3A_1642 = arith.constant 14 : i32
      %add3A_1643 = arith.addi %mul3A_407, %add3A_1642 : i32
      %get3A_1644 = arith.index_cast %add3A_1643 : i32 to index
      %get3A_1645 = arith.constant 0 : index
      %get3A_1646 = tpu.vector_load %arg9[%get3A_1644, %get3A_1645] {strides = array<i32>} : memref<32x64xf32, #tpu.memory_space<vmem>>, vector<1x16xf32>,
      %get3A_1647 = vector.shape_cast %get3A_1646 : vector<1x16xf32> to vector<16xf32>
      %get3A_1648 = arith.index_cast %add3A_1643 : i32 to index
      %get3A_1649 = arith.constant 0 : index
      %get3A_1650 = tpu.vector_load %arg10[%get3A_1648, %get3A_1649] {strides = array<i32>} : memref<32x64xf32, #tpu.memory_space<vmem>>, vector<1x16xf32>,
      %get3A_1651 = vector.shape_cast %get3A_1650 : vector<1x16xf32> to vector<16xf32>
      %mul3A_1652 = arith.mulf %get3A_1647, %get3A_1651 : vector<16xf32>
      %get3A_1653 = arith.index_cast %add3A_1643 : i32 to index
      %get3A_1654 = arith.constant 16 : index
      %get3A_1655 = tpu.vector_load %arg9[%get3A_1653, %get3A_1654] {strides = array<i32>} : memref<32x64xf32, #tpu.memory_space<vmem>>, vector<1x16xf32>,
      %get3A_1656 = vector.shape_cast %get3A_1655 : vector<1x16xf32> to vector<16xf32>
      %get3A_1657 = arith.index_cast %add3A_1643 : i32 to index
      %get3A_1658 = arith.constant 16 : index
      %get3A_1659 = tpu.vector_load %arg10[%get3A_1657, %get3A_1658] {strides = array<i32>} : memref<32x64xf32, #tpu.memory_space<vmem>>, vector<1x16xf32>,
      %get3A_1660 = vector.shape_cast %get3A_1659 : vector<1x16xf32> to vector<16xf32>
      %mul3A_1661 = arith.mulf %get3A_1656, %get3A_1660 : vector<16xf32>
      %add3A_1662 = arith.addf %mul3A_1652, %mul3A_1661 : vector<16xf32>
      %get3A_1663 = arith.index_cast %add3A_1643 : i32 to index
      %get3A_1664 = arith.constant 32 : index
      %get3A_1665 = tpu.vector_load %arg9[%get3A_1663, %get3A_1664] {strides = array<i32>} : memref<32x64xf32, #tpu.memory_space<vmem>>, vector<1x16xf32>,
      %get3A_1666 = vector.shape_cast %get3A_1665 : vector<1x16xf32> to vector<16xf32>
      %get3A_1667 = arith.index_cast %add3A_1643 : i32 to index
      %get3A_1668 = arith.constant 32 : index
      %get3A_1669 = tpu.vector_load %arg10[%get3A_1667, %get3A_1668] {strides = array<i32>} : memref<32x64xf32, #tpu.memory_space<vmem>>, vector<1x16xf32>,
      %get3A_1670 = vector.shape_cast %get3A_1669 : vector<1x16xf32> to vector<16xf32>
      %mul3A_1671 = arith.mulf %get3A_1666, %get3A_1670 : vector<16xf32>
      %add3A_1672 = arith.addf %add3A_1662, %mul3A_1671 : vector<16xf32>
      %get3A_1673 = arith.index_cast %add3A_1643 : i32 to index
      %get3A_1674 = arith.constant 48 : index
      %get3A_1675 = tpu.vector_load %arg9[%get3A_1673, %get3A_1674] {strides = array<i32>} : memref<32x64xf32, #tpu.memory_space<vmem>>, vector<1x16xf32>,
      %get3A_1676 = vector.shape_cast %get3A_1675 : vector<1x16xf32> to vector<16xf32>
      %get3A_1677 = arith.index_cast %add3A_1643 : i32 to index
      %get3A_1678 = arith.constant 48 : index
      %get3A_1679 = tpu.vector_load %arg10[%get3A_1677, %get3A_1678] {strides = array<i32>} : memref<32x64xf32, #tpu.memory_space<vmem>>, vector<1x16xf32>,
      %get3A_1680 = vector.shape_cast %get3A_1679 : vector<1x16xf32> to vector<16xf32>
      %mul3A_1681 = arith.mulf %get3A_1676, %get3A_1680 : vector<16xf32>
      %add3A_1682 = arith.addf %add3A_1672, %mul3A_1681 : vector<16xf32>
      %add3A_1683 = arith.constant 8 : i32
      %add3A_1684 = vector.broadcast %add3A_1683 : i32 to vector<16xi32>
      %add3A_1685 = arith.addi %iota3A, %add3A_1684 : vector<16xi32>
      %and3A_1686 = arith.constant 15 : i32
      %and3A_1687 = vector.broadcast %and3A_1686 : i32 to vector<16xi32>
      %and3A_1688 = arith.andi %add3A_1685, %and3A_1687 : vector<16xi32>
      %broadcast_in_dim3A_1689 = vector.shape_cast %and3A_1688 : vector<16xi32> to vector<16x1xi32>
      %gather3A_1690 = vector.shape_cast %broadcast_in_dim3A_1689 : vector<16x1xi32> to vector<16xi32>
      %gather3A_1691 = tpu.dynamic_gather %add3A_1682[%gather3A_1690] in [0] : vector<16xf32>, vector<16xi32> -> vector<16xf32>
      %add3A_1692 = arith.addf %add3A_1682, %gather3A_1691 : vector<16xf32>
      %add3A_1693 = arith.constant 4 : i32
      %add3A_1694 = vector.broadcast %add3A_1693 : i32 to vector<16xi32>
      %add3A_1695 = arith.addi %iota3A, %add3A_1694 : vector<16xi32>
      %and3A_1696 = arith.constant 15 : i32
      %and3A_1697 = vector.broadcast %and3A_1696 : i32 to vector<16xi32>
      %and3A_1698 = arith.andi %add3A_1695, %and3A_1697 : vector<16xi32>
      %broadcast_in_dim3A_1699 = vector.shape_cast %and3A_1698 : vector<16xi32> to vector<16x1xi32>
      %gather3A_1700 = vector.shape_cast %broadcast_in_dim3A_1699 : vector<16x1xi32> to vector<16xi32>
      %gather3A_1701 = tpu.dynamic_gather %add3A_1692[%gather3A_1700] in [0] : vector<16xf32>, vector<16xi32> -> vector<16xf32>
      %add3A_1702 = arith.addf %add3A_1692, %gather3A_1701 : vector<16xf32>
      %add3A_1703 = arith.constant 2 : i32
      %add3A_1704 = vector.broadcast %add3A_1703 : i32 to vector<16xi32>
      %add3A_1705 = arith.addi %iota3A, %add3A_1704 : vector<16xi32>
      %and3A_1706 = arith.constant 15 : i32
      %and3A_1707 = vector.broadcast %and3A_1706 : i32 to vector<16xi32>
      %and3A_1708 = arith.andi %add3A_1705, %and3A_1707 : vector<16xi32>
      %broadcast_in_dim3A_1709 = vector.shape_cast %and3A_1708 : vector<16xi32> to vector<16x1xi32>
      %gather3A_1710 = vector.shape_cast %broadcast_in_dim3A_1709 : vector<16x1xi32> to vector<16xi32>
      %gather3A_1711 = tpu.dynamic_gather %add3A_1702[%gather3A_1710] in [0] : vector<16xf32>, vector<16xi32> -> vector<16xf32>
      %add3A_1712 = arith.addf %add3A_1702, %gather3A_1711 : vector<16xf32>
      %add3A_1713 = arith.constant 1 : i32
      %add3A_1714 = vector.broadcast %add3A_1713 : i32 to vector<16xi32>
      %add3A_1715 = arith.addi %iota3A, %add3A_1714 : vector<16xi32>
      %and3A_1716 = arith.constant 15 : i32
      %and3A_1717 = vector.broadcast %and3A_1716 : i32 to vector<16xi32>
      %and3A_1718 = arith.andi %add3A_1715, %and3A_1717 : vector<16xi32>
      %broadcast_in_dim3A_1719 = vector.shape_cast %and3A_1718 : vector<16xi32> to vector<16x1xi32>
      %gather3A_1720 = vector.shape_cast %broadcast_in_dim3A_1719 : vector<16x1xi32> to vector<16xi32>
      %gather3A_1721 = tpu.dynamic_gather %add3A_1712[%gather3A_1720] in [0] : vector<16xf32>, vector<16xi32> -> vector<16xf32>
      %add3A_1722 = arith.addf %add3A_1712, %gather3A_1721 : vector<16xf32>
      %eq3A_1723 = arith.constant 14 : i32
      %eq3A_1724 = vector.broadcast %eq3A_1723 : i32 to vector<16xi32>
      %eq3A_1725 = arith.cmpi eq, %iota3A, %eq3A_1724 : vector<16xi32>
      %select_n3A_1726 = arith.select %eq3A_1725, %add3A_1722, %select_n3A_1641 : vector<16xi1>, vector<16xf32>
      %add3A_1727 = arith.constant 15 : i32
      %add3A_1728 = arith.addi %mul3A_407, %add3A_1727 : i32
      %get3A_1729 = arith.index_cast %add3A_1728 : i32 to index
      %get3A_1730 = arith.constant 0 : index
      %get3A_1731 = tpu.vector_load %arg9[%get3A_1729, %get3A_1730] {strides = array<i32>} : memref<32x64xf32, #tpu.memory_space<vmem>>, vector<1x16xf32>,
      %get3A_1732 = vector.shape_cast %get3A_1731 : vector<1x16xf32> to vector<16xf32>
      %get3A_1733 = arith.index_cast %add3A_1728 : i32 to index
      %get3A_1734 = arith.constant 0 : index
      %get3A_1735 = tpu.vector_load %arg10[%get3A_1733, %get3A_1734] {strides = array<i32>} : memref<32x64xf32, #tpu.memory_space<vmem>>, vector<1x16xf32>,
      %get3A_1736 = vector.shape_cast %get3A_1735 : vector<1x16xf32> to vector<16xf32>
      %mul3A_1737 = arith.mulf %get3A_1732, %get3A_1736 : vector<16xf32>
      %get3A_1738 = arith.index_cast %add3A_1728 : i32 to index
      %get3A_1739 = arith.constant 16 : index
      %get3A_1740 = tpu.vector_load %arg9[%get3A_1738, %get3A_1739] {strides = array<i32>} : memref<32x64xf32, #tpu.memory_space<vmem>>, vector<1x16xf32>,
      %get3A_1741 = vector.shape_cast %get3A_1740 : vector<1x16xf32> to vector<16xf32>
      %get3A_1742 = arith.index_cast %add3A_1728 : i32 to index
      %get3A_1743 = arith.constant 16 : index
      %get3A_1744 = tpu.vector_load %arg10[%get3A_1742, %get3A_1743] {strides = array<i32>} : memref<32x64xf32, #tpu.memory_space<vmem>>, vector<1x16xf32>,
      %get3A_1745 = vector.shape_cast %get3A_1744 : vector<1x16xf32> to vector<16xf32>
      %mul3A_1746 = arith.mulf %get3A_1741, %get3A_1745 : vector<16xf32>
      %add3A_1747 = arith.addf %mul3A_1737, %mul3A_1746 : vector<16xf32>
      %get3A_1748 = arith.index_cast %add3A_1728 : i32 to index
      %get3A_1749 = arith.constant 32 : index
      %get3A_1750 = tpu.vector_load %arg9[%get3A_1748, %get3A_1749] {strides = array<i32>} : memref<32x64xf32, #tpu.memory_space<vmem>>, vector<1x16xf32>,
      %get3A_1751 = vector.shape_cast %get3A_1750 : vector<1x16xf32> to vector<16xf32>
      %get3A_1752 = arith.index_cast %add3A_1728 : i32 to index
      %get3A_1753 = arith.constant 32 : index
      %get3A_1754 = tpu.vector_load %arg10[%get3A_1752, %get3A_1753] {strides = array<i32>} : memref<32x64xf32, #tpu.memory_space<vmem>>, vector<1x16xf32>,
      %get3A_1755 = vector.shape_cast %get3A_1754 : vector<1x16xf32> to vector<16xf32>
      %mul3A_1756 = arith.mulf %get3A_1751, %get3A_1755 : vector<16xf32>
      %add3A_1757 = arith.addf %add3A_1747, %mul3A_1756 : vector<16xf32>
      %get3A_1758 = arith.index_cast %add3A_1728 : i32 to index
      %get3A_1759 = arith.constant 48 : index
      %get3A_1760 = tpu.vector_load %arg9[%get3A_1758, %get3A_1759] {strides = array<i32>} : memref<32x64xf32, #tpu.memory_space<vmem>>, vector<1x16xf32>,
      %get3A_1761 = vector.shape_cast %get3A_1760 : vector<1x16xf32> to vector<16xf32>
      %get3A_1762 = arith.index_cast %add3A_1728 : i32 to index
      %get3A_1763 = arith.constant 48 : index
      %get3A_1764 = tpu.vector_load %arg10[%get3A_1762, %get3A_1763] {strides = array<i32>} : memref<32x64xf32, #tpu.memory_space<vmem>>, vector<1x16xf32>,
      %get3A_1765 = vector.shape_cast %get3A_1764 : vector<1x16xf32> to vector<16xf32>
      %mul3A_1766 = arith.mulf %get3A_1761, %get3A_1765 : vector<16xf32>
      %add3A_1767 = arith.addf %add3A_1757, %mul3A_1766 : vector<16xf32>
      %add3A_1768 = arith.constant 8 : i32
      %add3A_1769 = vector.broadcast %add3A_1768 : i32 to vector<16xi32>
      %add3A_1770 = arith.addi %iota3A, %add3A_1769 : vector<16xi32>
      %and3A_1771 = arith.constant 15 : i32
      %and3A_1772 = vector.broadcast %and3A_1771 : i32 to vector<16xi32>
      %and3A_1773 = arith.andi %add3A_1770, %and3A_1772 : vector<16xi32>
      %broadcast_in_dim3A_1774 = vector.shape_cast %and3A_1773 : vector<16xi32> to vector<16x1xi32>
      %gather3A_1775 = vector.shape_cast %broadcast_in_dim3A_1774 : vector<16x1xi32> to vector<16xi32>
      %gather3A_1776 = tpu.dynamic_gather %add3A_1767[%gather3A_1775] in [0] : vector<16xf32>, vector<16xi32> -> vector<16xf32>
      %add3A_1777 = arith.addf %add3A_1767, %gather3A_1776 : vector<16xf32>
      %add3A_1778 = arith.constant 4 : i32
      %add3A_1779 = vector.broadcast %add3A_1778 : i32 to vector<16xi32>
      %add3A_1780 = arith.addi %iota3A, %add3A_1779 : vector<16xi32>
      %and3A_1781 = arith.constant 15 : i32
      %and3A_1782 = vector.broadcast %and3A_1781 : i32 to vector<16xi32>
      %and3A_1783 = arith.andi %add3A_1780, %and3A_1782 : vector<16xi32>
      %broadcast_in_dim3A_1784 = vector.shape_cast %and3A_1783 : vector<16xi32> to vector<16x1xi32>
      %gather3A_1785 = vector.shape_cast %broadcast_in_dim3A_1784 : vector<16x1xi32> to vector<16xi32>
      %gather3A_1786 = tpu.dynamic_gather %add3A_1777[%gather3A_1785] in [0] : vector<16xf32>, vector<16xi32> -> vector<16xf32>
      %add3A_1787 = arith.addf %add3A_1777, %gather3A_1786 : vector<16xf32>
      %add3A_1788 = arith.constant 2 : i32
      %add3A_1789 = vector.broadcast %add3A_1788 : i32 to vector<16xi32>
      %add3A_1790 = arith.addi %iota3A, %add3A_1789 : vector<16xi32>
      %and3A_1791 = arith.constant 15 : i32
      %and3A_1792 = vector.broadcast %and3A_1791 : i32 to vector<16xi32>
      %and3A_1793 = arith.andi %add3A_1790, %and3A_1792 : vector<16xi32>
      %broadcast_in_dim3A_1794 = vector.shape_cast %and3A_1793 : vector<16xi32> to vector<16x1xi32>
      %gather3A_1795 = vector.shape_cast %broadcast_in_dim3A_1794 : vector<16x1xi32> to vector<16xi32>
      %gather3A_1796 = tpu.dynamic_gather %add3A_1787[%gather3A_1795] in [0] : vector<16xf32>, vector<16xi32> -> vector<16xf32>
      %add3A_1797 = arith.addf %add3A_1787, %gather3A_1796 : vector<16xf32>
      %add3A_1798 = arith.constant 1 : i32
      %add3A_1799 = vector.broadcast %add3A_1798 : i32 to vector<16xi32>
      %add3A_1800 = arith.addi %iota3A, %add3A_1799 : vector<16xi32>
      %and3A_1801 = arith.constant 15 : i32
      %and3A_1802 = vector.broadcast %and3A_1801 : i32 to vector<16xi32>
      %and3A_1803 = arith.andi %add3A_1800, %and3A_1802 : vector<16xi32>
      %broadcast_in_dim3A_1804 = vector.shape_cast %and3A_1803 : vector<16xi32> to vector<16x1xi32>
      %gather3A_1805 = vector.shape_cast %broadcast_in_dim3A_1804 : vector<16x1xi32> to vector<16xi32>
      %gather3A_1806 = tpu.dynamic_gather %add3A_1797[%gather3A_1805] in [0] : vector<16xf32>, vector<16xi32> -> vector<16xf32>
      %add3A_1807 = arith.addf %add3A_1797, %gather3A_1806 : vector<16xf32>
      %eq3A_1808 = arith.constant 15 : i32
      %eq3A_1809 = vector.broadcast %eq3A_1808 : i32 to vector<16xi32>
      %eq3A_1810 = arith.cmpi eq, %iota3A, %eq3A_1809 : vector<16xi32>
      %select_n3A_1811 = arith.select %eq3A_1810, %add3A_1807, %select_n3A_1726 : vector<16xi1>, vector<16xf32>
      %swap3A = arith.index_cast %mul3A_396 : i32 to index
      %swap3A_1812 = tpu.vector_load %arg11[%swap3A] {strides = array<i32>} : memref<512xf32, #tpu.memory_space<vmem>>, vector<16xf32>,
      %swap3A_1813 = vector.shape_cast %swap3A_1812 : vector<16xf32> to vector<16xf32>
      %swap3A_1814 = vector.shape_cast %select_n3A_1811 : vector<16xf32> to vector<16xf32>
      tpu.vector_store %arg11[%swap3A], %swap3A_1814 {strides = array<i32>} : memref<512xf32, #tpu.memory_space<vmem>>, vector<16xf32>,
    }
    %scan3A_393 = arith.constant 32 : i32
    "tpu.region"() ({
      %run_scoped3A = tpu.sem_alloc : memref<!tpu.dma_semaphore, #tpu.memory_space<semaphore_mem>>
      %dma_start3A_394 = tpu.memref_slice %arg6[%mul3A_2] : memref<16384xf32, #tpu.memory_space<hbm>> -> memref<512xf32, #tpu.memory_space<hbm>>
      %dma_start3A_395 = tpu.memref_slice %arg6[%mul3A_2] : memref<16384xf32, #tpu.memory_space<hbm>> -> memref<512xf32, #tpu.memory_space<hbm>>
      tpu.enqueue_dma source(%arg11 : memref<512xf32, #tpu.memory_space<vmem>>) target(%dma_start3A_395 : memref<512xf32, #tpu.memory_space<hbm>>) target_semaphore(%run_scoped3A : memref<!tpu.dma_semaphore, #tpu.memory_space<semaphore_mem>>)
      %dma_wait3A = tpu.memref_slice %arg6[%mul3A_2] : memref<16384xf32, #tpu.memory_space<hbm>> -> memref<512xf32, #tpu.memory_space<hbm>>
      %dma_wait3A_396 = tpu.memref_slice %arg6[%mul3A_2] : memref<16384xf32, #tpu.memory_space<hbm>> -> memref<512xf32, #tpu.memory_space<hbm>>
      tpu.wait_dma2 semaphore(%run_scoped3A : memref<!tpu.dma_semaphore, #tpu.memory_space<semaphore_mem>>) src(%arg11 : memref<512xf32, #tpu.memory_space<vmem>>) dst(%dma_wait3A_396 : memref<512xf32, #tpu.memory_space<hbm>>)
      tpu.yield
    }) : () -> ()
    return
  }
}

</mosaic_0001>

<sc_bundles>
// kernel: kernel.3.cloned.1.call-start
scs
__scs_entry_jumppad:
0x0: {  	(pc) =	sbr.rel $0x88, $3  }
0x1: {  	(tag) =	ssettag $0x0;
	lr =	simm.s32 $0x1  }
0x2: {  	[smem:$0x3F9D] =	sst lr;
	_ =	strace $0xD0000000  }
0x3: {  	_ = 	snop  }
0x4: {  	_ = 	snop  }
0x5: {  	_ = 	snop  }
0x6: {  	_ = 	snop  }
0x7: {  	_ = 	snop  }
__scs_overlays_trampoline_lowered:
0x8: {  	[smem:$0x3FAC] =	sst s0  }
0x9: {  	[smem:$0x3FAD] =	sst s1  }
0xa: {  	[smem:$0x3FAE] =	sst s2  }
0xb: {  	[smem:$0x3FAF] =	sst s3  }
0xc: {  	[smem:$0x3FB0] =	sst s4  }
0xd: {  	[smem:$0x3FB1] =	sst s5  }
0xe: {  	[smem:$0x3FB2] =	sst s6  }
0xf: {  	[smem:$0x3FB3] =	sst s7  }
0x10: {  	[smem:$0x3FB4] =	sst s8  }
0x11: {  	[smem:$0x3FB5] =	sst s9;
	s0 =	simm.s32 @!p0 $0x0  }
0x12: {  	s1 =	sld [smem:$0x3F9B];
	s0 =	simm.s32 @p0 $0x1  }
0x13: {  	[smem:$0x3FB6] =	sst s0;
	s0 =	simm.s32 @!p1 $0x0  }
0x14: {  	s2 =	sld [smem:$0x3F9A];
	s0 =	simm.s32 @p1 $0x1  }
0x15: {  	[smem:$0x3FB7] =	sst s0;
	s0 =	simm.s32 @!p2 $0x0  }
0x16: {  	s3 =	sld [smem:$0x3FDB];
	s0 =	simm.s32 @p2 $0x1  }
0x17: {  	s4 =	simm.s32 $0x1BF5;
	[smem:$0x3FB9] =	sst s0  }
0x18: {  	s0 =	sld [smem:$0x3F9C];
	_ =	swait.ge [sflag:s4], $0x0  }
0x19: {  	s7 =	sld [smem:$0x3F9D]  }
0x1a: {  	s8 =	sadd.s32 $0xFFFFE003, lr  }
0x1b: {  	s9 =	sadd.s32 $0xFFFFFEF7, lr;
	s5 =	simm.s32 $0xFFFFFFFF;
	p2 =	slt.u32 s8, $0xFFFFF086  }
0x1c: {  	p1 =	slt.u32 s9, $0xF7A;
	s5 =	simm.s32 @!p2 $0x0  }
0x1d: {  	s5 =	simm.s32 @p1 $0x1;
	p0 =	seq.s32 s7, s2  }
0x1e: {  	s7 =	smul.u32 @!p0 $0xF7A, s2;
	p2 =	seq.s32 @!p0 s5, $0x0  }
0x1f: {  	s9 =	smul.u32 $0xF7A, s1;
	s8 =	simm.s32 @!p0 $0x1BF5;
	p2 =	por !p2, p0  }
0x20: {  	[sflag:s8] =	ssyncset.s32 @!p0 $0xFFFFF086;
	s6 =	sadd.s32 @!p0 s3, s7;
	s7 =	simm.s32 @!p0 $0x108  }
0x21: {  	s3 =	sadd.s32 s3, s9;
	s6 =	sadd.s32 @!p0 $0x88, s6;
	s7 =	simm.s32 @p2 $0x1082  }
0x22: {  	[simem:s7], [sflag:s8] =	dma.local @!p0 [hbm:s6], $0xF7A  }
0x23: {  	s9 =	sor.u32 $0xD0000000, s2;
	s6 =	simm.s32 $0x108;
	_ =	swait.ge @!p0 [sflag:s8], $0x0  }
0x24: {  	s3 =	sadd.s32 $0x88, s3;
	s6 =	simm.s32 @!p1 $0x1082;
	[sflag:s4] =	ssyncset.s32 $0xFFFFF086  }
0x25: {  	[simem:s6], [sflag:s4] =	dma.local [hbm:s3], $0xF7A  }
0x26: {  	[smem:$0x3F9D] =	sst s1;
	(tag) =	ssettag s2;
	_ =	strace s9  }
0x27: {  	s1 =	sld [smem:$0x3FAD]  }
0x28: {  	s2 =	sld [smem:$0x3FAE]  }
0x29: {  	s4 =	sld [smem:$0x3FB0]  }
0x2a: {  	p0 =	seq.s32 s5, $0x0;
	s5 =	sld [smem:$0x3FB1]  }
0x2b: {  	s6 =	sld [smem:$0x3FB2]  }
0x2c: {  	s7 =	sld [smem:$0x3FB3]  }
0x2d: {  	s3 =	simm.s32 $0x108;
	s8 =	sld [smem:$0x3FB4]  }
0x2e: {  	s3 =	simm.s32 @!p0 $0x1082;
	s9 =	sld [smem:$0x3FB5]  }
0x2f: {  	lr =	sadd.s32 s0, s3;
	s0 =	sld [smem:$0x3FAC]  }
0x30: {  	s3 =	sld [smem:$0x3FAF]  }
0x31: {  	[smem:$0x3FB8] =	sst s10  }
0x32: {  	s10 =	sld [smem:$0x3FB6];
	_ =	sdelay $0x3  }
0x33: {  	p0 =	seq.s32 s10, $0x1;
	s10 =	sld [smem:$0x3FB8];
	_ =	sdelay $0x3  }
0x34: {  	[smem:$0x3FB8] =	sst s10  }
0x35: {  	s10 =	sld [smem:$0x3FB7];
	_ =	sdelay $0x3  }
0x36: {  	p1 =	seq.s32 s10, $0x1;
	s10 =	sld [smem:$0x3FB8];
	_ =	sdelay $0x3  }
0x37: {  	[smem:$0x3FB8] =	sst s10  }
0x38: {  	s10 =	sld [smem:$0x3FB9]  }
0x39: {  	_ = 	snop;
	(pc) =	sbr.ind lr, $3  }
0x3a: {  	_ = 	snop  }
0x3b: {  	_ = 	snop  }
0x3c: {  	p2 =	seq.s32 s10, $0x1;
	s10 =	sld [smem:$0x3FB8]  }
0x3d: {  	_ =	shalt  }
0x3e: {  	_ =	shalt  }
0x3f: {  	_ =	shalt  }
0x40: {  	_ =	shalt  }
0x41: {  	_ =	shalt  }
0x42: {  	_ =	shalt  }
0x43: {  	_ =	shalt  }
0x44: {  	_ =	shalt  }
0x45: {  	_ =	shalt  }
0x46: {  	_ =	shalt  }
0x47: {  	_ =	shalt  }
0x48: {  	_ =	shalt  }
0x49: {  	_ =	shalt  }
0x4a: {  	_ =	shalt  }
0x4b: {  	_ =	shalt  }
0x4c: {  	_ =	shalt  }
0x4d: {  	_ =	shalt  }
0x4e: {  	_ =	shalt  }
0x4f: {  	_ =	shalt  }
0x50: {  	_ =	shalt  }
0x51: {  	_ =	shalt  }
0x52: {  	_ =	shalt  }
0x53: {  	_ =	shalt  }
0x54: {  	_ =	shalt  }
0x55: {  	_ =	shalt  }
0x56: {  	_ =	shalt  }
0x57: {  	_ =	shalt  }
0x58: {  	_ =	shalt  }
0x59: {  	_ =	shalt  }
0x5a: {  	_ =	shalt  }
0x5b: {  	_ =	shalt  }
0x5c: {  	_ =	shalt  }
0x5d: {  	_ =	shalt  }
0x5e: {  	_ =	shalt  }
0x5f: {  	_ =	shalt  }
0x60: {  	_ =	shalt  }
0x61: {  	_ =	shalt  }
0x62: {  	_ =	shalt  }
0x63: {  	_ =	shalt  }
0x64: {  	_ =	shalt  }
0x65: {  	_ =	shalt  }
0x66: {  	_ =	shalt  }
0x67: {  	_ =	shalt  }
0x68: {  	_ =	shalt  }
0x69: {  	_ =	shalt  }
0x6a: {  	_ =	shalt  }
0x6b: {  	_ =	shalt  }
0x6c: {  	_ =	shalt  }
0x6d: {  	_ =	shalt  }
0x6e: {  	_ =	shalt  }
0x6f: {  	_ =	shalt  }
0x70: {  	_ =	shalt  }
0x71: {  	_ =	shalt  }
0x72: {  	_ =	shalt  }
0x73: {  	_ =	shalt  }
0x74: {  	_ =	shalt  }
0x75: {  	_ =	shalt  }
0x76: {  	_ =	shalt  }
0x77: {  	_ =	shalt  }
0x78: {  	_ =	shalt  }
0x79: {  	_ =	shalt  }
0x7a: {  	_ =	shalt  }
0x7b: {  	_ =	shalt  }
0x7c: {  	_ =	shalt  }
0x7d: {  	_ =	shalt  }
0x7e: {  	_ =	shalt  }
0x7f: {  	_ =	shalt  }
0x80: {  	_ =	shalt  }
0x81: {  	_ =	shalt  }
0x82: {  	_ =	shalt  }
0x83: {  	_ =	shalt  }
0x84: {  	_ =	shalt  }
0x85: {  	_ =	shalt  }
0x86: {  	_ =	shalt  }
0x87: {  	_ =	shalt  }
.Lfunc_end0:
.L_simem_size_0:
called_computation_lowered:
.L_overlay_start_0:
0x88: {  	s2 =	sld [smem:$0x3FD9]  }
0x89: {  	s3 =	sld [smem:$0x3FFE];
	_ =	sdelay $0x1  }
0x8a: {  	s1 =	srdreg.scid  }
0x8b: {  	s0 =	sand.u32 $0x1, s1  }
0x8c: {  	s17 =	sshll.u32 s0, $0xA;
	s2 =	sadd.s32 s3, s2  }
0x8d: {  	s2 =	sadd.s32 s2, s17  }
0x8e: {  	[smem:$0x3FC4] =	sst s2  }
0x8f: {  	_ = 	snop  }
0x90: {  	s2 =	sld [smem:$0x3FC9]  }
0x91: {  	s18 =	sld [smem:$0x3FC8]  }
0x92: {  	s4 =	sld [smem:$0x3FD0];
	(tm) =	ssettm $0x1  }
0x93: {  	s5 =	sld [smem:$0x3FFB];
	_ =	sdelay $0x3  }
0x94: {  	_ =	strace s5  }
0x95: {  	s5 =	sld [smem:$0x3FFC];
	_ =	sdelay $0x3  }
0x96: {  	_ =	strace s5  }
0x97: {  	s5 =	sld [smem:$0x3FFD];
	_ =	sdelay $0x3  }
0x98: {  	_ =	strace s5  }
0x99: {  	_ =	strace $0x8FFFFFFF  }
0x9a: {  	s19 =	sld [smem:$0x3FDB];
	_ =	sdelay $0x1  }
0x9b: {  	s6 =	simm.s32 $_scs_section_size  }
0x9c: {  	s7 =	simm.s32 $_size__tile_overlayer_lowered;
	s8 =	simm.s32 $_tile_overlayer_lowered  }
0x9d: {  	s22 =	simm.s32 $0x1BFF;
	s21 =	sshll.u32 s8, $0x1;
	s5 =	sadd.s32 s6, s19  }
0x9e: {  	s9 =	simm.s32 $0x0;
	s20 =	sshll.u32 s7, $0x1;
	s7 =	sadd.s32 s21, s5  }
0x9f: {  	[timem:s9], [sflag:s22] =	dma.local [hbm:s7], s20  }
0xa0: {  	_ =	swait.ge [sflag:s22], s20  }
0xa1: {  	s6 =	ssub.s32 $0x0, s20;
	[sflag:s22] =	ssyncset.done $0x0  }
0xa2: {  	[sflag:s22] =	ssyncadd.s32 s6;
	_ =	sdelay $0x1  }
0xa3: {  	s23 =	simm.s32 $0x1B8B  }
0xa4: {  	_ =	swait.ge [sflag:s23], $0x1  }
0xa5: {  	[sflag:s23] =	ssyncset.done $0x0  }
0xa6: {  	s25 =	simm.s32 $0x1B8E;
	s24 =	sld [smem:$0x3FFE];
	[sflag:s23] =	ssyncadd.s32 $0xFFFFFFFF  }
0xa7: {  	s26 =	simm.s32 $execute0_lowered;
	[smem:$0x3FD2] =	sst s25  }
0xa8: {  	s7 =	sshll.u32 s26, $0x1;
	_ =	strace $0x80000046;
	[dreg:$0x1] =	wrdreg $0xFFFFFFFF  }
0xa9: {  	s28 =	simm.s32 $_size_execute0_lowered;
	s5 =	sadd.s32 s5, s7;
	[dreg:$0x0] =	wrdreg $0x0  }
0xaa: {  	s7 =	sshll.u32 s28, $0x1;
	[dreg:$0x2] =	wrdreg s5  }
0xab: {  	[dreg:$0x3] =	wrdreg s7  }
0xac: {  	[dreg:$0x4] =	wrdreg $0xC0  }
0xad: {  	_ =	task [dreg:s9], $0x5FFFF  }
0xae: {  	[dreg:$0x1] =	wrdreg $0xFFFFFFFF  }
0xaf: {  	[dreg:$0x0] =	wrdreg $0x60  }
0xb0: {  	[dreg:$0x2] =	wrdreg s2  }
0xb1: {  	[dreg:$0x3] =	wrdreg s18  }
0xb2: {  	[dreg:$0x4] =	wrdreg s24  }
0xb3: {  	[dreg:$0x5] =	wrdreg s4  }
0xb4: {  	[dreg:$0x6] =	wrdreg $0x9  }
0xb5: {  	_ =	task.clear_ibuf [dreg:s9], $0x7FFFF;
	_ =	strace $0x90000046  }
0xb6: {  	s29 =	simm.s32 $0x9;
	_ =	strace $0x80000048  }
0xb7: {  	_ =	swait.ge [sflag:s29], $0x1  }
0xb8: {  	[sflag:s29] =	ssyncadd.s32 $0xFFFFFFFF  }
0xb9: {  	_ =	strace $0x90000048  }
0xba: {  	_ =	sfence  }
0xbb: {  	s30 =	sld [smem:$0x0];
	_ =	sdelay $0x2  }
0xbc: {  	s31 =	sshll.u32 s1, $0xD;
	s1 =	sshrl.u32 s1, $0x2  }
0xbd: {  	s3 =	sand.u32 $0x4000, s31;
	s1 =	sadd.s32 s1, s30  }
0xbe: {  	s0 =	sor.u32 s3, s0;
	s1 =	sshll.u32 s1, $0x11  }
0xbf: {  	s0 =	sor.u32 s1, s0  }
0xc0: {  	s0 =	sadd.s32 $0x8F2B, s0  }
0xc1: {  	[sflag:s0] =	ssyncadd.remote.s32 $0x1  }
0xc2: {  	_ =	sfence.sel $0xFFFF  }
0xc3: {  	[dreg:$0x0] =	wrdreg $0xFFFFFFFF;
	(pc) =	sbr.abs _section_cstart, $3  }
0xc4: {  	[dreg:$0x1] =	wrdreg $0xFFFFFFFF  }
0xc5: {  	_ =	task.clear_ibuf [dreg:s9], $0x2FFFF;
	_ =	strace $0x9FFFFFFF  }
0xc6: {  	(tm) =	ssettm $0x7FFFFFFF  }
0xc7: {  	_ =	shalt  }
tec
execute0_lowered:
.L_overlay_start_1:
0x0: {  	(tag) =	ssettag $0x1  }
0x1: {  	s0 =	rddreg [dreg:$0x0];
	v0 =	vimm.s32 $0xFEDCBA98;
	v1 =	vimm.s32 $0x76543210  }
0x2: {  	s2 =	rddreg [dreg:$0x1];
	v2 =	vimm.s32 $0x3210FEDC;
	v3 =	vimm.s32 $0xBA987654;
	v4 =	vimm.s32 $0x10FEDCBA  }
0x3: {  	s4 =	rddreg [dreg:$0x2];
	v5 =	vimm.s32 $0x98765432;
	v6 =	vimm.s32 $0xFEDCBA9;
	v7 =	vimm.s32 $0x87654321  }
0x4: {  	s7 =	rddreg [dreg:$0x3];
	s1 =	simm.s32 $0x0;
	s5 =	srdreg.scid;
	vm0 =	vmmov $0x1;
	vm1 =	vmmov $0x3;
	vm2 =	vmmov $0x7  }
0x5: {  	s8 =	stileid.u32;
	s29 =	simm.s32 $0x880;
	s30 =	simm.s32 $0x1880;
	vm3 =	vmmov $0xf;
	vm4 =	vmmov $0x1f;
	vm5 =	vmmov $0x3f  }
0x6: {  	s31 =	simm.s32 $0x900;
	s10 =	simm.s32 $0x1980;
	s11 =	simm.s32 $0xA00;
	vm6 =	vmmov $0x7f;
	vm7 =	vmmov $0xff;
	vm8 =	vmmov $0x1ff  }
0x7: {  	s12 =	simm.s32 $0x1A00;
	s13 =	simm.s32 $0xA80;
	s14 =	simm.s32 $0x1A80;
	vm9 =	vmmov $0x3ff;
	vm10 =	vmmov $0x7ff;
	vm11 =	vmmov $0xfff  }
0x8: {  	s15 =	simm.s32 $0xB00;
	s16 =	simm.s32 $0x1B00;
	s17 =	simm.s32 $0xB80;
	v0 =	vunpack.c.l.s4.s8 v0;
	v1 =	vunpack.c.l.s4.s8 v1;
	v2 =	vunpack.c.l.s4.s8 v2  }
0x9: {  	s18 =	simm.s32 $0x1B80;
	s19 =	simm.s32 $0x1;
	s20 =	simm.s32 $0x2;
	v3 =	vunpack.c.l.s4.s8 v3;
	v4 =	vunpack.c.l.s4.s8 v4;
	v5 =	vunpack.c.l.s4.s8 v5  }
0xa: {  	s21 =	simm.s32 $0x2400;
	s22 =	simm.s32 $0x0;
	[smem:$0x7FF] =	sst s1;
	v6 =	vunpack.c.l.s4.s8 v6;
	v7 =	vunpack.c.l.s4.s8 v7;
	v0 =	vunpack.c.0.s8.s32 v0  }
0xb: {  	s3 =	sadd.s32 $0x400, s4;
	s5 =	sand.u32 $0x1, s5;
	s8 =	sshll.u32 s8, $0x7;
	v2 =	vunpack.c.0.s8.s32 v2;
	v3 =	vunpack.c.0.s8.s32 v3;
	v4 =	vunpack.c.0.s8.s32 v4  }
.Ltmp0:
0xc: {  	s6 =	ssub.s32 $0x2, s5;
	s5 =	sshll.u32 s5, $0x6;
	v5 =	vunpack.c.0.s8.s32 v5;
	v6 =	vunpack.c.0.s8.s32 v6;
	v7 =	vunpack.c.0.s8.s32 v7;
	(pc) =	sbr.rel .LBB2_1-.Ltmp0, $4  }
0xd: {  	vm12 =	vmmov $0x1fff;
	s4 =	sadd.s32 $0xF42800, s4;
	s9 =	sshrl.u32 s6, $0x1;
	s8 =	sor.u32 s5, s8;
	v1 =	vunpack.c.0.s8.s32 v1;
	v2 =	vcombine.low v3, v2  }
0xe: {  	_ =	strace $0x80000047;
	s9 =	ssub.s32 s6, s9;
	s5 =	sadd.s32 s0, s8;
	v3 =	vcombine.low v5, v4;
	v4 =	vcombine.low v7, v6;
	v0 =	vand.u32 $0xF, v0  }
0xf: {  	vm13 =	vmmov $0x3fff;
	vm14 =	vmmov $0x7fff;
	s6 =	sadd.s32 s2, s8;
	s7 =	sadd.s32 s7, s8;
	s0 =	simm.s32 $0x1900;
	v0 =	vcombine.low v0, v1  }
0x10: {  	s2 =	simm.s32 $0x980;
	s8 =	smax.u32 s9, $0x1;
	s9 =	simm.s32 $0x3;
	v1 =	vand.u32 $0xF, v2;
	v2 =	vand.u32 $0xF, v3;
	v3 =	vand.u32 $0xF, v4  }
.LBB2_5:
0x11: {  	s22 =	sadd.s32 $0x1, s22  }
0x12: {  	p0 =	sne.s32 s22, s8  }
.Ltmp1:
0x13: {  	_ = 	snop;
	(pc) =	sbr.rel @!p0 .LBB2_6-.Ltmp1, $4  }
0x14: {  	[hbm4b:s7+s1] =	stream.linear.scatter [tilespmem:s21], [sflag:$0x3], $0x200, $0x38;
	[tilespmem:$0x2600] =	vst v63  }
0x15: {  	_ =	swait.ge [sflag:s9], $0x200  }
0x16: {  	[sflag:s9] =	ssyncset.done $0x0  }
0x17: {  	[sflag:s9] =	ssyncadd.s32 $0xFFFFFE00  }
.LBB2_1:
0x18: {  	[tilespmem:s1], [sflag:$0x3] =	stream.linear.gather [hbm4b:s5+s1], $0x200, $0x38;
	[tilespmem:$0x2600] =	vst v63  }
0x19: {  	_ =	swait.ge [sflag:s9], $0x200  }
0x1a: {  	[sflag:s9] =	ssyncset.done $0x0  }
0x1b: {  	s23 =	simm.s32 $0x200;
	[sflag:s9] =	ssyncadd.s32 $0xFFFFFE00  }
0x1c: {  	[tilespmem:s23], [sflag:$0x3] =	stream.linear.gather [hbm4b:s6+s1], $0x200, $0x38;
	[tilespmem:$0x2600] =	vst v63  }
0x1d: {  	_ =	swait.ge [sflag:s9], $0x200  }
0x1e: {  	[sflag:s9] =	ssyncset.done $0x0  }
0x1f: {  	[sflag:s9] =	ssyncadd.s32 $0xFFFFFE00  }
0x20: {  	v4 =	vld [tilespmem:$0x0];
	_ =	sdelay $0x3  }
0x21: {  	v6 =	vld [tilespmem:$0x200]  }
0x22: {  	v5 =	vshll.u32 v4, $0x4  }
0x23: {  	(v2sf) =	vpush v5, $0x0;
	_ =	sdelay $0x2  }
0x24: {  	v4 =	vshll.u32 v6, $0x4  }
0x25: {  	(v2sf) =	vpush v4, $0x0;
	_ =	sdelay $0x1  }
0x26: {  	(v2sf) =	vpush v5, $0x1;
	_ =	sdelay $0x3  }
0x27: {  	(v2sf) =	vpush v4, $0x1;
	_ =	sdelay $0x4  }
0x28: {  	s28 =	spop (v2sf);
	(v2sf) =	vpush v5, $0x2  }
0x29: {  	s23 =	sand.u32 $0x1FFFFFF0, s28  }
0x2a: {  	s24 =	simm.s32 $0x400;
	s23 =	sadd.s32 s3, s23  }
0x2b: {  	[tilespmem:s24], [sflag:$0x1] =	stream.linear.gather [hbm4b:s23+s1], $0x80, $0x38;
	[tilespmem:$0x2600] =	vst v63  }
0x2c: {  	s24 =	spop (v2sf);
	(v2sf) =	vpush v4, $0x2;
	_ =	sdelay $0x1  }
0x2d: {  	s26 =	spop (v2sf);
	(v2sf) =	vpush v5, $0x3;
	_ =	sdelay $0x3  }
0x2e: {  	s23 =	sand.u32 $0x1FFFFFF0, s24;
	s24 =	spop (v2sf);
	(v2sf) =	vpush v4, $0x3;
	_ =	sdelay $0x2  }
0x2f: {  	s25 =	simm.s32 $0x1400;
	s23 =	sadd.s32 s4, s23  }
0x30: {  	[tilespmem:s25], [sflag:$0x2] =	stream.linear.gather [hbm4b:s23+s1], $0x80, $0x38;
	[tilespmem:$0x2600] =	vst v63  }
0x31: {  	s23 =	sand.u32 $0x1FFFFFF0, s26;
	s26 =	spop (v2sf);
	(v2sf) =	vpush v5, $0x4  }
0x32: {  	s28 =	simm.s32 $0x480;
	s23 =	sadd.s32 s3, s23  }
0x33: {  	[tilespmem:s28], [sflag:$0x1] =	stream.linear.gather [hbm4b:s23+s1], $0x80, $0x38;
	[tilespmem:$0x2600] =	vst v63  }
0x34: {  	s23 =	sand.u32 $0x1FFFFFF0, s24  }
0x35: {  	s25 =	simm.s32 $0x1480;
	s23 =	sadd.s32 s4, s23;
	s24 =	spop (v2sf);
	(v2sf) =	vpush v4, $0x4  }
0x36: {  	[tilespmem:s25], [sflag:$0x2] =	stream.linear.gather [hbm4b:s23+s1], $0x80, $0x38;
	[tilespmem:$0x2600] =	vst v63  }
0x37: {  	s23 =	sand.u32 $0x1FFFFFF0, s26;
	s26 =	spop (v2sf);
	(v2sf) =	vpush v5, $0x5;
	_ =	sdelay $0x1  }
0x38: {  	s28 =	simm.s32 $0x500;
	s23 =	sadd.s32 s3, s23  }
0x39: {  	[tilespmem:s28], [sflag:$0x1] =	stream.linear.gather [hbm4b:s23+s1], $0x80, $0x38;
	[tilespmem:$0x2600] =	vst v63  }
0x3a: {  	s23 =	sand.u32 $0x1FFFFFF0, s24;
	s24 =	spop (v2sf);
	(v2sf) =	vpush v4, $0x5;
	_ =	sdelay $0x2  }
0x3b: {  	s25 =	simm.s32 $0x1500;
	s23 =	sadd.s32 s4, s23  }
0x3c: {  	[tilespmem:s25], [sflag:$0x2] =	stream.linear.gather [hbm4b:s23+s1], $0x80, $0x38;
	[tilespmem:$0x2600] =	vst v63  }
0x3d: {  	s23 =	sand.u32 $0x1FFFFFF0, s26;
	s26 =	spop (v2sf);
	(v2sf) =	vpush v5, $0x6  }
0x3e: {  	s28 =	simm.s32 $0x580;
	s23 =	sadd.s32 s3, s23  }
0x3f: {  	[tilespmem:s28], [sflag:$0x1] =	stream.linear.gather [hbm4b:s23+s1], $0x80, $0x38;
	[tilespmem:$0x2600] =	vst v63  }
0x40: {  	s23 =	sand.u32 $0x1FFFFFF0, s24  }
0x41: {  	s25 =	simm.s32 $0x1580;
	s23 =	sadd.s32 s4, s23;
	s24 =	spop (v2sf);
	(v2sf) =	vpush v4, $0x6  }
0x42: {  	[tilespmem:s25], [sflag:$0x2] =	stream.linear.gather [hbm4b:s23+s1], $0x80, $0x38;
	[tilespmem:$0x2600] =	vst v63  }
0x43: {  	s23 =	sand.u32 $0x1FFFFFF0, s26;
	s26 =	spop (v2sf);
	(v2sf) =	vpush v5, $0x7;
	_ =	sdelay $0x1  }
0x44: {  	s28 =	simm.s32 $0x600;
	s23 =	sadd.s32 s3, s23  }
0x45: {  	[tilespmem:s28], [sflag:$0x1] =	stream.linear.gather [hbm4b:s23+s1], $0x80, $0x38;
	[tilespmem:$0x2600] =	vst v63  }
0x46: {  	s23 =	sand.u32 $0x1FFFFFF0, s24;
	s24 =	spop (v2sf);
	(v2sf) =	vpush v4, $0x7;
	_ =	sdelay $0x2  }
0x47: {  	s25 =	simm.s32 $0x1600;
	s23 =	sadd.s32 s4, s23  }
0x48: {  	[tilespmem:s25], [sflag:$0x2] =	stream.linear.gather [hbm4b:s23+s1], $0x80, $0x38;
	[tilespmem:$0x2600] =	vst v63  }
0x49: {  	s23 =	sand.u32 $0x1FFFFFF0, s26;
	s26 =	spop (v2sf);
	(v2sf) =	vpush v5, $0x8  }
0x4a: {  	s28 =	simm.s32 $0x680;
	s23 =	sadd.s32 s3, s23  }
0x4b: {  	[tilespmem:s28], [sflag:$0x1] =	stream.linear.gather [hbm4b:s23+s1], $0x80, $0x38;
	[tilespmem:$0x2600] =	vst v63  }
0x4c: {  	s23 =	sand.u32 $0x1FFFFFF0, s24  }
0x4d: {  	s25 =	simm.s32 $0x1680;
	s23 =	sadd.s32 s4, s23;
	s24 =	spop (v2sf);
	(v2sf) =	vpush v4, $0x8  }
0x4e: {  	[tilespmem:s25], [sflag:$0x2] =	stream.linear.gather [hbm4b:s23+s1], $0x80, $0x38;
	[tilespmem:$0x2600] =	vst v63  }
0x4f: {  	s23 =	sand.u32 $0x1FFFFFF0, s26;
	s26 =	spop (v2sf);
	(v2sf) =	vpush v5, $0x9  }
0x50: {  	s28 =	simm.s32 $0x700;
	s23 =	sadd.s32 s3, s23  }
0x51: {  	[tilespmem:s28], [sflag:$0x1] =	stream.linear.gather [hbm4b:s23+s1], $0x80, $0x38;
	[tilespmem:$0x2600] =	vst v63  }
0x52: {  	s23 =	sand.u32 $0x1FFFFFF0, s24  }
0x53: {  	s25 =	simm.s32 $0x1700;
	s23 =	sadd.s32 s4, s23;
	s24 =	spop (v2sf);
	(v2sf) =	vpush v4, $0x9  }
0x54: {  	[tilespmem:s25], [sflag:$0x2] =	stream.linear.gather [hbm4b:s23+s1], $0x80, $0x38;
	[tilespmem:$0x2600] =	vst v63  }
0x55: {  	s23 =	sand.u32 $0x1FFFFFF0, s26  }
0x56: {  	s28 =	simm.s32 $0x780;
	s23 =	sadd.s32 s3, s23  }
0x57: {  	[tilespmem:s28], [sflag:$0x1] =	stream.linear.gather [hbm4b:s23+s1], $0x80, $0x38;
	[tilespmem:$0x2600] =	vst v63  }
0x58: {  	s26 =	spop (v2sf);
	(v2sf) =	vpush v5, $0xA  }
0x59: {  	s23 =	sand.u32 $0x1FFFFFF0, s24  }
0x5a: {  	s25 =	simm.s32 $0x1780;
	s23 =	sadd.s32 s4, s23  }
0x5b: {  	[tilespmem:s25], [sflag:$0x2] =	stream.linear.gather [hbm4b:s23+s1], $0x80, $0x38;
	[tilespmem:$0x2600] =	vst v63  }
0x5c: {  	s25 =	spop (v2sf);
	(v2sf) =	vpush v4, $0xA;
	_ =	sdelay $0x1  }
0x5d: {  	s23 =	sand.u32 $0x1FFFFFF0, s26;
	s26 =	spop (v2sf);
	(v2sf) =	vpush v5, $0xB;
	_ =	sdelay $0x1  }
0x5e: {  	s28 =	sadd.s32 s3, s23;
	s23 =	simm.s32 $0x800  }
0x5f: {  	[tilespmem:s23], [sflag:$0x1] =	stream.linear.gather [hbm4b:s28+s1], $0x80, $0x38;
	[tilespmem:$0x2600] =	vst v63  }
0x60: {  	s28 =	spop (v2sf);
	(v2sf) =	vpush v4, $0xB;
	_ =	sdelay $0x1  }
0x61: {  	s24 =	sand.u32 $0x1FFFFFF0, s25  }
0x62: {  	s25 =	simm.s32 $0x1800;
	s24 =	sadd.s32 s4, s24  }
0x63: {  	[tilespmem:s25], [sflag:$0x2] =	stream.linear.gather [hbm4b:s24+s1], $0x80, $0x38;
	[tilespmem:$0x2600] =	vst v63  }
0x64: {  	s24 =	sand.u32 $0x1FFFFFF0, s26;
	s25 =	spop (v2sf);
	(v2sf) =	vpush v5, $0xC  }
0x65: {  	s24 =	sadd.s32 s3, s24  }
0x66: {  	[tilespmem:s29], [sflag:$0x1] =	stream.linear.gather [hbm4b:s24+s1], $0x80, $0x38;
	[tilespmem:$0x2600] =	vst v63  }
0x67: {  	s24 =	sand.u32 $0x1FFFFFF0, s28  }
0x68: {  	s24 =	sadd.s32 s4, s24;
	s26 =	spop (v2sf);
	(v2sf) =	vpush v4, $0xC  }
0x69: {  	[tilespmem:s30], [sflag:$0x2] =	stream.linear.gather [hbm4b:s24+s1], $0x80, $0x38;
	[tilespmem:$0x2600] =	vst v63  }
0x6a: {  	s24 =	sand.u32 $0x1FFFFFF0, s25;
	s28 =	spop (v2sf);
	(v2sf) =	vpush v5, $0xD  }
0x6b: {  	s24 =	sadd.s32 s3, s24  }
0x6c: {  	[tilespmem:s31], [sflag:$0x1] =	stream.linear.gather [hbm4b:s24+s1], $0x80, $0x38;
	[tilespmem:$0x2600] =	vst v63  }
0x6d: {  	s24 =	sand.u32 $0x1FFFFFF0, s26  }
0x6e: {  	s24 =	sadd.s32 s4, s24;
	s25 =	spop (v2sf);
	(v2sf) =	vpush v4, $0xD  }
0x6f: {  	[tilespmem:s0], [sflag:$0x2] =	stream.linear.gather [hbm4b:s24+s1], $0x80, $0x38;
	[tilespmem:$0x2600] =	vst v63  }
0x70: {  	s24 =	sand.u32 $0x1FFFFFF0, s28  }
0x71: {  	s24 =	sadd.s32 s3, s24  }
0x72: {  	[tilespmem:s2], [sflag:$0x1] =	stream.linear.gather [hbm4b:s24+s1], $0x80, $0x38;
	[tilespmem:$0x2600] =	vst v63  }
0x73: {  	s24 =	sand.u32 $0x1FFFFFF0, s25;
	s26 =	spop (v2sf);
	(v2sf) =	vpush v5, $0xE  }
0x74: {  	s24 =	sadd.s32 s4, s24  }
0x75: {  	[tilespmem:s10], [sflag:$0x2] =	stream.linear.gather [hbm4b:s24+s1], $0x80, $0x38;
	[tilespmem:$0x2600] =	vst v63  }
0x76: {  	s24 =	sand.u32 $0x1FFFFFF0, s26  }
0x77: {  	s24 =	sadd.s32 s3, s24;
	s28 =	spop (v2sf);
	(v2sf) =	vpush v4, $0xE  }
0x78: {  	[tilespmem:s11], [sflag:$0x1] =	stream.linear.gather [hbm4b:s24+s1], $0x80, $0x38;
	[tilespmem:$0x2600] =	vst v63  }
0x79: {  	s24 =	sand.u32 $0x1FFFFFF0, s28;
	s25 =	spop (v2sf);
	(v2sf) =	vpush v5, $0xF  }
0x7a: {  	s24 =	sadd.s32 s4, s24  }
0x7b: {  	[tilespmem:s12], [sflag:$0x2] =	stream.linear.gather [hbm4b:s24+s1], $0x80, $0x38;
	[tilespmem:$0x2600] =	vst v63  }
0x7c: {  	s24 =	sand.u32 $0x1FFFFFF0, s25  }
0x7d: {  	s26 =	spop (v2sf);
	s24 =	sadd.s32 s3, s24  }
0x7e: {  	(v2sf) =	vpush v4, $0xF;
	[tilespmem:s13], [sflag:$0x1] =	stream.linear.gather [hbm4b:s24+s1], $0x80, $0x38;
	[tilespmem:$0x2600] =	vst v63  }
0x7f: {  	s24 =	sand.u32 $0x1FFFFFF0, s26  }
0x80: {  	s24 =	sadd.s32 s4, s24  }
0x81: {  	[tilespmem:s14], [sflag:$0x2] =	stream.linear.gather [hbm4b:s24+s1], $0x80, $0x38;
	[tilespmem:$0x2600] =	vst v63  }
0x82: {  	s28 =	spop (v2sf)  }
0x83: {  	s24 =	sand.u32 $0x1FFFFFF0, s28  }
0x84: {  	s24 =	sadd.s32 s3, s24  }
0x85: {  	[tilespmem:s15], [sflag:$0x1] =	stream.linear.gather [hbm4b:s24+s1], $0x80, $0x38;
	[tilespmem:$0x2600] =	vst v63  }
0x86: {  	s25 =	spop (v2sf)  }
0x87: {  	s24 =	sand.u32 $0x1FFFFFF0, s25  }
0x88: {  	s26 =	spop (v2sf);
	s24 =	sadd.s32 s4, s24  }
0x89: {  	[tilespmem:s16], [sflag:$0x2] =	stream.linear.gather [hbm4b:s24+s1], $0x80, $0x38;
	[tilespmem:$0x2600] =	vst v63  }
0x8a: {  	s24 =	sand.u32 $0x1FFFFFF0, s26  }
0x8b: {  	s24 =	sadd.s32 s3, s24  }
0x8c: {  	[tilespmem:s17], [sflag:$0x1] =	stream.linear.gather [hbm4b:s24+s1], $0x80, $0x38;
	[tilespmem:$0x2600] =	vst v63  }
.Ltmp2:
0x8d: {  	s28 =	spop (v2sf);
	(pc) =	sbr.rel .LBB2_2-.Ltmp2, $4  }
0x8e: {  	s24 =	sand.u32 $0x1FFFFFF0, s28  }
0x8f: {  	s24 =	sadd.s32 s4, s24  }
0x90: {  	[tilespmem:s18], [sflag:$0x2] =	stream.linear.gather [hbm4b:s24+s1], $0x80, $0x38;
	[tilespmem:$0x2600] =	vst v63  }
0x91: {  	s24 =	simm.s32 $0x0  }
.LBB2_4:
0x92: {  	s25 =	sadd.s32 $0xFFFFF800, s23  }
0x93: {  	s25 =	sand.u32 $0x800, s25  }
0x94: {  	v4 =	vld [tilespmem:s25+$0x400]  }
0x95: {  	v5 =	vld [tilespmem:s25+$0x1400]  }
0x96: {  	v6 =	vld [tilespmem:s25+$0x410]  }
0x97: {  	v7 =	vld [tilespmem:s25+$0x1410]  }
0x98: {  	v8 =	vld [tilespmem:s25+$0x420]  }
0x99: {  	v9 =	vld [tilespmem:s25+$0x1420]  }
0x9a: {  	v10 =	vld [tilespmem:s25+$0x430]  }
0x9b: {  	v13 =	vld [tilespmem:s25+$0x1430]  }
0x9c: {  	v14 =	vld [tilespmem:s25+$0x480]  }
0x9d: {  	v15 =	vld [tilespmem:s25+$0x1480]  }
0x9e: {  	v16 =	vld [tilespmem:s25+$0x490]  }
0x9f: {  	v17 =	vld [tilespmem:s25+$0x1490]  }
0xa0: {  	v18 =	vld [tilespmem:s25+$0x4A0]  }
0xa1: {  	v19 =	vld [tilespmem:s25+$0x14A0]  }
0xa2: {  	v20 =	vld [tilespmem:s25+$0x4B0]  }
0xa3: {  	v21 =	vld [tilespmem:s25+$0x14B0]  }
0xa4: {  	v22 =	vld [tilespmem:s25+$0x500]  }
0xa5: {  	v23 =	vld [tilespmem:s25+$0x1500]  }
0xa6: {  	v24 =	vld [tilespmem:s25+$0x510]  }
0xa7: {  	v25 =	vld [tilespmem:s25+$0x1510]  }
0xa8: {  	v26 =	vld [tilespmem:s25+$0x520]  }
0xa9: {  	v27 =	vld [tilespmem:s25+$0x1520]  }
0xaa: {  	v28 =	vld [tilespmem:s25+$0x530]  }
0xab: {  	v29 =	vld [tilespmem:s25+$0x1530]  }
0xac: {  	v30 =	vld [tilespmem:s25+$0x580]  }
0xad: {  	v31 =	vld [tilespmem:s25+$0x1580]  }
0xae: {  	v32 =	vld [tilespmem:s25+$0x590]  }
0xaf: {  	v33 =	vld [tilespmem:s25+$0x1590]  }
0xb0: {  	v34 =	vld [tilespmem:s25+$0x5A0]  }
0xb1: {  	v35 =	vld [tilespmem:s25+$0x15A0]  }
0xb2: {  	v36 =	vld [tilespmem:s25+$0x5B0]  }
0xb3: {  	v37 =	vld [tilespmem:s25+$0x15B0]  }
0xb4: {  	v38 =	vld [tilespmem:s25+$0x600]  }
0xb5: {  	v39 =	vld [tilespmem:s25+$0x1600]  }
0xb6: {  	v40 =	vld [tilespmem:s25+$0x610]  }
0xb7: {  	v41 =	vld [tilespmem:s25+$0x1610]  }
0xb8: {  	v42 =	vld [tilespmem:s25+$0x620]  }
0xb9: {  	v43 =	vld [tilespmem:s25+$0x1620]  }
0xba: {  	v44 =	vld [tilespmem:s25+$0x630]  }
0xbb: {  	v45 =	vld [tilespmem:s25+$0x1630]  }
0xbc: {  	v46 =	vld [tilespmem:s25+$0x680]  }
0xbd: {  	v47 =	vld [tilespmem:s25+$0x1680]  }
0xbe: {  	v48 =	vld [tilespmem:s25+$0x690]  }
0xbf: {  	v49 =	vld [tilespmem:s25+$0x1690]  }
0xc0: {  	v50 =	vld [tilespmem:s25+$0x6A0]  }
0xc1: {  	v51 =	vld [tilespmem:s25+$0x16A0]  }
0xc2: {  	v52 =	vld [tilespmem:s25+$0x6B0]  }
0xc3: {  	v53 =	vld [tilespmem:s25+$0x16B0]  }
0xc4: {  	v54 =	vld [tilespmem:s25+$0x700]  }
0xc5: {  	v55 =	vld [tilespmem:s25+$0x1700]  }
0xc6: {  	v56 =	vld [tilespmem:s25+$0x710]  }
0xc7: {  	v57 =	vld [tilespmem:s25+$0x1710]  }
0xc8: {  	v58 =	vld [tilespmem:s25+$0x720]  }
0xc9: {  	v59 =	vld [tilespmem:s25+$0x1720]  }
0xca: {  	v11 =	vld [tilespmem:s25+$0x730]  }
0xcb: {  	v12 =	vld [tilespmem:s25+$0x1730]  }
0xcc: {  	v60 =	vld [tilespmem:s25+$0x780]  }
0xcd: {  	v61 =	vld [tilespmem:s25+$0x1780]  }
0xce: {  	v62 =	vld [tilespmem:s25+$0x790]  }
0xcf: {  	v63 =	vld [tilespmem:s25+$0x1790]  }
0xd0: {  	[tilespmem:$0x1FFF0] =	vst v11;
	v11 =	vld [tilespmem:s25+$0x7A0]  }
0xd1: {  	v4 =	vmul.f32 v5, v4;
	v5 =	vmul.f32 v7, v6;
	v6 =	vld [tilespmem:s25+$0x17A0]  }
0xd2: {  	v7 =	vmul.f32 v15, v14;
	v15 =	vld [tilespmem:s25+$0x7B0]  }
0xd3: {  	v14 =	vmul.f32 v17, v16;
	v16 =	vld [tilespmem:s25+$0x17B0]  }
0xd4: {  	v17 =	vld [tilespmem:s25+$0x800]  }
0xd5: {  	v27 =	vmul.f32 v27, v26;
	v26 =	vld [tilespmem:s25+$0x1880];
	v48 =	vmul.f32 v49, v48  }
0xd6: {  	v49 =	vmul.f32 v43, v42;
	v43 =	vld [tilespmem:s25+$0x980];
	v4 =	vadd.f32 v5, v4;
	v5 =	vmul.f32 v9, v8  }
0xd7: {  	v42 =	vld [tilespmem:s25+$0x9B0];
	v7 =	vadd.f32 v14, v7;
	v14 =	vmul.f32 v19, v18  }
0xd8: {  	v18 =	vld [tilespmem:s25+$0x1800];
	v9 =	vmul.f32 v25, v24;
	v4 =	vadd.f32 v5, v4;
	v5 =	vmul.f32 v13, v10  }
0xd9: {  	v19 =	vld [tilespmem:s25+$0x810];
	v24 =	vmul.f32 v33, v32;
	v7 =	vadd.f32 v14, v7;
	v14 =	vmul.f32 v21, v20  }
0xda: {  	v32 =	vmul.f32 v29, v28;
	v28 =	vld [tilespmem:s25+$0x1890];
	v4 =	vadd.f32 v5, v4;
	v5 =	vmul.f32 v23, v22  }
0xdb: {  	v31 =	vmul.f32 v31, v30;
	v29 =	vld [tilespmem:s25+$0x8A0];
	v7 =	vadd.f32 v14, v7  }
0xdc: {  	v20 =	vld [tilespmem:s25+$0x1810];
	v25 =	vperm.xlane v4, v0;
	v5 =	vadd.f32 v9, v5  }
0xdd: {  	v21 =	vld [tilespmem:s25+$0x820];
	v8 =	vadd.f32 v24, v31;
	v31 =	vmul.f32 v35, v34;
	v30 =	vperm.xlane v7, v0  }
0xde: {  	v33 =	vmul.f32 v37, v36;
	v24 =	vld [tilespmem:s25+$0x1830];
	v4 =	vadd.f32 v4, v25;
	v5 =	vadd.f32 v27, v5  }
0xdf: {  	v6 =	vmul.f32 v6, v11;
	v11 =	vld [tilespmem:s25+$0x19B0];
	v8 =	vadd.f32 v31, v8;
	v7 =	vadd.f32 v7, v30  }
0xe0: {  	v15 =	vmul.f32 v16, v15;
	v16 =	vld [tilespmem:s25+$0xA00];
	v13 =	vperm.xlane v4, v1;
	v5 =	vadd.f32 v32, v5  }
0xe1: {  	v22 =	vld [tilespmem:s25+$0x1820];
	v8 =	vadd.f32 v33, v8;
	v34 =	vperm.xlane v7, v1  }
0xe2: {  	v23 =	vld [tilespmem:s25+$0x830];
	v4 =	vadd.f32 v4, v13;
	v35 =	vperm.xlane v5, v0  }
0xe3: {  	v31 =	vld [tilespmem:s25+$0x8B0];
	v36 =	vperm.xlane v8, v0;
	v7 =	vadd.f32 v7, v34  }
0xe4: {  	v17 =	vmul.f32 v18, v17;
	v18 =	vld [tilespmem:s25+$0x1A10];
	v13 =	vperm.xlane v4, v2;
	v5 =	vadd.f32 v5, v35  }
0xe5: {  	v25 =	vld [tilespmem:s25+$0x880];
	v8 =	vadd.f32 v8, v36;
	v37 =	vperm.xlane v7, v2  }
0xe6: {  	v27 =	vld [tilespmem:s25+$0x890];
	v9 =	vadd.f32 v4, v13;
	v36 =	vperm.xlane v5, v1  }
0xe7: {  	v30 =	vld [tilespmem:s25+$0x18A0];
	v10 =	vadd.f32 v7, v37;
	v37 =	vperm.xlane v8, v1  }
0xe8: {  	v32 =	vld [tilespmem:s25+$0x18B0];
	v33 =	vadd.f32 v5, v36;
	v5 =	vperm.xlane v9, v3  }
0xe9: {  	v34 =	vmul.f32 v39, v38;
	v4 =	vld [tilespmem:s25+$0x900];
	v14 =	vadd.f32 v8, v37;
	v36 =	vmul.f32 v41, v40  }
0xea: {  	v38 =	vmul.f32 v47, v46;
	v7 =	vld [tilespmem:s25+$0x1900];
	v37 =	vadd.f32 v9, v5;
	v9 =	vperm.xlane v33, v2  }
0xeb: {  	v11 =	vmul.f32 v11, v42;
	v39 =	vld [tilespmem:s25+$0x990];
	v47 =	vperm.xlane v14, v2;
	v34 =	vadd.f32 v36, v34  }
0xec: {  	v38 =	vadd.f32 v48, v38;
	v13 =	vld [tilespmem:s25+$0x1910];
	v35 =	vperm.xlane v10, v3;
	v33 =	vadd.f32 v33, v9  }
0xed: {  	v8 =	vld [tilespmem:s25+$0x910];
	v46 =	vadd.f32 v14, v47;
	v34 =	vadd.f32 v49, v34;
	v49 =	vmul.f32 v45, v44  }
0xee: {  	v41 =	vld [tilespmem:s25+$0x1990];
	v35 =	vadd.f32 v10, v35;
	v47 =	vmul.f32 v51, v50;
	v48 =	vperm.xlane v33, v3  }
0xef: {  	v5 =	vld [tilespmem:s25+$0x920];
	v4 =	vmul.f32 v7, v4;
	v50 =	vperm.xlane v46, v3;
	v34 =	vadd.f32 v49, v34  }
0xf0: {  	v9 =	vld [tilespmem:s25+$0x1920];
	v51 =	vmul.f32 v53, v52;
	v38 =	vadd.f32 v47, v38;
	v33 =	vadd.f32 v33, v48  }
0xf1: {  	v10 =	vld [tilespmem:s25+$0x1930];
	v52 =	vadd.f32 v46, v50;
	v53 =	vperm.xlane v34, v0;
	v48 =	vmul.f32 v55, v54  }
0xf2: {  	v36 =	vld [tilespmem:s25+$0x1980];
	v38 =	vadd.f32 v51, v38;
	v50 =	vmul.f32 v57, v56;
	v51 =	vmul.f32 v61, v60  }
0xf3: {  	v14 =	vld [tilespmem:s25+$0x930];
	v54 =	vmul.f32 v59, v58;
	v57 =	vmul.f32 v20, v19  }
0xf4: {  	v35 =	vsel vm0, v37, v35;
	v56 =	vld [tilespmem:$0x1FFF0];
	v58 =	vmul.f32 v26, v25;
	v59 =	vmul.f32 v28, v27  }
0xf5: {  	v19 =	vld [tilespmem:s25+$0x1A00];
	v61 =	vmul.f32 v22, v21;
	v5 =	vmul.f32 v9, v5;
	v33 =	vsel vm1, v35, v33  }
0xf6: {  	v25 =	vld [tilespmem:s25+$0xA20];
	v49 =	vperm.xlane v38, v0;
	v34 =	vadd.f32 v34, v53;
	v53 =	vadd.f32 v50, v48  }
0xf7: {  	v22 =	vld [tilespmem:s25+$0xA30];
	v60 =	vadd.f32 v57, v17;
	v33 =	vsel vm2, v33, v52;
	v52 =	vmul.f32 v63, v62  }
0xf8: {  	v20 =	vadd.f32 v59, v58;
	v17 =	vld [tilespmem:s25+$0x1A30];
	v63 =	vmul.f32 v30, v29;
	v37 =	vadd.f32 v38, v49  }
0xf9: {  	v21 =	vld [tilespmem:s25+$0xA80];
	v55 =	vperm.xlane v34, v1;
	v38 =	vadd.f32 v54, v53;
	v35 =	vadd.f32 v52, v51  }
0xfa: {  	v28 =	vld [tilespmem:s25+$0xAA0];
	v12 =	vmul.f32 v12, v56;
	v20 =	vadd.f32 v63, v20;
	v63 =	vmul.f32 v13, v8  }
0xfb: {  	v29 =	vld [tilespmem:s25+$0x1A90];
	v40 =	vperm.xlane v37, v1;
	v45 =	vadd.f32 v34, v55;
	v6 =	vadd.f32 v6, v35  }
0xfc: {  	v34 =	vld [tilespmem:s25+$0xA90];
	v12 =	vadd.f32 v12, v38;
	v35 =	vmul.f32 v24, v23;
	v38 =	vmul.f32 v32, v31  }
0xfd: {  	v23 =	vld [tilespmem:s25+$0x1A20];
	v4 =	vadd.f32 v63, v4;
	v17 =	vmul.f32 v17, v22;
	v24 =	vadd.f32 v37, v40  }
0xfe: {  	v31 =	vld [tilespmem:s25+$0x1A80];
	v50 =	vperm.xlane v45, v2;
	v6 =	vadd.f32 v15, v6;
	v15 =	vadd.f32 v61, v60  }
0xff: {  	v32 =	vld [tilespmem:s25+$0x1AB0];
	v62 =	vperm.xlane v12, v0;
	v20 =	vadd.f32 v38, v20;
	v4 =	vadd.f32 v5, v4  }
0x100: {  	v37 =	vld [tilespmem:s25+$0x1AA0];
	v5 =	vmul.f32 v10, v14;
	v52 =	vperm.xlane v24, v2;
	v27 =	vadd.f32 v45, v50  }
0x101: {  	v40 =	vld [tilespmem:s25+$0xAB0];
	v30 =	vperm.xlane v6, v0;
	v12 =	vadd.f32 v12, v62;
	v51 =	vperm.xlane v20, v0  }
0x102: {  	v44 =	vld [tilespmem:s25+$0x9A0];
	v4 =	vadd.f32 v5, v4;
	v5 =	vmul.f32 v19, v16;
	v56 =	vperm.xlane v27, v3  }
0x103: {  	v46 =	vld [tilespmem:s25+$0x19A0];
	v15 =	vadd.f32 v35, v15;
	v63 =	vmul.f32 v31, v21;
	v21 =	vmul.f32 v29, v34  }
0x104: {  	v26 =	vld [tilespmem:s25+$0xA10];
	v25 =	vmul.f32 v23, v25;
	v6 =	vadd.f32 v6, v30;
	v47 =	vperm.xlane v12, v1  }
0x105: {  	v8 =	vld [tilespmem:s25+$0xB20];
	v49 =	vperm.xlane v15, v0;
	v20 =	vadd.f32 v20, v51;
	v51 =	vmul.f32 v41, v39  }
0x106: {  	v35 =	vld [tilespmem:s25+$0xB10];
	v24 =	vadd.f32 v24, v52;
	v29 =	vmul.f32 v37, v28;
	v31 =	vmul.f32 v32, v40  }
0x107: {  	v52 =	vld [tilespmem:s25+$0xB30];
	v39 =	vperm.xlane v4, v0;
	v48 =	vperm.xlane v6, v1  }
0x108: {  	v30 =	vld [tilespmem:s25+$0xB00];
	v58 =	vperm.xlane v24, v3;
	v27 =	vadd.f32 v27, v56;
	v12 =	vadd.f32 v12, v47  }
0x109: {  	v32 =	vld [tilespmem:s25+$0xBB0];
	v56 =	vmul.f32 v46, v44;
	v15 =	vadd.f32 v15, v49;
	v6 =	vadd.f32 v6, v48  }
0x10a: {  	v57 =	vperm.xlane v20, v1;
	v47 =	vld [tilespmem:s25+$0x1B00];
	v4 =	vadd.f32 v4, v39;
	v53 =	vperm.xlane v12, v2  }
0x10b: {  	v49 =	vld [tilespmem:s25+$0x1B20];
	v24 =	vadd.f32 v24, v58;
	v55 =	vperm.xlane v15, v1;
	v54 =	vperm.xlane v6, v2  }
0x10c: {  	v27 =	vsel vm3, v33, v27;
	v58 =	vld [tilespmem:s25+$0x1B80];
	v20 =	vadd.f32 v20, v57;
	v12 =	vadd.f32 v12, v53  }
0x10d: {  	v48 =	vmul.f32 v36, v43;
	v57 =	vld [tilespmem:s25+$0xB80];
	v15 =	vadd.f32 v15, v55;
	v6 =	vadd.f32 v6, v54  }
0x10e: {  	v36 =	vld [tilespmem:s25+$0x1BB0];
	v24 =	vsel vm4, v27, v24;
	v62 =	vperm.xlane v20, v2;
	v59 =	vperm.xlane v12, v3  }
0x10f: {  	v27 =	vld [tilespmem:s25+$0x1B10];
	v55 =	vadd.f32 v51, v48;
	v61 =	vperm.xlane v15, v2;
	v60 =	vperm.xlane v6, v3  }
0x110: {  	v34 =	vmul.f32 v47, v30;
	v20 =	vadd.f32 v20, v62;
	v62 =	vld [tilespmem:s25+$0x1B90];
	v12 =	vadd.f32 v12, v59  }
0x111: {  	v8 =	vmul.f32 v49, v8;
	v15 =	vadd.f32 v15, v61;
	v6 =	vadd.f32 v6, v60;
	v60 =	vld [tilespmem:s25+$0xB90]  }
0x112: {  	v50 =	vperm.xlane v20, v3;
	v59 =	vadd.f32 v56, v55;
	v61 =	vmul.f32 v18, v26;
	v26 =	vld [tilespmem:s25+$0x1BA0]  }
0x113: {  	v10 =	vmul.f32 v58, v57;
	v12 =	vsel vm5, v24, v12;
	v45 =	vperm.xlane v15, v3;
	v24 =	vld [tilespmem:s25+$0xBA0]  }
0x114: {  	v53 =	vld [tilespmem:s25+$0x1B30];
	v40 =	vmul.f32 v36, v32;
	v54 =	vadd.f32 v20, v50;
	v9 =	vadd.f32 v11, v59  }
0x115: {  	v35 =	vmul.f32 v27, v35;
	v5 =	vadd.f32 v61, v5;
	v13 =	vadd.f32 v15, v45  }
0x116: {  	v11 =	vadd.f32 v21, v63;
	v6 =	vsel vm6, v12, v6;
	v12 =	vmul.f32 v62, v60  }
0x117: {  	v5 =	vadd.f32 v25, v5;
	v6 =	vsel vm7, v6, v13;
	v13 =	vadd.f32 v35, v34  }
0x118: {  	v11 =	vadd.f32 v29, v11;
	v37 =	vmul.f32 v26, v24;
	v10 =	vadd.f32 v12, v10  }
0x119: {  	v7 =	vmul.f32 v53, v52;
	v5 =	vadd.f32 v17, v5;
	v8 =	vadd.f32 v8, v13  }
0x11a: {  	v41 =	vperm.xlane v9, v0;
	v11 =	vadd.f32 v31, v11;
	v10 =	vadd.f32 v37, v10  }
0x11b: {  	v45 =	vperm.xlane v4, v1;
	v42 =	vperm.xlane v5, v0;
	v7 =	vadd.f32 v7, v8  }
0x11c: {  	v43 =	vadd.f32 v9, v41;
	v44 =	vperm.xlane v11, v0;
	v10 =	vadd.f32 v40, v10  }
0x11d: {  	v4 =	vadd.f32 v4, v45;
	v5 =	vadd.f32 v5, v42;
	v46 =	vperm.xlane v7, v0  }
0x11e: {  	v14 =	vperm.xlane v43, v1;
	v9 =	vadd.f32 v11, v44;
	v47 =	vperm.xlane v10, v0  }
0x11f: {  	v6 =	vsel vm8, v6, v54;
	v48 =	vperm.xlane v5, v1;
	v7 =	vadd.f32 v7, v46  }
0x120: {  	v8 =	vadd.f32 v43, v14;
	v49 =	vperm.xlane v9, v1;
	v10 =	vadd.f32 v10, v47  }
0x121: {  	v50 =	vperm.xlane v4, v2;
	v5 =	vadd.f32 v5, v48;
	v51 =	vperm.xlane v7, v1  }
0x122: {  	v14 =	vperm.xlane v8, v2;
	v9 =	vadd.f32 v9, v49;
	v52 =	vperm.xlane v10, v1  }
0x123: {  	v4 =	vadd.f32 v4, v50;
	v53 =	vperm.xlane v5, v2;
	v7 =	vadd.f32 v7, v51  }
0x124: {  	v8 =	vadd.f32 v8, v14;
	v54 =	vperm.xlane v9, v2;
	v10 =	vadd.f32 v10, v52  }
0x125: {  	v55 =	vperm.xlane v4, v3;
	v5 =	vadd.f32 v5, v53;
	v56 =	vperm.xlane v7, v2  }
0x126: {  	v14 =	vperm.xlane v8, v3;
	v9 =	vadd.f32 v9, v54;
	v57 =	vperm.xlane v10, v2  }
0x127: {  	v4 =	vadd.f32 v4, v55;
	v58 =	vperm.xlane v5, v3;
	v7 =	vadd.f32 v7, v56  }
0x128: {  	v8 =	vadd.f32 v8, v14;
	v59 =	vperm.xlane v9, v3;
	v10 =	vadd.f32 v10, v57  }
0x129: {  	s28 =	sshra.s32 s24, $0x2;
	s24 =	sadd.s32 $0x40, s24;
	v4 =	vsel vm9, v6, v4;
	v5 =	vadd.f32 v5, v58;
	v60 =	vperm.xlane v7, v3  }
0x12a: {  	p0 =	sne.s32 s24, $0x800;
	v4 =	vsel vm10, v4, v8;
	v61 =	vadd.f32 v9, v59;
	v62 =	vperm.xlane v10, v3  }
.Ltmp3:
0x12b: {  	v4 =	vsel vm11, v4, v5;
	v5 =	vadd.f32 v7, v60;
	(pc) =	sbr.rel @!p0 .LBB2_5-.Ltmp3, $4  }
0x12c: {  	v4 =	vsel vm12, v4, v61;
	v63 =	vadd.f32 v10, v62  }
0x12d: {  	v4 =	vsel vm13, v4, v5  }
0x12e: {  	v4 =	vsel vm14, v4, v63  }
0x12f: {  	s23 =	sadd.s32 $0x800, s23;
	[tilespmem:s28+$0x2400] =	vst v4  }
.LBB2_2:
0x130: {  	_ =	swait.ge [sflag:s19], $0x800;
	p0 =	seq.s32 s24, $0x7C0  }
.Ltmp4:
0x131: {  	[sflag:s19] =	ssyncset.done $0x0;
	(pc) =	sbr.rel @p0 .LBB2_4-.Ltmp4, $4  }
0x132: {  	[sflag:s19] =	ssyncadd.s32 $0xFFFFF800  }
0x133: {  	_ =	swait.ge [sflag:s20], $0x800  }
0x134: {  	[sflag:s20] =	ssyncset.done $0x0  }
0x135: {  	[sflag:s20] =	ssyncadd.s32 $0xFFFFF800  }
0x136: {  	s25 =	sshra.s32 s24, $0x2  }
0x137: {  	v4 =	vld [tilespmem:s25+$0x10];
	_ =	sdelay $0x3  }
0x138: {  	v6 =	vld [tilespmem:s25+$0x210]  }
0x139: {  	v5 =	vshll.u32 v4, $0x4  }
0x13a: {  	(v2sf) =	vpush v5, $0x0;
	_ =	sdelay $0x2  }
0x13b: {  	v4 =	vshll.u32 v6, $0x4  }
0x13c: {  	(v2sf) =	vpush v4, $0x0;
	_ =	sdelay $0x3  }
0x13d: {  	(v2sf) =	vpush v5, $0x1;
	_ =	sdelay $0x3  }
0x13e: {  	(v2sf) =	vpush v4, $0x1;
	_ =	sdelay $0x2  }
0x13f: {  	s26 =	spop (v2sf)  }
0x140: {  	s25 =	sand.u32 $0x800, s23;
	(v2sf) =	vpush v5, $0x2;
	s26 =	sand.u32 $0x1FFFFFF0, s26  }
0x141: {  	s28 =	sor.u32 $0x400, s25;
	s26 =	sadd.s32 s3, s26  }
0x142: {  	[tilespmem:s28], [sflag:$0x1] =	stream.linear.gather [hbm4b:s26+s1], $0x80, $0x38;
	[tilespmem:$0x2600] =	vst v63  }
0x143: {  	s28 =	spop (v2sf)  }
0x144: {  	(v2sf) =	vpush v4, $0x2;
	s26 =	sand.u32 $0x1FFFFFF0, s28  }
0x145: {  	s28 =	sor.u32 $0x1400, s25;
	s26 =	sadd.s32 s4, s26  }
0x146: {  	[tilespmem:s28], [sflag:$0x2] =	stream.linear.gather [hbm4b:s26+s1], $0x80, $0x38;
	[tilespmem:$0x2600] =	vst v63  }
0x147: {  	s28 =	spop (v2sf)  }
0x148: {  	(v2sf) =	vpush v5, $0x3;
	s26 =	sand.u32 $0x1FFFFFF0, s28  }
0x149: {  	s28 =	sor.u32 $0x480, s25;
	s26 =	sadd.s32 s3, s26  }
0x14a: {  	[tilespmem:s28], [sflag:$0x1] =	stream.linear.gather [hbm4b:s26+s1], $0x80, $0x38;
	[tilespmem:$0x2600] =	vst v63  }
0x14b: {  	s28 =	spop (v2sf)  }
0x14c: {  	(v2sf) =	vpush v4, $0x3;
	s26 =	sand.u32 $0x1FFFFFF0, s28  }
0x14d: {  	s28 =	sor.u32 $0x1480, s25;
	s26 =	sadd.s32 s4, s26  }
0x14e: {  	[tilespmem:s28], [sflag:$0x2] =	stream.linear.gather [hbm4b:s26+s1], $0x80, $0x38;
	[tilespmem:$0x2600] =	vst v63  }
0x14f: {  	s28 =	spop (v2sf)  }
0x150: {  	(v2sf) =	vpush v5, $0x4;
	s26 =	sand.u32 $0x1FFFFFF0, s28  }
0x151: {  	s28 =	sor.u32 $0x500, s25;
	s26 =	sadd.s32 s3, s26  }
0x152: {  	[tilespmem:s28], [sflag:$0x1] =	stream.linear.gather [hbm4b:s26+s1], $0x80, $0x38;
	[tilespmem:$0x2600] =	vst v63  }
0x153: {  	s28 =	spop (v2sf)  }
0x154: {  	(v2sf) =	vpush v4, $0x4;
	s26 =	sand.u32 $0x1FFFFFF0, s28  }
0x155: {  	s28 =	sor.u32 $0x1500, s25;
	s26 =	sadd.s32 s4, s26  }
0x156: {  	[tilespmem:s28], [sflag:$0x2] =	stream.linear.gather [hbm4b:s26+s1], $0x80, $0x38;
	[tilespmem:$0x2600] =	vst v63  }
0x157: {  	s28 =	spop (v2sf)  }
0x158: {  	(v2sf) =	vpush v5, $0x5;
	s26 =	sand.u32 $0x1FFFFFF0, s28  }
0x159: {  	s28 =	sor.u32 $0x580, s25;
	s26 =	sadd.s32 s3, s26  }
0x15a: {  	[tilespmem:s28], [sflag:$0x1] =	stream.linear.gather [hbm4b:s26+s1], $0x80, $0x38;
	[tilespmem:$0x2600] =	vst v63  }
0x15b: {  	s28 =	spop (v2sf)  }
0x15c: {  	(v2sf) =	vpush v4, $0x5;
	s26 =	sand.u32 $0x1FFFFFF0, s28  }
0x15d: {  	s28 =	sor.u32 $0x1580, s25;
	s26 =	sadd.s32 s4, s26  }
0x15e: {  	[tilespmem:s28], [sflag:$0x2] =	stream.linear.gather [hbm4b:s26+s1], $0x80, $0x38;
	[tilespmem:$0x2600] =	vst v63  }
0x15f: {  	s28 =	spop (v2sf)  }
0x160: {  	(v2sf) =	vpush v5, $0x6;
	s26 =	sand.u32 $0x1FFFFFF0, s28  }
0x161: {  	s28 =	sor.u32 $0x600, s25;
	s26 =	sadd.s32 s3, s26  }
0x162: {  	[tilespmem:s28], [sflag:$0x1] =	stream.linear.gather [hbm4b:s26+s1], $0x80, $0x38;
	[tilespmem:$0x2600] =	vst v63  }
0x163: {  	s28 =	spop (v2sf)  }
0x164: {  	(v2sf) =	vpush v4, $0x6;
	s26 =	sand.u32 $0x1FFFFFF0, s28  }
0x165: {  	s28 =	sor.u32 $0x1600, s25;
	s26 =	sadd.s32 s4, s26  }
0x166: {  	[tilespmem:s28], [sflag:$0x2] =	stream.linear.gather [hbm4b:s26+s1], $0x80, $0x38;
	[tilespmem:$0x2600] =	vst v63  }
0x167: {  	s28 =	spop (v2sf)  }
0x168: {  	(v2sf) =	vpush v5, $0x7;
	s26 =	sand.u32 $0x1FFFFFF0, s28  }
0x169: {  	s28 =	sor.u32 $0x680, s25;
	s26 =	sadd.s32 s3, s26  }
0x16a: {  	[tilespmem:s28], [sflag:$0x1] =	stream.linear.gather [hbm4b:s26+s1], $0x80, $0x38;
	[tilespmem:$0x2600] =	vst v63  }
0x16b: {  	s28 =	spop (v2sf)  }
0x16c: {  	(v2sf) =	vpush v4, $0x7;
	s26 =	sand.u32 $0x1FFFFFF0, s28  }
0x16d: {  	s28 =	sor.u32 $0x1680, s25;
	s26 =	sadd.s32 s4, s26  }
0x16e: {  	[tilespmem:s28], [sflag:$0x2] =	stream.linear.gather [hbm4b:s26+s1], $0x80, $0x38;
	[tilespmem:$0x2600] =	vst v63  }
0x16f: {  	s28 =	spop (v2sf)  }
0x170: {  	(v2sf) =	vpush v5, $0x8;
	s26 =	sand.u32 $0x1FFFFFF0, s28  }
0x171: {  	s28 =	sor.u32 $0x700, s25;
	s26 =	sadd.s32 s3, s26  }
0x172: {  	[tilespmem:s28], [sflag:$0x1] =	stream.linear.gather [hbm4b:s26+s1], $0x80, $0x38;
	[tilespmem:$0x2600] =	vst v63  }
0x173: {  	s28 =	spop (v2sf)  }
0x174: {  	(v2sf) =	vpush v4, $0x8;
	s26 =	sand.u32 $0x1FFFFFF0, s28  }
0x175: {  	s28 =	sor.u32 $0x1700, s25;
	s26 =	sadd.s32 s4, s26  }
0x176: {  	[tilespmem:s28], [sflag:$0x2] =	stream.linear.gather [hbm4b:s26+s1], $0x80, $0x38;
	[tilespmem:$0x2600] =	vst v63  }
0x177: {  	s28 =	spop (v2sf)  }
0x178: {  	(v2sf) =	vpush v5, $0x9;
	s26 =	sand.u32 $0x1FFFFFF0, s28  }
0x179: {  	s28 =	sor.u32 $0x780, s25;
	s26 =	sadd.s32 s3, s26  }
0x17a: {  	[tilespmem:s28], [sflag:$0x1] =	stream.linear.gather [hbm4b:s26+s1], $0x80, $0x38;
	[tilespmem:$0x2600] =	vst v63  }
0x17b: {  	s28 =	spop (v2sf)  }
0x17c: {  	(v2sf) =	vpush v4, $0x9;
	s26 =	sand.u32 $0x1FFFFFF0, s28  }
0x17d: {  	s28 =	sor.u32 $0x1780, s25;
	s26 =	sadd.s32 s4, s26  }
0x17e: {  	[tilespmem:s28], [sflag:$0x2] =	stream.linear.gather [hbm4b:s26+s1], $0x80, $0x38;
	[tilespmem:$0x2600] =	vst v63  }
0x17f: {  	s28 =	spop (v2sf)  }
0x180: {  	(v2sf) =	vpush v5, $0xA;
	s26 =	sand.u32 $0x1FFFFFF0, s28  }
0x181: {  	s28 =	sadd.s32 $0x800, s25;
	s26 =	sadd.s32 s3, s26  }
0x182: {  	[tilespmem:s28], [sflag:$0x1] =	stream.linear.gather [hbm4b:s26+s1], $0x80, $0x38;
	[tilespmem:$0x2600] =	vst v63  }
0x183: {  	s28 =	spop (v2sf)  }
0x184: {  	(v2sf) =	vpush v4, $0xA;
	s26 =	sand.u32 $0x1FFFFFF0, s28  }
0x185: {  	s28 =	sadd.s32 $0x1800, s25;
	s26 =	sadd.s32 s4, s26  }
0x186: {  	[tilespmem:s28], [sflag:$0x2] =	stream.linear.gather [hbm4b:s26+s1], $0x80, $0x38;
	[tilespmem:$0x2600] =	vst v63  }
0x187: {  	s28 =	spop (v2sf)  }
0x188: {  	(v2sf) =	vpush v5, $0xB;
	s26 =	sand.u32 $0x1FFFFFF0, s28  }
0x189: {  	s28 =	sadd.s32 $0x880, s25;
	s26 =	sadd.s32 s3, s26  }
0x18a: {  	[tilespmem:s28], [sflag:$0x1] =	stream.linear.gather [hbm4b:s26+s1], $0x80, $0x38;
	[tilespmem:$0x2600] =	vst v63  }
0x18b: {  	s28 =	spop (v2sf)  }
0x18c: {  	(v2sf) =	vpush v4, $0xB;
	s26 =	sand.u32 $0x1FFFFFF0, s28  }
0x18d: {  	s28 =	sadd.s32 $0x1880, s25;
	s26 =	sadd.s32 s4, s26  }
0x18e: {  	[tilespmem:s28], [sflag:$0x2] =	stream.linear.gather [hbm4b:s26+s1], $0x80, $0x38;
	[tilespmem:$0x2600] =	vst v63  }
0x18f: {  	s28 =	spop (v2sf)  }
0x190: {  	(v2sf) =	vpush v5, $0xC;
	s26 =	sand.u32 $0x1FFFFFF0, s28  }
0x191: {  	s28 =	sadd.s32 $0x900, s25;
	s26 =	sadd.s32 s3, s26  }
0x192: {  	[tilespmem:s28], [sflag:$0x1] =	stream.linear.gather [hbm4b:s26+s1], $0x80, $0x38;
	[tilespmem:$0x2600] =	vst v63  }
0x193: {  	s28 =	spop (v2sf)  }
0x194: {  	(v2sf) =	vpush v4, $0xC;
	s26 =	sand.u32 $0x1FFFFFF0, s28  }
0x195: {  	s28 =	sadd.s32 $0x1900, s25;
	s26 =	sadd.s32 s4, s26  }
0x196: {  	[tilespmem:s28], [sflag:$0x2] =	stream.linear.gather [hbm4b:s26+s1], $0x80, $0x38;
	[tilespmem:$0x2600] =	vst v63  }
0x197: {  	s28 =	spop (v2sf)  }
0x198: {  	(v2sf) =	vpush v5, $0xD;
	s26 =	sand.u32 $0x1FFFFFF0, s28  }
0x199: {  	s28 =	sadd.s32 $0x980, s25;
	s26 =	sadd.s32 s3, s26  }
0x19a: {  	[tilespmem:s28], [sflag:$0x1] =	stream.linear.gather [hbm4b:s26+s1], $0x80, $0x38;
	[tilespmem:$0x2600] =	vst v63  }
0x19b: {  	s28 =	spop (v2sf)  }
0x19c: {  	(v2sf) =	vpush v4, $0xD;
	s26 =	sand.u32 $0x1FFFFFF0, s28  }
0x19d: {  	s28 =	sadd.s32 $0x1980, s25;
	s26 =	sadd.s32 s4, s26  }
0x19e: {  	[tilespmem:s28], [sflag:$0x2] =	stream.linear.gather [hbm4b:s26+s1], $0x80, $0x38;
	[tilespmem:$0x2600] =	vst v63  }
0x19f: {  	s28 =	spop (v2sf)  }
0x1a0: {  	(v2sf) =	vpush v5, $0xE;
	s26 =	sand.u32 $0x1FFFFFF0, s28  }
0x1a1: {  	s28 =	sadd.s32 $0xA00, s25;
	s26 =	sadd.s32 s3, s26  }
0x1a2: {  	[tilespmem:s28], [sflag:$0x1] =	stream.linear.gather [hbm4b:s26+s1], $0x80, $0x38;
	[tilespmem:$0x2600] =	vst v63  }
0x1a3: {  	s28 =	spop (v2sf)  }
0x1a4: {  	(v2sf) =	vpush v4, $0xE;
	s26 =	sand.u32 $0x1FFFFFF0, s28  }
0x1a5: {  	s28 =	sadd.s32 $0x1A00, s25;
	s26 =	sadd.s32 s4, s26  }
0x1a6: {  	[tilespmem:s28], [sflag:$0x2] =	stream.linear.gather [hbm4b:s26+s1], $0x80, $0x38;
	[tilespmem:$0x2600] =	vst v63  }
0x1a7: {  	s28 =	spop (v2sf)  }
0x1a8: {  	(v2sf) =	vpush v5, $0xF;
	s26 =	sand.u32 $0x1FFFFFF0, s28  }
0x1a9: {  	s28 =	sadd.s32 $0xA80, s25;
	s26 =	sadd.s32 s3, s26  }
0x1aa: {  	[tilespmem:s28], [sflag:$0x1] =	stream.linear.gather [hbm4b:s26+s1], $0x80, $0x38;
	[tilespmem:$0x2600] =	vst v63  }
0x1ab: {  	s28 =	spop (v2sf)  }
0x1ac: {  	s26 =	sand.u32 $0x1FFFFFF0, s28  }
0x1ad: {  	(v2sf) =	vpush v4, $0xF;
	s28 =	sadd.s32 $0x1A80, s25;
	s26 =	sadd.s32 s4, s26  }
0x1ae: {  	[tilespmem:s28], [sflag:$0x2] =	stream.linear.gather [hbm4b:s26+s1], $0x80, $0x38;
	[tilespmem:$0x2600] =	vst v63  }
0x1af: {  	s28 =	spop (v2sf)  }
0x1b0: {  	s26 =	sand.u32 $0x1FFFFFF0, s28  }
0x1b1: {  	s28 =	sadd.s32 $0xB00, s25;
	s26 =	sadd.s32 s3, s26  }
0x1b2: {  	[tilespmem:s28], [sflag:$0x1] =	stream.linear.gather [hbm4b:s26+s1], $0x80, $0x38;
	[tilespmem:$0x2600] =	vst v63  }
0x1b3: {  	s28 =	spop (v2sf)  }
0x1b4: {  	s26 =	sand.u32 $0x1FFFFFF0, s28  }
0x1b5: {  	s28 =	sadd.s32 $0x1B00, s25;
	s26 =	sadd.s32 s4, s26  }
0x1b6: {  	[tilespmem:s28], [sflag:$0x2] =	stream.linear.gather [hbm4b:s26+s1], $0x80, $0x38;
	[tilespmem:$0x2600] =	vst v63  }
0x1b7: {  	s28 =	spop (v2sf)  }
0x1b8: {  	s26 =	sand.u32 $0x1FFFFFF0, s28  }
0x1b9: {  	s28 =	sadd.s32 $0xB80, s25;
	s26 =	sadd.s32 s3, s26  }
0x1ba: {  	[tilespmem:s28], [sflag:$0x1] =	stream.linear.gather [hbm4b:s26+s1], $0x80, $0x38;
	[tilespmem:$0x2600] =	vst v63  }
.Ltmp5:
0x1bb: {  	_ = 	snop;
	(pc) =	sbr.rel .LBB2_4-.Ltmp5, $4  }
0x1bc: {  	s28 =	spop (v2sf)  }
0x1bd: {  	s26 =	sand.u32 $0x1FFFFFF0, s28  }
0x1be: {  	s25 =	sadd.s32 $0x1B80, s25;
	s26 =	sadd.s32 s4, s26  }
0x1bf: {  	[tilespmem:s25], [sflag:$0x2] =	stream.linear.gather [hbm4b:s26+s1], $0x80, $0x38;
	[tilespmem:$0x2600] =	vst v63  }
.LBB2_6:
0x1c0: {  	_ =	sfence.sel $0x180000  }
0x1c1: {  	[bflag:$0x0] =	sbarrier.arrive $0xFFFF  }
0x1c2: {  	_ =	strace $0x90000047  }
0x1c3: {  	s0 =	stileid.u32;
	[bflag:$0x2] =	sbarrier.arrive $0xFFFF  }
0x1c4: {  	p0 =	sne.s32 s0, $0x0;
	s0 =	rddreg [dreg:$0x4]  }
0x1c5: {  	s0 =	sadd.s32 @!p0 $0x100000, s0  }
0x1c6: {  	[sflag:s0] =	ssyncadd.tile.s32 @!p0 $0x1;
	_ =	shalt  }
.Lfunc_end2:
_tile_overlayer_lowered:
.L_overlay_start_2:
0x1c7: {  	(tag) =	ssettag $0x2  }
0x1c8: {  	s0 =	rddreg [dreg:$0x0];
	s2 =	stileid.u32  }
0x1c9: {  	s1 =	rddreg [dreg:$0x1];
	p0 =	sne.s32 s2, $0x0  }
0x1ca: {  	s3 =	rddreg [dreg:$0x2];
	[bflag:$0x3] =	sbarrier.arrive $0xFFFF;
	s2 =	simm.s32 @!p0 $0x1C03  }
0x1cb: {  	[timem:s3], [sflag:s2] =	dma.local @!p0 [hbm:s0], s1  }
0x1cc: {  	s0 =	simm.s32 @!p0 $0x3  }
0x1cd: {  	_ =	swait.ge @!p0 [sflag:s0], s1  }
0x1ce: {  	s1 =	ssub.s32 @!p0 $0x0, s1;
	[sflag:s0] =	ssyncset.done @!p0 $0x0  }
0x1cf: {  	[sflag:s0] =	ssyncadd.s32 @!p0 s1  }
0x1d0: {  	[bflag:$0x3] =	sbarrier.arrive $0xFFFF  }
0x1d1: {  	_ =	shalt  }

</sc_bundles>
